<compile_context>
chip_gen: v7x
topology: tpu7x:2x2x1
jax: 0.10.2.dev20260603
libtpu: 0.0.44.dev20260713+nightly
codegen_flags: <defaults>
</compile_context>

<pallas_src>
import jax
import jax.numpy as jnp
from jax import lax
from jax.experimental import pallas as pl
from jax.experimental.pallas import tpu as pltpu
from jax.experimental.pallas import tpu_sc as plsc

_B = 16384
_N_NUM = 13
_N_CAT = 26
_VOCAB = 100000
_D = 16
_L = 16
_TOK = _N_NUM + _N_CAT

_NC = 2
_NS = 16
_NW = _NC * _NS

_CAT_JOBS_PER_W = (_N_CAT * _D) // _NW
_NUM_JOBS = _N_NUM * _D

_BC = 4096
_NCH = _B // _BC
_GRP = _BC // _L
_NBC = 2048
_NNCH = _B // _NBC
_NGRP = _NBC // _L


def _sc_body(xnum_hbm, xcat_hbm, wflat_hbm, bflat_hbm, tab_hbm, out_hbm,
             tslice, idxb, obuf, nbuf, wv, bv,
             sem_t, sem_i, sem_o0, sem_o1, sem_n0, sem_n1):
    wid = lax.axis_index("s") * _NC + lax.axis_index("c")

    pltpu.sync_copy(wflat_hbm, wv)
    pltpu.sync_copy(bflat_hbm, bv)

    def num_chunk(c):
        fn = wid
        boff = c * _NBC
        xsl = obuf.at[0, pl.ds(0, _NBC)]
        pltpu.sync_copy(xnum_hbm.at[fn, pl.ds(boff, _NBC)], xsl)
        for dd in range(_D):
            sl = dd % 2
            sem_n = sem_n0 if sl == 0 else sem_n1
            if dd >= 2:
                pltpu.make_async_copy(nbuf.at[sl], out_hbm.at[0, 0, pl.ds(0, _NBC)],
                                      sem_n).wait()
            sel = lax.broadcast_in_dim(fn * _D + dd, (_L,), ())
            ws = plsc.load_gather(wv, [sel])
            bs = plsc.load_gather(bv, [sel])

            @plsc.parallel_loop(0, _NGRP, unroll=4)
            def _(g):
                base = g * _L
                nbuf[sl, pl.ds(base, _L)] = obuf[0, pl.ds(base, _L)] * ws + bs

            pltpu.async_copy(nbuf.at[sl], out_hbm.at[fn, dd, pl.ds(boff, _NBC)],
                             sem_n)
        pltpu.make_async_copy(nbuf.at[0], out_hbm.at[0, 0, pl.ds(0, _NBC)],
                              sem_n0).wait()
        pltpu.make_async_copy(nbuf.at[1], out_hbm.at[0, 0, pl.ds(0, _NBC)],
                              sem_n1).wait()

    def cat_iter(i, prev_f):
        j = _CAT_JOBS_PER_W * wid + i
        f = lax.div(j, _D)
        d = lax.rem(j, _D)

        pltpu.async_copy(tab_hbm.at[f, d, :], tslice, sem_t)
        new_f = f != prev_f

        @pl.when(new_f)
        def _():
            pltpu.async_copy(xcat_hbm.at[f, :], idxb, sem_i)

        @pl.when(jnp.logical_and(wid < _N_NUM, i < _NNCH))
        def _():
            num_chunk(i)

        @pl.when(new_f)
        def _():
            pltpu.make_async_copy(xcat_hbm.at[f, :], idxb, sem_i).wait()

        pltpu.make_async_copy(tab_hbm.at[f, d, :], tslice, sem_t).wait()

        for c in range(_NCH):
            sl = c % 2
            sem_o = sem_o0 if sl == 0 else sem_o1
            if c >= 2:
                pltpu.make_async_copy(obuf.at[sl], out_hbm.at[0, 0, pl.ds(0, _BC)],
                                      sem_o).wait()
            cbase = c * _BC

            @plsc.parallel_loop(0, _GRP, unroll=4)
            def _(g):
                base = g * _L
                iv = idxb[pl.ds(cbase + base, _L)]
                obuf[sl, pl.ds(base, _L)] = plsc.load_gather(tslice, [iv])

            pltpu.async_copy(obuf.at[sl],
                             out_hbm.at[_N_NUM + f, d, pl.ds(cbase, _BC)], sem_o)
        pltpu.make_async_copy(obuf.at[0], out_hbm.at[0, 0, pl.ds(0, _BC)],
                              sem_o0).wait()
        pltpu.make_async_copy(obuf.at[1], out_hbm.at[0, 0, pl.ds(0, _BC)],
                              sem_o1).wait()
        return f

    lax.fori_loop(0, _CAT_JOBS_PER_W, cat_iter, jnp.int32(-1))


@jax.jit
def _sc_tokenize(xnum_t, xcat_t, wflat, bflat, tab_t):
    mesh = plsc.VectorSubcoreMesh(core_axis_name="c", subcore_axis_name="s")
    k = pl.kernel(
        _sc_body,
        out_type=jax.ShapeDtypeStruct((_TOK, _D, _B), jnp.float32),
        mesh=mesh,
        compiler_params=pltpu.CompilerParams(needs_layout_passes=False),
        scratch_types=[
            pltpu.VMEM((_VOCAB,), jnp.float32),
            pltpu.VMEM((_B,), jnp.int32),
            pltpu.VMEM((2, _BC), jnp.float32),
            pltpu.VMEM((2, _NBC), jnp.float32),
            pltpu.VMEM((_NUM_JOBS,), jnp.float32),
            pltpu.VMEM((_NUM_JOBS,), jnp.float32),
            pltpu.SemaphoreType.DMA,
            pltpu.SemaphoreType.DMA,
            pltpu.SemaphoreType.DMA,
            pltpu.SemaphoreType.DMA,
            pltpu.SemaphoreType.DMA,
            pltpu.SemaphoreType.DMA,
        ],
    )
    return k(xnum_t, xcat_t, wflat, bflat, tab_t)


def kernel(x_num, x_cat, W_num, b_num, tables):
    xnum_t = x_num.T
    xcat_t = x_cat.T.astype(jnp.int32)
    tab_t = jnp.transpose(tables, (0, 2, 1))
    wflat = W_num.reshape(-1)
    bflat = b_num.reshape(-1)
    out_t = _sc_tokenize(xnum_t, xcat_t, wflat, bflat, tab_t)
    return jnp.transpose(out_t, (2, 0, 1))

# --- scband reference (transcript-rebuilt; emitter-appended) ---
"""Pipeline reference for scband-feature-tokenizer-22548578304376 (READ-ONLY COPY).

The authoritative reference and input builder live on the scoring server;
editing this copy changes nothing except your own understanding.
"""

import jax, jax.numpy as jnp
import numpy as np

B = 16384
N_NUM = 13
N_CAT = 26
VOCAB = 100000
D = 16

def setup_inputs(seed: int = 0) -> dict:
    key = jax.random.key(seed)
    k1, k2, k3, k4, k5 = jax.random.split(key, 5)
    x_num = jax.random.normal(k1, (B, N_NUM), dtype=jnp.float32)
    x_cat = jax.random.randint(k2, (B, N_CAT), 0, VOCAB, dtype=jnp.int64)
    # nn.Linear(1, d_token) per numeric feature: weight [d,1] -> stored as [N_NUM, D], bias [N_NUM, D]
    W_num = jax.random.normal(k3, (N_NUM, D), dtype=jnp.float32) * 0.02
    b_num = jax.random.normal(k4, (N_NUM, D), dtype=jnp.float32) * 0.02
    # one embedding table per categorical field, stacked: [N_CAT, VOCAB, D]
    tables = jax.random.normal(k5, (N_CAT, VOCAB, D), dtype=jnp.float32) * 0.02
    return {"x_num": x_num, "x_cat": x_cat, "W_num": W_num, "b_num": b_num, "tables": tables}

def reference(x_num, x_cat, W_num, b_num, tables):
    # numerical tokens: for each feature i, Linear(1->D): x[:, i:i+1] @ W_i^T + b_i
    # vectorized: [B, N_NUM, 1] * [1, N_NUM, D] + [1, N_NUM, D] -> [B, N_NUM, D]
    num_tokens = x_num[:, :, None] * W_num[None, :, :] + b_num[None, :, :]
    # categorical tokens: gather per field from stacked tables -> [B, N_CAT, D]
    field_idx = jnp.arange(N_CAT)[None, :]  # [1, N_CAT]
    cat_tokens = tables[field_idx, x_cat]   # advanced indexing broadcast -> [B, N_CAT, D]
    tokens = jnp.concatenate([num_tokens, cat_tokens], axis=1)  # [B, N_NUM+N_CAT, D]
    return tokens

if __name__ == "__main__":
    import jax
    _d = setup_inputs()
    print(jax.jit(kernel)(*tuple(_d.values())))

</pallas_src>

<mosaic_0001>
#map = affine_map<(d0, d1) -> (0, 0)>
#map1 = affine_map<(d0, d1) -> (0)>
#map2 = affine_map<(d0, d1) -> (0, 0, 0)>
module attributes {stable_mosaic.version = 14 : i64} {
  func.func @_sc_body(%arg0: i32, %arg1: i32, %arg2: memref<13x16384xf32, #tpu.memory_space<hbm>>, %arg3: memref<26x16384xi32, #tpu.memory_space<hbm>>, %arg4: memref<208xf32, #tpu.memory_space<hbm>>, %arg5: memref<208xf32, #tpu.memory_space<hbm>>, %arg6: memref<26x16x100000xf32, #tpu.memory_space<hbm>>, %arg7: memref<39x16x16384xf32, #tpu.memory_space<hbm>>, %arg8: memref<100000xf32, #tpu.memory_space<vmem>>, %arg9: memref<16384xi32, #tpu.memory_space<vmem>>, %arg10: memref<2x4096xf32, #tpu.memory_space<vmem>>, %arg11: memref<2x2048xf32, #tpu.memory_space<vmem>>, %arg12: memref<208xf32, #tpu.memory_space<vmem>>, %arg13: memref<208xf32, #tpu.memory_space<vmem>>, %arg14: memref<!tpu.dma_semaphore, #tpu.memory_space<semaphore_mem>>, %arg15: memref<!tpu.dma_semaphore, #tpu.memory_space<semaphore_mem>>, %arg16: memref<!tpu.dma_semaphore, #tpu.memory_space<semaphore_mem>>, %arg17: memref<!tpu.dma_semaphore, #tpu.memory_space<semaphore_mem>>, %arg18: memref<!tpu.dma_semaphore, #tpu.memory_space<semaphore_mem>>, %arg19: memref<!tpu.dma_semaphore, #tpu.memory_space<semaphore_mem>>) attributes {dimension_semantics = [#tpu.dimension_semantics<core_parallel>, #tpu.dimension_semantics<subcore_parallel>], iteration_bounds = array<i64: 2, 16>, scalar_prefetch = 0 : i64, scratch_operands = 12 : i64, tpu.core_type = #tpu.core_type<sc_vector_subcore>, window_params = [{transform_indices = #map}, {transform_indices = #map}, {transform_indices = #map1}, {transform_indices = #map1}, {transform_indices = #map2}, {transform_indices = #map2}]} {
    %mul3A = arith.constant 2 : i32
    %mul3A_0 = arith.muli %arg1, %mul3A : i32
    %add3A = arith.addi %mul3A_0, %arg0 : i32
    "tpu.region"() ({
      %run_scoped3A = tpu.sem_alloc : memref<!tpu.dma_semaphore, #tpu.memory_space<semaphore_mem>>
      tpu.enqueue_dma source(%arg4 : memref<208xf32, #tpu.memory_space<hbm>>) target(%arg12 : memref<208xf32, #tpu.memory_space<vmem>>) target_semaphore(%run_scoped3A : memref<!tpu.dma_semaphore, #tpu.memory_space<semaphore_mem>>)
      tpu.wait_dma2 semaphore(%run_scoped3A : memref<!tpu.dma_semaphore, #tpu.memory_space<semaphore_mem>>) src(%arg4 : memref<208xf32, #tpu.memory_space<hbm>>) dst(%arg12 : memref<208xf32, #tpu.memory_space<vmem>>)
      tpu.yield
    }) : () -> ()
    "tpu.region"() ({
      %run_scoped3A = tpu.sem_alloc : memref<!tpu.dma_semaphore, #tpu.memory_space<semaphore_mem>>
      tpu.enqueue_dma source(%arg5 : memref<208xf32, #tpu.memory_space<hbm>>) target(%arg13 : memref<208xf32, #tpu.memory_space<vmem>>) target_semaphore(%run_scoped3A : memref<!tpu.dma_semaphore, #tpu.memory_space<semaphore_mem>>)
      tpu.wait_dma2 semaphore(%run_scoped3A : memref<!tpu.dma_semaphore, #tpu.memory_space<semaphore_mem>>) src(%arg5 : memref<208xf32, #tpu.memory_space<hbm>>) dst(%arg13 : memref<208xf32, #tpu.memory_space<vmem>>)
      tpu.yield
    }) : () -> ()
    %scan3A = arith.constant -1 : i32
    %scan3A_1 = arith.constant 0 : i32
    %scan3A_2 = arith.constant 13 : i32
    %scan3A_3 = arith.addi %scan3A_1, %scan3A_2 : i32
    %scan3A_4 = arith.constant 1 : i32
    %scan3A_5 = scf.for %scan3A_7 = %scan3A_1 to %scan3A_3 step %scan3A_4 iter_args(%scan3A_8 = %scan3A) -> (i32)  : i32 {
      %mul3A_9 = arith.constant 13 : i32
      %mul3A_10 = arith.muli %mul3A_9, %add3A : i32
      %add3A_11 = arith.addi %mul3A_10, %scan3A_7 : i32
      %div3A = arith.constant 16 : i32
      %div3A_12 = arith.divsi %add3A_11, %div3A : i32
      %rem3A = arith.constant 16 : i32
      %rem3A_13 = arith.remsi %add3A_11, %rem3A : i32
      %dma_start3A = arith.constant 0 : i32
      %dma_start3A_14 = tpu.memref_slice %arg6[%div3A_12, %rem3A_13, %dma_start3A] : memref<26x16x100000xf32, #tpu.memory_space<hbm>> -> memref<1x1x100000xf32, #tpu.memory_space<hbm>>
      %dma_start3A_15 = tpu.memref_squeeze %dma_start3A_14 : memref<1x1x100000xf32, #tpu.memory_space<hbm>> -> memref<100000xf32, #tpu.memory_space<hbm>>
      %dma_start3A_16 = arith.constant 0 : i32
      %dma_start3A_17 = tpu.memref_slice %arg6[%div3A_12, %rem3A_13, %dma_start3A_16] : memref<26x16x100000xf32, #tpu.memory_space<hbm>> -> memref<1x1x100000xf32, #tpu.memory_space<hbm>>
      %dma_start3A_18 = tpu.memref_squeeze %dma_start3A_17 : memref<1x1x100000xf32, #tpu.memory_space<hbm>> -> memref<100000xf32, #tpu.memory_space<hbm>>
      tpu.enqueue_dma source(%dma_start3A_18 : memref<100000xf32, #tpu.memory_space<hbm>>) target(%arg8 : memref<100000xf32, #tpu.memory_space<vmem>>) target_semaphore(%arg14 : memref<!tpu.dma_semaphore, #tpu.memory_space<semaphore_mem>>)
      %ne3A = arith.cmpi ne, %div3A_12, %scan3A_8 : i32
      %convert_element_type3A = arith.extui %ne3A : i1 to i32
      %cond3A = arith.constant 0 : i32
      %cond3A_19 = arith.cmpi ne, %convert_element_type3A, %cond3A : i32
      scf.if %cond3A_19 {
        %dma_start3A_165 = arith.constant 0 : i32
        %dma_start3A_166 = tpu.memref_slice %arg3[%div3A_12, %dma_start3A_165] : memref<26x16384xi32, #tpu.memory_space<hbm>> -> memref<1x16384xi32, #tpu.memory_space<hbm>>
        %dma_start3A_167 = tpu.memref_squeeze %dma_start3A_166 : memref<1x16384xi32, #tpu.memory_space<hbm>> -> memref<16384xi32, #tpu.memory_space<hbm>>
        %dma_start3A_168 = arith.constant 0 : i32
        %dma_start3A_169 = tpu.memref_slice %arg3[%div3A_12, %dma_start3A_168] : memref<26x16384xi32, #tpu.memory_space<hbm>> -> memref<1x16384xi32, #tpu.memory_space<hbm>>
        %dma_start3A_170 = tpu.memref_squeeze %dma_start3A_169 : memref<1x16384xi32, #tpu.memory_space<hbm>> -> memref<16384xi32, #tpu.memory_space<hbm>>
        tpu.enqueue_dma source(%dma_start3A_170 : memref<16384xi32, #tpu.memory_space<hbm>>) target(%arg9 : memref<16384xi32, #tpu.memory_space<vmem>>) target_semaphore(%arg15 : memref<!tpu.dma_semaphore, #tpu.memory_space<semaphore_mem>>)
      } else {
      }
      %lt3A = arith.constant 13 : i32
      %lt3A_20 = arith.cmpi slt, %add3A, %lt3A : i32
      %lt3A_21 = arith.constant 8 : i32
      %lt3A_22 = arith.cmpi slt, %scan3A_7, %lt3A_21 : i32
      %and3A = arith.andi %lt3A_20, %lt3A_22 : i1
      %convert_element_type3A_23 = arith.extui %and3A : i1 to i32
      %cond3A_24 = arith.constant 0 : i32
      %cond3A_25 = arith.cmpi ne, %convert_element_type3A_23, %cond3A_24 : i32
      scf.if %cond3A_25 {
        %mul3A_165 = arith.constant 2048 : i32
        %mul3A_166 = arith.muli %scan3A_7, %mul3A_165 : i32
        %run_scoped3A = arith.constant 0 : i32
        "tpu.region"() ({
          %run_scoped3A_757 = tpu.sem_alloc : memref<!tpu.dma_semaphore, #tpu.memory_space<semaphore_mem>>
          %dma_start3A_758 = arith.constant 0 : i32
          %dma_start3A_759 = tpu.memref_slice %arg10[%run_scoped3A, %dma_start3A_758] : memref<2x4096xf32, #tpu.memory_space<vmem>> -> memref<1x2048xf32, #tpu.memory_space<vmem>>
          %dma_start3A_760 = tpu.memref_squeeze %dma_start3A_759 : memref<1x2048xf32, #tpu.memory_space<vmem>> -> memref<2048xf32, #tpu.memory_space<vmem>>
          %dma_start3A_761 = tpu.memref_slice %arg2[%add3A, %mul3A_166] : memref<13x16384xf32, #tpu.memory_space<hbm>> -> memref<1x2048xf32, #tpu.memory_space<hbm>>
          %dma_start3A_762 = tpu.memref_squeeze %dma_start3A_761 : memref<1x2048xf32, #tpu.memory_space<hbm>> -> memref<2048xf32, #tpu.memory_space<hbm>>
          %dma_start3A_763 = arith.constant 0 : i32
          %dma_start3A_764 = tpu.memref_slice %arg10[%run_scoped3A, %dma_start3A_763] : memref<2x4096xf32, #tpu.memory_space<vmem>> -> memref<1x2048xf32, #tpu.memory_space<vmem>>
          %dma_start3A_765 = tpu.memref_squeeze %dma_start3A_764 : memref<1x2048xf32, #tpu.memory_space<vmem>> -> memref<2048xf32, #tpu.memory_space<vmem>>
          %dma_start3A_766 = tpu.memref_slice %arg2[%add3A, %mul3A_166] : memref<13x16384xf32, #tpu.memory_space<hbm>> -> memref<1x2048xf32, #tpu.memory_space<hbm>>
          %dma_start3A_767 = tpu.memref_squeeze %dma_start3A_766 : memref<1x2048xf32, #tpu.memory_space<hbm>> -> memref<2048xf32, #tpu.memory_space<hbm>>
          tpu.enqueue_dma source(%dma_start3A_767 : memref<2048xf32, #tpu.memory_space<hbm>>) target(%dma_start3A_765 : memref<2048xf32, #tpu.memory_space<vmem>>) target_semaphore(%run_scoped3A_757 : memref<!tpu.dma_semaphore, #tpu.memory_space<semaphore_mem>>)
          %dma_wait3A_768 = arith.constant 0 : i32
          %dma_wait3A_769 = tpu.memref_slice %arg10[%run_scoped3A, %dma_wait3A_768] : memref<2x4096xf32, #tpu.memory_space<vmem>> -> memref<1x2048xf32, #tpu.memory_space<vmem>>
          %dma_wait3A_770 = tpu.memref_squeeze %dma_wait3A_769 : memref<1x2048xf32, #tpu.memory_space<vmem>> -> memref<2048xf32, #tpu.memory_space<vmem>>
          %dma_wait3A_771 = tpu.memref_slice %arg2[%add3A, %mul3A_166] : memref<13x16384xf32, #tpu.memory_space<hbm>> -> memref<1x2048xf32, #tpu.memory_space<hbm>>
          %dma_wait3A_772 = tpu.memref_squeeze %dma_wait3A_771 : memref<1x2048xf32, #tpu.memory_space<hbm>> -> memref<2048xf32, #tpu.memory_space<hbm>>
          %dma_wait3A_773 = arith.constant 0 : i32
          %dma_wait3A_774 = tpu.memref_slice %arg10[%run_scoped3A, %dma_wait3A_773] : memref<2x4096xf32, #tpu.memory_space<vmem>> -> memref<1x2048xf32, #tpu.memory_space<vmem>>
          %dma_wait3A_775 = tpu.memref_squeeze %dma_wait3A_774 : memref<1x2048xf32, #tpu.memory_space<vmem>> -> memref<2048xf32, #tpu.memory_space<vmem>>
          %dma_wait3A_776 = tpu.memref_slice %arg2[%add3A, %mul3A_166] : memref<13x16384xf32, #tpu.memory_space<hbm>> -> memref<1x2048xf32, #tpu.memory_space<hbm>>
          %dma_wait3A_777 = tpu.memref_squeeze %dma_wait3A_776 : memref<1x2048xf32, #tpu.memory_space<hbm>> -> memref<2048xf32, #tpu.memory_space<hbm>>
          tpu.wait_dma2 semaphore(%run_scoped3A_757 : memref<!tpu.dma_semaphore, #tpu.memory_space<semaphore_mem>>) src(%dma_wait3A_777 : memref<2048xf32, #tpu.memory_space<hbm>>) dst(%dma_wait3A_775 : memref<2048xf32, #tpu.memory_space<vmem>>)
          tpu.yield
        }) : () -> ()
        %mul3A_167 = arith.constant 16 : i32
        %mul3A_168 = arith.muli %add3A, %mul3A_167 : i32
        %add3A_169 = arith.constant 0 : i32
        %add3A_170 = arith.addi %mul3A_168, %add3A_169 : i32
        %broadcast_in_dim3A = vector.broadcast %add3A_170 : i32 to vector<16xi32>
        %gather3A = tpu.vector_load_idx %arg12[%broadcast_in_dim3A] : memref<208xf32, #tpu.memory_space<vmem>>[vector<16xi32>], vector<16xf32>,
        %gather3A_171 = tpu.vector_load_idx %arg13[%broadcast_in_dim3A] : memref<208xf32, #tpu.memory_space<vmem>>[vector<16xi32>], vector<16xf32>,
        %parallel_loop3A_172 = arith.constant 0 : i32
        %parallel_loop3A_173 = arith.constant 128 : i32
        %parallel_loop3A_174 = arith.constant 1 : i32
        scf.for %parallel_loop3A_757 = %parallel_loop3A_172 to %parallel_loop3A_173 step %parallel_loop3A_174  : i32 {
          %parallel_loop3A_758 = arith.constant 16 : i32
          %parallel_loop3A_759 = arith.muli %parallel_loop3A_757, %parallel_loop3A_758 : i32
          %parallel_loop3A_760 = arith.constant 0 : i32
          %parallel_loop3A_761 = arith.index_cast %parallel_loop3A_760 : i32 to index
          %parallel_loop3A_762 = arith.index_cast %parallel_loop3A_759 : i32 to index
          %parallel_loop3A_763 = tpu.vector_load %arg10[%parallel_loop3A_761, %parallel_loop3A_762] {strides = array<i32>} : memref<2x4096xf32, #tpu.memory_space<vmem>>, vector<16xf32>,
          %parallel_loop3A_764 = arith.mulf %parallel_loop3A_763, %gather3A : vector<16xf32>
          %parallel_loop3A_765 = arith.addf %parallel_loop3A_764, %gather3A_171 : vector<16xf32>
          %parallel_loop3A_766 = arith.constant 0 : i32
          %parallel_loop3A_767 = arith.index_cast %parallel_loop3A_766 : i32 to index
          %parallel_loop3A_768 = arith.index_cast %parallel_loop3A_759 : i32 to index
          %parallel_loop3A_769 = tpu.vector_load %arg11[%parallel_loop3A_767, %parallel_loop3A_768] {strides = array<i32>} : memref<2x2048xf32, #tpu.memory_space<vmem>>, vector<16xf32>,
          tpu.vector_store %arg11[%parallel_loop3A_767, %parallel_loop3A_768], %parallel_loop3A_765 {strides = array<i32>} : memref<2x2048xf32, #tpu.memory_space<vmem>>, vector<16xf32>,
        } {sc.loop_unroll_factor = 4 : i64, sc.parallel_access}
        %dma_start3A_175 = arith.constant 0 : i32
        %dma_start3A_176 = arith.constant 0 : i32
        %dma_start3A_177 = arith.constant 0 : i32
        %dma_start3A_178 = tpu.memref_slice %arg11[%dma_start3A_175, %dma_start3A_177] : memref<2x2048xf32, #tpu.memory_space<vmem>> -> memref<1x2048xf32, #tpu.memory_space<vmem>>
        %dma_start3A_179 = tpu.memref_squeeze %dma_start3A_178 : memref<1x2048xf32, #tpu.memory_space<vmem>> -> memref<2048xf32, #tpu.memory_space<vmem>>
        %dma_start3A_180 = tpu.memref_slice %arg7[%add3A, %dma_start3A_176, %mul3A_166] : memref<39x16x16384xf32, #tpu.memory_space<hbm>> -> memref<1x1x2048xf32, #tpu.memory_space<hbm>>
        %dma_start3A_181 = tpu.memref_squeeze %dma_start3A_180 : memref<1x1x2048xf32, #tpu.memory_space<hbm>> -> memref<2048xf32, #tpu.memory_space<hbm>>
        %dma_start3A_182 = tpu.memref_slice %arg7[%add3A, %dma_start3A_176, %mul3A_166] : memref<39x16x16384xf32, #tpu.memory_space<hbm>> -> memref<1x1x2048xf32, #tpu.memory_space<hbm>>
        %dma_start3A_183 = tpu.memref_squeeze %dma_start3A_182 : memref<1x1x2048xf32, #tpu.memory_space<hbm>> -> memref<2048xf32, #tpu.memory_space<hbm>>
        %dma_start3A_184 = arith.constant 0 : i32
        %dma_start3A_185 = tpu.memref_slice %arg11[%dma_start3A_175, %dma_start3A_184] : memref<2x2048xf32, #tpu.memory_space<vmem>> -> memref<1x2048xf32, #tpu.memory_space<vmem>>
        %dma_start3A_186 = tpu.memref_squeeze %dma_start3A_185 : memref<1x2048xf32, #tpu.memory_space<vmem>> -> memref<2048xf32, #tpu.memory_space<vmem>>
        tpu.enqueue_dma source(%dma_start3A_186 : memref<2048xf32, #tpu.memory_space<vmem>>) target(%dma_start3A_183 : memref<2048xf32, #tpu.memory_space<hbm>>) target_semaphore(%arg18 : memref<!tpu.dma_semaphore, #tpu.memory_space<semaphore_mem>>)
        %mul3A_187 = arith.constant 16 : i32
        %mul3A_188 = arith.muli %add3A, %mul3A_187 : i32
        %add3A_189 = arith.constant 1 : i32
        %add3A_190 = arith.addi %mul3A_188, %add3A_189 : i32
        %broadcast_in_dim3A_191 = vector.broadcast %add3A_190 : i32 to vector<16xi32>
        %gather3A_192 = tpu.vector_load_idx %arg12[%broadcast_in_dim3A_191] : memref<208xf32, #tpu.memory_space<vmem>>[vector<16xi32>], vector<16xf32>,
        %gather3A_193 = tpu.vector_load_idx %arg13[%broadcast_in_dim3A_191] : memref<208xf32, #tpu.memory_space<vmem>>[vector<16xi32>], vector<16xf32>,
        %parallel_loop3A_194 = arith.constant 0 : i32
        %parallel_loop3A_195 = arith.constant 128 : i32
        %parallel_loop3A_196 = arith.constant 1 : i32
        scf.for %parallel_loop3A_757 = %parallel_loop3A_194 to %parallel_loop3A_195 step %parallel_loop3A_196  : i32 {
          %parallel_loop3A_758 = arith.constant 16 : i32
          %parallel_loop3A_759 = arith.muli %parallel_loop3A_757, %parallel_loop3A_758 : i32
          %parallel_loop3A_760 = arith.constant 0 : i32
          %parallel_loop3A_761 = arith.index_cast %parallel_loop3A_760 : i32 to index
          %parallel_loop3A_762 = arith.index_cast %parallel_loop3A_759 : i32 to index
          %parallel_loop3A_763 = tpu.vector_load %arg10[%parallel_loop3A_761, %parallel_loop3A_762] {strides = array<i32>} : memref<2x4096xf32, #tpu.memory_space<vmem>>, vector<16xf32>,
          %parallel_loop3A_764 = arith.mulf %parallel_loop3A_763, %gather3A_192 : vector<16xf32>
          %parallel_loop3A_765 = arith.addf %parallel_loop3A_764, %gather3A_193 : vector<16xf32>
          %parallel_loop3A_766 = arith.constant 1 : i32
          %parallel_loop3A_767 = arith.index_cast %parallel_loop3A_766 : i32 to index
          %parallel_loop3A_768 = arith.index_cast %parallel_loop3A_759 : i32 to index
          %parallel_loop3A_769 = tpu.vector_load %arg11[%parallel_loop3A_767, %parallel_loop3A_768] {strides = array<i32>} : memref<2x2048xf32, #tpu.memory_space<vmem>>, vector<16xf32>,
          tpu.vector_store %arg11[%parallel_loop3A_767, %parallel_loop3A_768], %parallel_loop3A_765 {strides = array<i32>} : memref<2x2048xf32, #tpu.memory_space<vmem>>, vector<16xf32>,
        } {sc.loop_unroll_factor = 4 : i64, sc.parallel_access}
        %dma_start3A_197 = arith.constant 1 : i32
        %dma_start3A_198 = arith.constant 1 : i32
        %dma_start3A_199 = arith.constant 0 : i32
        %dma_start3A_200 = tpu.memref_slice %arg11[%dma_start3A_197, %dma_start3A_199] : memref<2x2048xf32, #tpu.memory_space<vmem>> -> memref<1x2048xf32, #tpu.memory_space<vmem>>
        %dma_start3A_201 = tpu.memref_squeeze %dma_start3A_200 : memref<1x2048xf32, #tpu.memory_space<vmem>> -> memref<2048xf32, #tpu.memory_space<vmem>>
        %dma_start3A_202 = tpu.memref_slice %arg7[%add3A, %dma_start3A_198, %mul3A_166] : memref<39x16x16384xf32, #tpu.memory_space<hbm>> -> memref<1x1x2048xf32, #tpu.memory_space<hbm>>
        %dma_start3A_203 = tpu.memref_squeeze %dma_start3A_202 : memref<1x1x2048xf32, #tpu.memory_space<hbm>> -> memref<2048xf32, #tpu.memory_space<hbm>>
        %dma_start3A_204 = tpu.memref_slice %arg7[%add3A, %dma_start3A_198, %mul3A_166] : memref<39x16x16384xf32, #tpu.memory_space<hbm>> -> memref<1x1x2048xf32, #tpu.memory_space<hbm>>
        %dma_start3A_205 = tpu.memref_squeeze %dma_start3A_204 : memref<1x1x2048xf32, #tpu.memory_space<hbm>> -> memref<2048xf32, #tpu.memory_space<hbm>>
        %dma_start3A_206 = arith.constant 0 : i32
        %dma_start3A_207 = tpu.memref_slice %arg11[%dma_start3A_197, %dma_start3A_206] : memref<2x2048xf32, #tpu.memory_space<vmem>> -> memref<1x2048xf32, #tpu.memory_space<vmem>>
        %dma_start3A_208 = tpu.memref_squeeze %dma_start3A_207 : memref<1x2048xf32, #tpu.memory_space<vmem>> -> memref<2048xf32, #tpu.memory_space<vmem>>
        tpu.enqueue_dma source(%dma_start3A_208 : memref<2048xf32, #tpu.memory_space<vmem>>) target(%dma_start3A_205 : memref<2048xf32, #tpu.memory_space<hbm>>) target_semaphore(%arg19 : memref<!tpu.dma_semaphore, #tpu.memory_space<semaphore_mem>>)
        %dma_wait3A_209 = arith.constant 0 : i32
        %dma_wait3A_210 = arith.constant 0 : i32
        %dma_wait3A_211 = arith.constant 0 : i32
        %dma_wait3A_212 = arith.constant 0 : i32
        %dma_wait3A_213 = tpu.memref_slice %arg11[%dma_wait3A_209, %dma_wait3A_212] : memref<2x2048xf32, #tpu.memory_space<vmem>> -> memref<1x2048xf32, #tpu.memory_space<vmem>>
        %dma_wait3A_214 = tpu.memref_squeeze %dma_wait3A_213 : memref<1x2048xf32, #tpu.memory_space<vmem>> -> memref<2048xf32, #tpu.memory_space<vmem>>
        %dma_wait3A_215 = arith.constant 0 : i32
        %dma_wait3A_216 = tpu.memref_slice %arg7[%dma_wait3A_210, %dma_wait3A_211, %dma_wait3A_215] : memref<39x16x16384xf32, #tpu.memory_space<hbm>> -> memref<1x1x2048xf32, #tpu.memory_space<hbm>>
        %dma_wait3A_217 = tpu.memref_squeeze %dma_wait3A_216 : memref<1x1x2048xf32, #tpu.memory_space<hbm>> -> memref<2048xf32, #tpu.memory_space<hbm>>
        %dma_wait3A_218 = arith.constant 0 : i32
        %dma_wait3A_219 = tpu.memref_slice %arg7[%dma_wait3A_210, %dma_wait3A_211, %dma_wait3A_218] : memref<39x16x16384xf32, #tpu.memory_space<hbm>> -> memref<1x1x2048xf32, #tpu.memory_space<hbm>>
        %dma_wait3A_220 = tpu.memref_squeeze %dma_wait3A_219 : memref<1x1x2048xf32, #tpu.memory_space<hbm>> -> memref<2048xf32, #tpu.memory_space<hbm>>
        %dma_wait3A_221 = arith.constant 0 : i32
        %dma_wait3A_222 = tpu.memref_slice %arg11[%dma_wait3A_209, %dma_wait3A_221] : memref<2x2048xf32, #tpu.memory_space<vmem>> -> memref<1x2048xf32, #tpu.memory_space<vmem>>
        %dma_wait3A_223 = tpu.memref_squeeze %dma_wait3A_222 : memref<1x2048xf32, #tpu.memory_space<vmem>> -> memref<2048xf32, #tpu.memory_space<vmem>>
        tpu.wait_dma2 semaphore(%arg18 : memref<!tpu.dma_semaphore, #tpu.memory_space<semaphore_mem>>) src(%dma_wait3A_223 : memref<2048xf32, #tpu.memory_space<vmem>>) dst(%dma_wait3A_220 : memref<2048xf32, #tpu.memory_space<hbm>>)
        %mul3A_224 = arith.constant 16 : i32
        %mul3A_225 = arith.muli %add3A, %mul3A_224 : i32
        %add3A_226 = arith.constant 2 : i32
        %add3A_227 = arith.addi %mul3A_225, %add3A_226 : i32
        %broadcast_in_dim3A_228 = vector.broadcast %add3A_227 : i32 to vector<16xi32>
        %gather3A_229 = tpu.vector_load_idx %arg12[%broadcast_in_dim3A_228] : memref<208xf32, #tpu.memory_space<vmem>>[vector<16xi32>], vector<16xf32>,
        %gather3A_230 = tpu.vector_load_idx %arg13[%broadcast_in_dim3A_228] : memref<208xf32, #tpu.memory_space<vmem>>[vector<16xi32>], vector<16xf32>,
        %parallel_loop3A_231 = arith.constant 0 : i32
        %parallel_loop3A_232 = arith.constant 128 : i32
        %parallel_loop3A_233 = arith.constant 1 : i32
        scf.for %parallel_loop3A_757 = %parallel_loop3A_231 to %parallel_loop3A_232 step %parallel_loop3A_233  : i32 {
          %parallel_loop3A_758 = arith.constant 16 : i32
          %parallel_loop3A_759 = arith.muli %parallel_loop3A_757, %parallel_loop3A_758 : i32
          %parallel_loop3A_760 = arith.constant 0 : i32
          %parallel_loop3A_761 = arith.index_cast %parallel_loop3A_760 : i32 to index
          %parallel_loop3A_762 = arith.index_cast %parallel_loop3A_759 : i32 to index
          %parallel_loop3A_763 = tpu.vector_load %arg10[%parallel_loop3A_761, %parallel_loop3A_762] {strides = array<i32>} : memref<2x4096xf32, #tpu.memory_space<vmem>>, vector<16xf32>,
          %parallel_loop3A_764 = arith.mulf %parallel_loop3A_763, %gather3A_229 : vector<16xf32>
          %parallel_loop3A_765 = arith.addf %parallel_loop3A_764, %gather3A_230 : vector<16xf32>
          %parallel_loop3A_766 = arith.constant 0 : i32
          %parallel_loop3A_767 = arith.index_cast %parallel_loop3A_766 : i32 to index
          %parallel_loop3A_768 = arith.index_cast %parallel_loop3A_759 : i32 to index
          %parallel_loop3A_769 = tpu.vector_load %arg11[%parallel_loop3A_767, %parallel_loop3A_768] {strides = array<i32>} : memref<2x2048xf32, #tpu.memory_space<vmem>>, vector<16xf32>,
          tpu.vector_store %arg11[%parallel_loop3A_767, %parallel_loop3A_768], %parallel_loop3A_765 {strides = array<i32>} : memref<2x2048xf32, #tpu.memory_space<vmem>>, vector<16xf32>,
        } {sc.loop_unroll_factor = 4 : i64, sc.parallel_access}
        %dma_start3A_234 = arith.constant 0 : i32
        %dma_start3A_235 = arith.constant 2 : i32
        %dma_start3A_236 = arith.constant 0 : i32
        %dma_start3A_237 = tpu.memref_slice %arg11[%dma_start3A_234, %dma_start3A_236] : memref<2x2048xf32, #tpu.memory_space<vmem>> -> memref<1x2048xf32, #tpu.memory_space<vmem>>
        %dma_start3A_238 = tpu.memref_squeeze %dma_start3A_237 : memref<1x2048xf32, #tpu.memory_space<vmem>> -> memref<2048xf32, #tpu.memory_space<vmem>>
        %dma_start3A_239 = tpu.memref_slice %arg7[%add3A, %dma_start3A_235, %mul3A_166] : memref<39x16x16384xf32, #tpu.memory_space<hbm>> -> memref<1x1x2048xf32, #tpu.memory_space<hbm>>
        %dma_start3A_240 = tpu.memref_squeeze %dma_start3A_239 : memref<1x1x2048xf32, #tpu.memory_space<hbm>> -> memref<2048xf32, #tpu.memory_space<hbm>>
        %dma_start3A_241 = tpu.memref_slice %arg7[%add3A, %dma_start3A_235, %mul3A_166] : memref<39x16x16384xf32, #tpu.memory_space<hbm>> -> memref<1x1x2048xf32, #tpu.memory_space<hbm>>
        %dma_start3A_242 = tpu.memref_squeeze %dma_start3A_241 : memref<1x1x2048xf32, #tpu.memory_space<hbm>> -> memref<2048xf32, #tpu.memory_space<hbm>>
        %dma_start3A_243 = arith.constant 0 : i32
        %dma_start3A_244 = tpu.memref_slice %arg11[%dma_start3A_234, %dma_start3A_243] : memref<2x2048xf32, #tpu.memory_space<vmem>> -> memref<1x2048xf32, #tpu.memory_space<vmem>>
        %dma_start3A_245 = tpu.memref_squeeze %dma_start3A_244 : memref<1x2048xf32, #tpu.memory_space<vmem>> -> memref<2048xf32, #tpu.memory_space<vmem>>
        tpu.enqueue_dma source(%dma_start3A_245 : memref<2048xf32, #tpu.memory_space<vmem>>) target(%dma_start3A_242 : memref<2048xf32, #tpu.memory_space<hbm>>) target_semaphore(%arg18 : memref<!tpu.dma_semaphore, #tpu.memory_space<semaphore_mem>>)
        %dma_wait3A_246 = arith.constant 1 : i32
        %dma_wait3A_247 = arith.constant 0 : i32
        %dma_wait3A_248 = arith.constant 0 : i32
        %dma_wait3A_249 = arith.constant 0 : i32
        %dma_wait3A_250 = tpu.memref_slice %arg11[%dma_wait3A_246, %dma_wait3A_249] : memref<2x2048xf32, #tpu.memory_space<vmem>> -> memref<1x2048xf32, #tpu.memory_space<vmem>>
        %dma_wait3A_251 = tpu.memref_squeeze %dma_wait3A_250 : memref<1x2048xf32, #tpu.memory_space<vmem>> -> memref<2048xf32, #tpu.memory_space<vmem>>
        %dma_wait3A_252 = arith.constant 0 : i32
        %dma_wait3A_253 = tpu.memref_slice %arg7[%dma_wait3A_247, %dma_wait3A_248, %dma_wait3A_252] : memref<39x16x16384xf32, #tpu.memory_space<hbm>> -> memref<1x1x2048xf32, #tpu.memory_space<hbm>>
        %dma_wait3A_254 = tpu.memref_squeeze %dma_wait3A_253 : memref<1x1x2048xf32, #tpu.memory_space<hbm>> -> memref<2048xf32, #tpu.memory_space<hbm>>
        %dma_wait3A_255 = arith.constant 0 : i32
        %dma_wait3A_256 = tpu.memref_slice %arg7[%dma_wait3A_247, %dma_wait3A_248, %dma_wait3A_255] : memref<39x16x16384xf32, #tpu.memory_space<hbm>> -> memref<1x1x2048xf32, #tpu.memory_space<hbm>>
        %dma_wait3A_257 = tpu.memref_squeeze %dma_wait3A_256 : memref<1x1x2048xf32, #tpu.memory_space<hbm>> -> memref<2048xf32, #tpu.memory_space<hbm>>
        %dma_wait3A_258 = arith.constant 0 : i32
        %dma_wait3A_259 = tpu.memref_slice %arg11[%dma_wait3A_246, %dma_wait3A_258] : memref<2x2048xf32, #tpu.memory_space<vmem>> -> memref<1x2048xf32, #tpu.memory_space<vmem>>
        %dma_wait3A_260 = tpu.memref_squeeze %dma_wait3A_259 : memref<1x2048xf32, #tpu.memory_space<vmem>> -> memref<2048xf32, #tpu.memory_space<vmem>>
        tpu.wait_dma2 semaphore(%arg19 : memref<!tpu.dma_semaphore, #tpu.memory_space<semaphore_mem>>) src(%dma_wait3A_260 : memref<2048xf32, #tpu.memory_space<vmem>>) dst(%dma_wait3A_257 : memref<2048xf32, #tpu.memory_space<hbm>>)
        %mul3A_261 = arith.constant 16 : i32
        %mul3A_262 = arith.muli %add3A, %mul3A_261 : i32
        %add3A_263 = arith.constant 3 : i32
        %add3A_264 = arith.addi %mul3A_262, %add3A_263 : i32
        %broadcast_in_dim3A_265 = vector.broadcast %add3A_264 : i32 to vector<16xi32>
        %gather3A_266 = tpu.vector_load_idx %arg12[%broadcast_in_dim3A_265] : memref<208xf32, #tpu.memory_space<vmem>>[vector<16xi32>], vector<16xf32>,
        %gather3A_267 = tpu.vector_load_idx %arg13[%broadcast_in_dim3A_265] : memref<208xf32, #tpu.memory_space<vmem>>[vector<16xi32>], vector<16xf32>,
        %parallel_loop3A_268 = arith.constant 0 : i32
        %parallel_loop3A_269 = arith.constant 128 : i32
        %parallel_loop3A_270 = arith.constant 1 : i32
        scf.for %parallel_loop3A_757 = %parallel_loop3A_268 to %parallel_loop3A_269 step %parallel_loop3A_270  : i32 {
          %parallel_loop3A_758 = arith.constant 16 : i32
          %parallel_loop3A_759 = arith.muli %parallel_loop3A_757, %parallel_loop3A_758 : i32
          %parallel_loop3A_760 = arith.constant 0 : i32
          %parallel_loop3A_761 = arith.index_cast %parallel_loop3A_760 : i32 to index
          %parallel_loop3A_762 = arith.index_cast %parallel_loop3A_759 : i32 to index
          %parallel_loop3A_763 = tpu.vector_load %arg10[%parallel_loop3A_761, %parallel_loop3A_762] {strides = array<i32>} : memref<2x4096xf32, #tpu.memory_space<vmem>>, vector<16xf32>,
          %parallel_loop3A_764 = arith.mulf %parallel_loop3A_763, %gather3A_266 : vector<16xf32>
          %parallel_loop3A_765 = arith.addf %parallel_loop3A_764, %gather3A_267 : vector<16xf32>
          %parallel_loop3A_766 = arith.constant 1 : i32
          %parallel_loop3A_767 = arith.index_cast %parallel_loop3A_766 : i32 to index
          %parallel_loop3A_768 = arith.index_cast %parallel_loop3A_759 : i32 to index
          %parallel_loop3A_769 = tpu.vector_load %arg11[%parallel_loop3A_767, %parallel_loop3A_768] {strides = array<i32>} : memref<2x2048xf32, #tpu.memory_space<vmem>>, vector<16xf32>,
          tpu.vector_store %arg11[%parallel_loop3A_767, %parallel_loop3A_768], %parallel_loop3A_765 {strides = array<i32>} : memref<2x2048xf32, #tpu.memory_space<vmem>>, vector<16xf32>,
        } {sc.loop_unroll_factor = 4 : i64, sc.parallel_access}
        %dma_start3A_271 = arith.constant 1 : i32
        %dma_start3A_272 = arith.constant 3 : i32
        %dma_start3A_273 = arith.constant 0 : i32
        %dma_start3A_274 = tpu.memref_slice %arg11[%dma_start3A_271, %dma_start3A_273] : memref<2x2048xf32, #tpu.memory_space<vmem>> -> memref<1x2048xf32, #tpu.memory_space<vmem>>
        %dma_start3A_275 = tpu.memref_squeeze %dma_start3A_274 : memref<1x2048xf32, #tpu.memory_space<vmem>> -> memref<2048xf32, #tpu.memory_space<vmem>>
        %dma_start3A_276 = tpu.memref_slice %arg7[%add3A, %dma_start3A_272, %mul3A_166] : memref<39x16x16384xf32, #tpu.memory_space<hbm>> -> memref<1x1x2048xf32, #tpu.memory_space<hbm>>
        %dma_start3A_277 = tpu.memref_squeeze %dma_start3A_276 : memref<1x1x2048xf32, #tpu.memory_space<hbm>> -> memref<2048xf32, #tpu.memory_space<hbm>>
        %dma_start3A_278 = tpu.memref_slice %arg7[%add3A, %dma_start3A_272, %mul3A_166] : memref<39x16x16384xf32, #tpu.memory_space<hbm>> -> memref<1x1x2048xf32, #tpu.memory_space<hbm>>
        %dma_start3A_279 = tpu.memref_squeeze %dma_start3A_278 : memref<1x1x2048xf32, #tpu.memory_space<hbm>> -> memref<2048xf32, #tpu.memory_space<hbm>>
        %dma_start3A_280 = arith.constant 0 : i32
        %dma_start3A_281 = tpu.memref_slice %arg11[%dma_start3A_271, %dma_start3A_280] : memref<2x2048xf32, #tpu.memory_space<vmem>> -> memref<1x2048xf32, #tpu.memory_space<vmem>>
        %dma_start3A_282 = tpu.memref_squeeze %dma_start3A_281 : memref<1x2048xf32, #tpu.memory_space<vmem>> -> memref<2048xf32, #tpu.memory_space<vmem>>
        tpu.enqueue_dma source(%dma_start3A_282 : memref<2048xf32, #tpu.memory_space<vmem>>) target(%dma_start3A_279 : memref<2048xf32, #tpu.memory_space<hbm>>) target_semaphore(%arg19 : memref<!tpu.dma_semaphore, #tpu.memory_space<semaphore_mem>>)
        %dma_wait3A_283 = arith.constant 0 : i32
        %dma_wait3A_284 = arith.constant 0 : i32
        %dma_wait3A_285 = arith.constant 0 : i32
        %dma_wait3A_286 = arith.constant 0 : i32
        %dma_wait3A_287 = tpu.memref_slice %arg11[%dma_wait3A_283, %dma_wait3A_286] : memref<2x2048xf32, #tpu.memory_space<vmem>> -> memref<1x2048xf32, #tpu.memory_space<vmem>>
        %dma_wait3A_288 = tpu.memref_squeeze %dma_wait3A_287 : memref<1x2048xf32, #tpu.memory_space<vmem>> -> memref<2048xf32, #tpu.memory_space<vmem>>
        %dma_wait3A_289 = arith.constant 0 : i32
        %dma_wait3A_290 = tpu.memref_slice %arg7[%dma_wait3A_284, %dma_wait3A_285, %dma_wait3A_289] : memref<39x16x16384xf32, #tpu.memory_space<hbm>> -> memref<1x1x2048xf32, #tpu.memory_space<hbm>>
        %dma_wait3A_291 = tpu.memref_squeeze %dma_wait3A_290 : memref<1x1x2048xf32, #tpu.memory_space<hbm>> -> memref<2048xf32, #tpu.memory_space<hbm>>
        %dma_wait3A_292 = arith.constant 0 : i32
        %dma_wait3A_293 = tpu.memref_slice %arg7[%dma_wait3A_284, %dma_wait3A_285, %dma_wait3A_292] : memref<39x16x16384xf32, #tpu.memory_space<hbm>> -> memref<1x1x2048xf32, #tpu.memory_space<hbm>>
        %dma_wait3A_294 = tpu.memref_squeeze %dma_wait3A_293 : memref<1x1x2048xf32, #tpu.memory_space<hbm>> -> memref<2048xf32, #tpu.memory_space<hbm>>
        %dma_wait3A_295 = arith.constant 0 : i32
        %dma_wait3A_296 = tpu.memref_slice %arg11[%dma_wait3A_283, %dma_wait3A_295] : memref<2x2048xf32, #tpu.memory_space<vmem>> -> memref<1x2048xf32, #tpu.memory_space<vmem>>
        %dma_wait3A_297 = tpu.memref_squeeze %dma_wait3A_296 : memref<1x2048xf32, #tpu.memory_space<vmem>> -> memref<2048xf32, #tpu.memory_space<vmem>>
        tpu.wait_dma2 semaphore(%arg18 : memref<!tpu.dma_semaphore, #tpu.memory_space<semaphore_mem>>) src(%dma_wait3A_297 : memref<2048xf32, #tpu.memory_space<vmem>>) dst(%dma_wait3A_294 : memref<2048xf32, #tpu.memory_space<hbm>>)
        %mul3A_298 = arith.constant 16 : i32
        %mul3A_299 = arith.muli %add3A, %mul3A_298 : i32
        %add3A_300 = arith.constant 4 : i32
        %add3A_301 = arith.addi %mul3A_299, %add3A_300 : i32
        %broadcast_in_dim3A_302 = vector.broadcast %add3A_301 : i32 to vector<16xi32>
        %gather3A_303 = tpu.vector_load_idx %arg12[%broadcast_in_dim3A_302] : memref<208xf32, #tpu.memory_space<vmem>>[vector<16xi32>], vector<16xf32>,
        %gather3A_304 = tpu.vector_load_idx %arg13[%broadcast_in_dim3A_302] : memref<208xf32, #tpu.memory_space<vmem>>[vector<16xi32>], vector<16xf32>,
        %parallel_loop3A_305 = arith.constant 0 : i32
        %parallel_loop3A_306 = arith.constant 128 : i32
        %parallel_loop3A_307 = arith.constant 1 : i32
        scf.for %parallel_loop3A_757 = %parallel_loop3A_305 to %parallel_loop3A_306 step %parallel_loop3A_307  : i32 {
          %parallel_loop3A_758 = arith.constant 16 : i32
          %parallel_loop3A_759 = arith.muli %parallel_loop3A_757, %parallel_loop3A_758 : i32
          %parallel_loop3A_760 = arith.constant 0 : i32
          %parallel_loop3A_761 = arith.index_cast %parallel_loop3A_760 : i32 to index
          %parallel_loop3A_762 = arith.index_cast %parallel_loop3A_759 : i32 to index
          %parallel_loop3A_763 = tpu.vector_load %arg10[%parallel_loop3A_761, %parallel_loop3A_762] {strides = array<i32>} : memref<2x4096xf32, #tpu.memory_space<vmem>>, vector<16xf32>,
          %parallel_loop3A_764 = arith.mulf %parallel_loop3A_763, %gather3A_303 : vector<16xf32>
          %parallel_loop3A_765 = arith.addf %parallel_loop3A_764, %gather3A_304 : vector<16xf32>
          %parallel_loop3A_766 = arith.constant 0 : i32
          %parallel_loop3A_767 = arith.index_cast %parallel_loop3A_766 : i32 to index
          %parallel_loop3A_768 = arith.index_cast %parallel_loop3A_759 : i32 to index
          %parallel_loop3A_769 = tpu.vector_load %arg11[%parallel_loop3A_767, %parallel_loop3A_768] {strides = array<i32>} : memref<2x2048xf32, #tpu.memory_space<vmem>>, vector<16xf32>,
          tpu.vector_store %arg11[%parallel_loop3A_767, %parallel_loop3A_768], %parallel_loop3A_765 {strides = array<i32>} : memref<2x2048xf32, #tpu.memory_space<vmem>>, vector<16xf32>,
        } {sc.loop_unroll_factor = 4 : i64, sc.parallel_access}
        %dma_start3A_308 = arith.constant 0 : i32
        %dma_start3A_309 = arith.constant 4 : i32
        %dma_start3A_310 = arith.constant 0 : i32
        %dma_start3A_311 = tpu.memref_slice %arg11[%dma_start3A_308, %dma_start3A_310] : memref<2x2048xf32, #tpu.memory_space<vmem>> -> memref<1x2048xf32, #tpu.memory_space<vmem>>
        %dma_start3A_312 = tpu.memref_squeeze %dma_start3A_311 : memref<1x2048xf32, #tpu.memory_space<vmem>> -> memref<2048xf32, #tpu.memory_space<vmem>>
        %dma_start3A_313 = tpu.memref_slice %arg7[%add3A, %dma_start3A_309, %mul3A_166] : memref<39x16x16384xf32, #tpu.memory_space<hbm>> -> memref<1x1x2048xf32, #tpu.memory_space<hbm>>
        %dma_start3A_314 = tpu.memref_squeeze %dma_start3A_313 : memref<1x1x2048xf32, #tpu.memory_space<hbm>> -> memref<2048xf32, #tpu.memory_space<hbm>>
        %dma_start3A_315 = tpu.memref_slice %arg7[%add3A, %dma_start3A_309, %mul3A_166] : memref<39x16x16384xf32, #tpu.memory_space<hbm>> -> memref<1x1x2048xf32, #tpu.memory_space<hbm>>
        %dma_start3A_316 = tpu.memref_squeeze %dma_start3A_315 : memref<1x1x2048xf32, #tpu.memory_space<hbm>> -> memref<2048xf32, #tpu.memory_space<hbm>>
        %dma_start3A_317 = arith.constant 0 : i32
        %dma_start3A_318 = tpu.memref_slice %arg11[%dma_start3A_308, %dma_start3A_317] : memref<2x2048xf32, #tpu.memory_space<vmem>> -> memref<1x2048xf32, #tpu.memory_space<vmem>>
        %dma_start3A_319 = tpu.memref_squeeze %dma_start3A_318 : memref<1x2048xf32, #tpu.memory_space<vmem>> -> memref<2048xf32, #tpu.memory_space<vmem>>
        tpu.enqueue_dma source(%dma_start3A_319 : memref<2048xf32, #tpu.memory_space<vmem>>) target(%dma_start3A_316 : memref<2048xf32, #tpu.memory_space<hbm>>) target_semaphore(%arg18 : memref<!tpu.dma_semaphore, #tpu.memory_space<semaphore_mem>>)
        %dma_wait3A_320 = arith.constant 1 : i32
        %dma_wait3A_321 = arith.constant 0 : i32
        %dma_wait3A_322 = arith.constant 0 : i32
        %dma_wait3A_323 = arith.constant 0 : i32
        %dma_wait3A_324 = tpu.memref_slice %arg11[%dma_wait3A_320, %dma_wait3A_323] : memref<2x2048xf32, #tpu.memory_space<vmem>> -> memref<1x2048xf32, #tpu.memory_space<vmem>>
        %dma_wait3A_325 = tpu.memref_squeeze %dma_wait3A_324 : memref<1x2048xf32, #tpu.memory_space<vmem>> -> memref<2048xf32, #tpu.memory_space<vmem>>
        %dma_wait3A_326 = arith.constant 0 : i32
        %dma_wait3A_327 = tpu.memref_slice %arg7[%dma_wait3A_321, %dma_wait3A_322, %dma_wait3A_326] : memref<39x16x16384xf32, #tpu.memory_space<hbm>> -> memref<1x1x2048xf32, #tpu.memory_space<hbm>>
        %dma_wait3A_328 = tpu.memref_squeeze %dma_wait3A_327 : memref<1x1x2048xf32, #tpu.memory_space<hbm>> -> memref<2048xf32, #tpu.memory_space<hbm>>
        %dma_wait3A_329 = arith.constant 0 : i32
        %dma_wait3A_330 = tpu.memref_slice %arg7[%dma_wait3A_321, %dma_wait3A_322, %dma_wait3A_329] : memref<39x16x16384xf32, #tpu.memory_space<hbm>> -> memref<1x1x2048xf32, #tpu.memory_space<hbm>>
        %dma_wait3A_331 = tpu.memref_squeeze %dma_wait3A_330 : memref<1x1x2048xf32, #tpu.memory_space<hbm>> -> memref<2048xf32, #tpu.memory_space<hbm>>
        %dma_wait3A_332 = arith.constant 0 : i32
        %dma_wait3A_333 = tpu.memref_slice %arg11[%dma_wait3A_320, %dma_wait3A_332] : memref<2x2048xf32, #tpu.memory_space<vmem>> -> memref<1x2048xf32, #tpu.memory_space<vmem>>
        %dma_wait3A_334 = tpu.memref_squeeze %dma_wait3A_333 : memref<1x2048xf32, #tpu.memory_space<vmem>> -> memref<2048xf32, #tpu.memory_space<vmem>>
        tpu.wait_dma2 semaphore(%arg19 : memref<!tpu.dma_semaphore, #tpu.memory_space<semaphore_mem>>) src(%dma_wait3A_334 : memref<2048xf32, #tpu.memory_space<vmem>>) dst(%dma_wait3A_331 : memref<2048xf32, #tpu.memory_space<hbm>>)
        %mul3A_335 = arith.constant 16 : i32
        %mul3A_336 = arith.muli %add3A, %mul3A_335 : i32
        %add3A_337 = arith.constant 5 : i32
        %add3A_338 = arith.addi %mul3A_336, %add3A_337 : i32
        %broadcast_in_dim3A_339 = vector.broadcast %add3A_338 : i32 to vector<16xi32>
        %gather3A_340 = tpu.vector_load_idx %arg12[%broadcast_in_dim3A_339] : memref<208xf32, #tpu.memory_space<vmem>>[vector<16xi32>], vector<16xf32>,
        %gather3A_341 = tpu.vector_load_idx %arg13[%broadcast_in_dim3A_339] : memref<208xf32, #tpu.memory_space<vmem>>[vector<16xi32>], vector<16xf32>,
        %parallel_loop3A_342 = arith.constant 0 : i32
        %parallel_loop3A_343 = arith.constant 128 : i32
        %parallel_loop3A_344 = arith.constant 1 : i32
        scf.for %parallel_loop3A_757 = %parallel_loop3A_342 to %parallel_loop3A_343 step %parallel_loop3A_344  : i32 {
          %parallel_loop3A_758 = arith.constant 16 : i32
          %parallel_loop3A_759 = arith.muli %parallel_loop3A_757, %parallel_loop3A_758 : i32
          %parallel_loop3A_760 = arith.constant 0 : i32
          %parallel_loop3A_761 = arith.index_cast %parallel_loop3A_760 : i32 to index
          %parallel_loop3A_762 = arith.index_cast %parallel_loop3A_759 : i32 to index
          %parallel_loop3A_763 = tpu.vector_load %arg10[%parallel_loop3A_761, %parallel_loop3A_762] {strides = array<i32>} : memref<2x4096xf32, #tpu.memory_space<vmem>>, vector<16xf32>,
          %parallel_loop3A_764 = arith.mulf %parallel_loop3A_763, %gather3A_340 : vector<16xf32>
          %parallel_loop3A_765 = arith.addf %parallel_loop3A_764, %gather3A_341 : vector<16xf32>
          %parallel_loop3A_766 = arith.constant 1 : i32
          %parallel_loop3A_767 = arith.index_cast %parallel_loop3A_766 : i32 to index
          %parallel_loop3A_768 = arith.index_cast %parallel_loop3A_759 : i32 to index
          %parallel_loop3A_769 = tpu.vector_load %arg11[%parallel_loop3A_767, %parallel_loop3A_768] {strides = array<i32>} : memref<2x2048xf32, #tpu.memory_space<vmem>>, vector<16xf32>,
          tpu.vector_store %arg11[%parallel_loop3A_767, %parallel_loop3A_768], %parallel_loop3A_765 {strides = array<i32>} : memref<2x2048xf32, #tpu.memory_space<vmem>>, vector<16xf32>,
        } {sc.loop_unroll_factor = 4 : i64, sc.parallel_access}
        %dma_start3A_345 = arith.constant 1 : i32
        %dma_start3A_346 = arith.constant 5 : i32
        %dma_start3A_347 = arith.constant 0 : i32
        %dma_start3A_348 = tpu.memref_slice %arg11[%dma_start3A_345, %dma_start3A_347] : memref<2x2048xf32, #tpu.memory_space<vmem>> -> memref<1x2048xf32, #tpu.memory_space<vmem>>
        %dma_start3A_349 = tpu.memref_squeeze %dma_start3A_348 : memref<1x2048xf32, #tpu.memory_space<vmem>> -> memref<2048xf32, #tpu.memory_space<vmem>>
        %dma_start3A_350 = tpu.memref_slice %arg7[%add3A, %dma_start3A_346, %mul3A_166] : memref<39x16x16384xf32, #tpu.memory_space<hbm>> -> memref<1x1x2048xf32, #tpu.memory_space<hbm>>
        %dma_start3A_351 = tpu.memref_squeeze %dma_start3A_350 : memref<1x1x2048xf32, #tpu.memory_space<hbm>> -> memref<2048xf32, #tpu.memory_space<hbm>>
        %dma_start3A_352 = tpu.memref_slice %arg7[%add3A, %dma_start3A_346, %mul3A_166] : memref<39x16x16384xf32, #tpu.memory_space<hbm>> -> memref<1x1x2048xf32, #tpu.memory_space<hbm>>
        %dma_start3A_353 = tpu.memref_squeeze %dma_start3A_352 : memref<1x1x2048xf32, #tpu.memory_space<hbm>> -> memref<2048xf32, #tpu.memory_space<hbm>>
        %dma_start3A_354 = arith.constant 0 : i32
        %dma_start3A_355 = tpu.memref_slice %arg11[%dma_start3A_345, %dma_start3A_354] : memref<2x2048xf32, #tpu.memory_space<vmem>> -> memref<1x2048xf32, #tpu.memory_space<vmem>>
        %dma_start3A_356 = tpu.memref_squeeze %dma_start3A_355 : memref<1x2048xf32, #tpu.memory_space<vmem>> -> memref<2048xf32, #tpu.memory_space<vmem>>
        tpu.enqueue_dma source(%dma_start3A_356 : memref<2048xf32, #tpu.memory_space<vmem>>) target(%dma_start3A_353 : memref<2048xf32, #tpu.memory_space<hbm>>) target_semaphore(%arg19 : memref<!tpu.dma_semaphore, #tpu.memory_space<semaphore_mem>>)
        %dma_wait3A_357 = arith.constant 0 : i32
        %dma_wait3A_358 = arith.constant 0 : i32
        %dma_wait3A_359 = arith.constant 0 : i32
        %dma_wait3A_360 = arith.constant 0 : i32
        %dma_wait3A_361 = tpu.memref_slice %arg11[%dma_wait3A_357, %dma_wait3A_360] : memref<2x2048xf32, #tpu.memory_space<vmem>> -> memref<1x2048xf32, #tpu.memory_space<vmem>>
        %dma_wait3A_362 = tpu.memref_squeeze %dma_wait3A_361 : memref<1x2048xf32, #tpu.memory_space<vmem>> -> memref<2048xf32, #tpu.memory_space<vmem>>
        %dma_wait3A_363 = arith.constant 0 : i32
        %dma_wait3A_364 = tpu.memref_slice %arg7[%dma_wait3A_358, %dma_wait3A_359, %dma_wait3A_363] : memref<39x16x16384xf32, #tpu.memory_space<hbm>> -> memref<1x1x2048xf32, #tpu.memory_space<hbm>>
        %dma_wait3A_365 = tpu.memref_squeeze %dma_wait3A_364 : memref<1x1x2048xf32, #tpu.memory_space<hbm>> -> memref<2048xf32, #tpu.memory_space<hbm>>
        %dma_wait3A_366 = arith.constant 0 : i32
        %dma_wait3A_367 = tpu.memref_slice %arg7[%dma_wait3A_358, %dma_wait3A_359, %dma_wait3A_366] : memref<39x16x16384xf32, #tpu.memory_space<hbm>> -> memref<1x1x2048xf32, #tpu.memory_space<hbm>>
        %dma_wait3A_368 = tpu.memref_squeeze %dma_wait3A_367 : memref<1x1x2048xf32, #tpu.memory_space<hbm>> -> memref<2048xf32, #tpu.memory_space<hbm>>
        %dma_wait3A_369 = arith.constant 0 : i32
        %dma_wait3A_370 = tpu.memref_slice %arg11[%dma_wait3A_357, %dma_wait3A_369] : memref<2x2048xf32, #tpu.memory_space<vmem>> -> memref<1x2048xf32, #tpu.memory_space<vmem>>
        %dma_wait3A_371 = tpu.memref_squeeze %dma_wait3A_370 : memref<1x2048xf32, #tpu.memory_space<vmem>> -> memref<2048xf32, #tpu.memory_space<vmem>>
        tpu.wait_dma2 semaphore(%arg18 : memref<!tpu.dma_semaphore, #tpu.memory_space<semaphore_mem>>) src(%dma_wait3A_371 : memref<2048xf32, #tpu.memory_space<vmem>>) dst(%dma_wait3A_368 : memref<2048xf32, #tpu.memory_space<hbm>>)
        %mul3A_372 = arith.constant 16 : i32
        %mul3A_373 = arith.muli %add3A, %mul3A_372 : i32
        %add3A_374 = arith.constant 6 : i32
        %add3A_375 = arith.addi %mul3A_373, %add3A_374 : i32
        %broadcast_in_dim3A_376 = vector.broadcast %add3A_375 : i32 to vector<16xi32>
        %gather3A_377 = tpu.vector_load_idx %arg12[%broadcast_in_dim3A_376] : memref<208xf32, #tpu.memory_space<vmem>>[vector<16xi32>], vector<16xf32>,
        %gather3A_378 = tpu.vector_load_idx %arg13[%broadcast_in_dim3A_376] : memref<208xf32, #tpu.memory_space<vmem>>[vector<16xi32>], vector<16xf32>,
        %parallel_loop3A_379 = arith.constant 0 : i32
        %parallel_loop3A_380 = arith.constant 128 : i32
        %parallel_loop3A_381 = arith.constant 1 : i32
        scf.for %parallel_loop3A_757 = %parallel_loop3A_379 to %parallel_loop3A_380 step %parallel_loop3A_381  : i32 {
          %parallel_loop3A_758 = arith.constant 16 : i32
          %parallel_loop3A_759 = arith.muli %parallel_loop3A_757, %parallel_loop3A_758 : i32
          %parallel_loop3A_760 = arith.constant 0 : i32
          %parallel_loop3A_761 = arith.index_cast %parallel_loop3A_760 : i32 to index
          %parallel_loop3A_762 = arith.index_cast %parallel_loop3A_759 : i32 to index
          %parallel_loop3A_763 = tpu.vector_load %arg10[%parallel_loop3A_761, %parallel_loop3A_762] {strides = array<i32>} : memref<2x4096xf32, #tpu.memory_space<vmem>>, vector<16xf32>,
          %parallel_loop3A_764 = arith.mulf %parallel_loop3A_763, %gather3A_377 : vector<16xf32>
          %parallel_loop3A_765 = arith.addf %parallel_loop3A_764, %gather3A_378 : vector<16xf32>
          %parallel_loop3A_766 = arith.constant 0 : i32
          %parallel_loop3A_767 = arith.index_cast %parallel_loop3A_766 : i32 to index
          %parallel_loop3A_768 = arith.index_cast %parallel_loop3A_759 : i32 to index
          %parallel_loop3A_769 = tpu.vector_load %arg11[%parallel_loop3A_767, %parallel_loop3A_768] {strides = array<i32>} : memref<2x2048xf32, #tpu.memory_space<vmem>>, vector<16xf32>,
          tpu.vector_store %arg11[%parallel_loop3A_767, %parallel_loop3A_768], %parallel_loop3A_765 {strides = array<i32>} : memref<2x2048xf32, #tpu.memory_space<vmem>>, vector<16xf32>,
        } {sc.loop_unroll_factor = 4 : i64, sc.parallel_access}
        %dma_start3A_382 = arith.constant 0 : i32
        %dma_start3A_383 = arith.constant 6 : i32
        %dma_start3A_384 = arith.constant 0 : i32
        %dma_start3A_385 = tpu.memref_slice %arg11[%dma_start3A_382, %dma_start3A_384] : memref<2x2048xf32, #tpu.memory_space<vmem>> -> memref<1x2048xf32, #tpu.memory_space<vmem>>
        %dma_start3A_386 = tpu.memref_squeeze %dma_start3A_385 : memref<1x2048xf32, #tpu.memory_space<vmem>> -> memref<2048xf32, #tpu.memory_space<vmem>>
        %dma_start3A_387 = tpu.memref_slice %arg7[%add3A, %dma_start3A_383, %mul3A_166] : memref<39x16x16384xf32, #tpu.memory_space<hbm>> -> memref<1x1x2048xf32, #tpu.memory_space<hbm>>
        %dma_start3A_388 = tpu.memref_squeeze %dma_start3A_387 : memref<1x1x2048xf32, #tpu.memory_space<hbm>> -> memref<2048xf32, #tpu.memory_space<hbm>>
        %dma_start3A_389 = tpu.memref_slice %arg7[%add3A, %dma_start3A_383, %mul3A_166] : memref<39x16x16384xf32, #tpu.memory_space<hbm>> -> memref<1x1x2048xf32, #tpu.memory_space<hbm>>
        %dma_start3A_390 = tpu.memref_squeeze %dma_start3A_389 : memref<1x1x2048xf32, #tpu.memory_space<hbm>> -> memref<2048xf32, #tpu.memory_space<hbm>>
        %dma_start3A_391 = arith.constant 0 : i32
        %dma_start3A_392 = tpu.memref_slice %arg11[%dma_start3A_382, %dma_start3A_391] : memref<2x2048xf32, #tpu.memory_space<vmem>> -> memref<1x2048xf32, #tpu.memory_space<vmem>>
        %dma_start3A_393 = tpu.memref_squeeze %dma_start3A_392 : memref<1x2048xf32, #tpu.memory_space<vmem>> -> memref<2048xf32, #tpu.memory_space<vmem>>
        tpu.enqueue_dma source(%dma_start3A_393 : memref<2048xf32, #tpu.memory_space<vmem>>) target(%dma_start3A_390 : memref<2048xf32, #tpu.memory_space<hbm>>) target_semaphore(%arg18 : memref<!tpu.dma_semaphore, #tpu.memory_space<semaphore_mem>>)
        %dma_wait3A_394 = arith.constant 1 : i32
        %dma_wait3A_395 = arith.constant 0 : i32
        %dma_wait3A_396 = arith.constant 0 : i32
        %dma_wait3A_397 = arith.constant 0 : i32
        %dma_wait3A_398 = tpu.memref_slice %arg11[%dma_wait3A_394, %dma_wait3A_397] : memref<2x2048xf32, #tpu.memory_space<vmem>> -> memref<1x2048xf32, #tpu.memory_space<vmem>>
        %dma_wait3A_399 = tpu.memref_squeeze %dma_wait3A_398 : memref<1x2048xf32, #tpu.memory_space<vmem>> -> memref<2048xf32, #tpu.memory_space<vmem>>
        %dma_wait3A_400 = arith.constant 0 : i32
        %dma_wait3A_401 = tpu.memref_slice %arg7[%dma_wait3A_395, %dma_wait3A_396, %dma_wait3A_400] : memref<39x16x16384xf32, #tpu.memory_space<hbm>> -> memref<1x1x2048xf32, #tpu.memory_space<hbm>>
        %dma_wait3A_402 = tpu.memref_squeeze %dma_wait3A_401 : memref<1x1x2048xf32, #tpu.memory_space<hbm>> -> memref<2048xf32, #tpu.memory_space<hbm>>
        %dma_wait3A_403 = arith.constant 0 : i32
        %dma_wait3A_404 = tpu.memref_slice %arg7[%dma_wait3A_395, %dma_wait3A_396, %dma_wait3A_403] : memref<39x16x16384xf32, #tpu.memory_space<hbm>> -> memref<1x1x2048xf32, #tpu.memory_space<hbm>>
        %dma_wait3A_405 = tpu.memref_squeeze %dma_wait3A_404 : memref<1x1x2048xf32, #tpu.memory_space<hbm>> -> memref<2048xf32, #tpu.memory_space<hbm>>
        %dma_wait3A_406 = arith.constant 0 : i32
        %dma_wait3A_407 = tpu.memref_slice %arg11[%dma_wait3A_394, %dma_wait3A_406] : memref<2x2048xf32, #tpu.memory_space<vmem>> -> memref<1x2048xf32, #tpu.memory_space<vmem>>
        %dma_wait3A_408 = tpu.memref_squeeze %dma_wait3A_407 : memref<1x2048xf32, #tpu.memory_space<vmem>> -> memref<2048xf32, #tpu.memory_space<vmem>>
        tpu.wait_dma2 semaphore(%arg19 : memref<!tpu.dma_semaphore, #tpu.memory_space<semaphore_mem>>) src(%dma_wait3A_408 : memref<2048xf32, #tpu.memory_space<vmem>>) dst(%dma_wait3A_405 : memref<2048xf32, #tpu.memory_space<hbm>>)
        %mul3A_409 = arith.constant 16 : i32
        %mul3A_410 = arith.muli %add3A, %mul3A_409 : i32
        %add3A_411 = arith.constant 7 : i32
        %add3A_412 = arith.addi %mul3A_410, %add3A_411 : i32
        %broadcast_in_dim3A_413 = vector.broadcast %add3A_412 : i32 to vector<16xi32>
        %gather3A_414 = tpu.vector_load_idx %arg12[%broadcast_in_dim3A_413] : memref<208xf32, #tpu.memory_space<vmem>>[vector<16xi32>], vector<16xf32>,
        %gather3A_415 = tpu.vector_load_idx %arg13[%broadcast_in_dim3A_413] : memref<208xf32, #tpu.memory_space<vmem>>[vector<16xi32>], vector<16xf32>,
        %parallel_loop3A_416 = arith.constant 0 : i32
        %parallel_loop3A_417 = arith.constant 128 : i32
        %parallel_loop3A_418 = arith.constant 1 : i32
        scf.for %parallel_loop3A_757 = %parallel_loop3A_416 to %parallel_loop3A_417 step %parallel_loop3A_418  : i32 {
          %parallel_loop3A_758 = arith.constant 16 : i32
          %parallel_loop3A_759 = arith.muli %parallel_loop3A_757, %parallel_loop3A_758 : i32
          %parallel_loop3A_760 = arith.constant 0 : i32
          %parallel_loop3A_761 = arith.index_cast %parallel_loop3A_760 : i32 to index
          %parallel_loop3A_762 = arith.index_cast %parallel_loop3A_759 : i32 to index
          %parallel_loop3A_763 = tpu.vector_load %arg10[%parallel_loop3A_761, %parallel_loop3A_762] {strides = array<i32>} : memref<2x4096xf32, #tpu.memory_space<vmem>>, vector<16xf32>,
          %parallel_loop3A_764 = arith.mulf %parallel_loop3A_763, %gather3A_414 : vector<16xf32>
          %parallel_loop3A_765 = arith.addf %parallel_loop3A_764, %gather3A_415 : vector<16xf32>
          %parallel_loop3A_766 = arith.constant 1 : i32
          %parallel_loop3A_767 = arith.index_cast %parallel_loop3A_766 : i32 to index
          %parallel_loop3A_768 = arith.index_cast %parallel_loop3A_759 : i32 to index
          %parallel_loop3A_769 = tpu.vector_load %arg11[%parallel_loop3A_767, %parallel_loop3A_768] {strides = array<i32>} : memref<2x2048xf32, #tpu.memory_space<vmem>>, vector<16xf32>,
          tpu.vector_store %arg11[%parallel_loop3A_767, %parallel_loop3A_768], %parallel_loop3A_765 {strides = array<i32>} : memref<2x2048xf32, #tpu.memory_space<vmem>>, vector<16xf32>,
        } {sc.loop_unroll_factor = 4 : i64, sc.parallel_access}
        %dma_start3A_419 = arith.constant 1 : i32
        %dma_start3A_420 = arith.constant 7 : i32
        %dma_start3A_421 = arith.constant 0 : i32
        %dma_start3A_422 = tpu.memref_slice %arg11[%dma_start3A_419, %dma_start3A_421] : memref<2x2048xf32, #tpu.memory_space<vmem>> -> memref<1x2048xf32, #tpu.memory_space<vmem>>
        %dma_start3A_423 = tpu.memref_squeeze %dma_start3A_422 : memref<1x2048xf32, #tpu.memory_space<vmem>> -> memref<2048xf32, #tpu.memory_space<vmem>>
        %dma_start3A_424 = tpu.memref_slice %arg7[%add3A, %dma_start3A_420, %mul3A_166] : memref<39x16x16384xf32, #tpu.memory_space<hbm>> -> memref<1x1x2048xf32, #tpu.memory_space<hbm>>
        %dma_start3A_425 = tpu.memref_squeeze %dma_start3A_424 : memref<1x1x2048xf32, #tpu.memory_space<hbm>> -> memref<2048xf32, #tpu.memory_space<hbm>>
        %dma_start3A_426 = tpu.memref_slice %arg7[%add3A, %dma_start3A_420, %mul3A_166] : memref<39x16x16384xf32, #tpu.memory_space<hbm>> -> memref<1x1x2048xf32, #tpu.memory_space<hbm>>
        %dma_start3A_427 = tpu.memref_squeeze %dma_start3A_426 : memref<1x1x2048xf32, #tpu.memory_space<hbm>> -> memref<2048xf32, #tpu.memory_space<hbm>>
        %dma_start3A_428 = arith.constant 0 : i32
        %dma_start3A_429 = tpu.memref_slice %arg11[%dma_start3A_419, %dma_start3A_428] : memref<2x2048xf32, #tpu.memory_space<vmem>> -> memref<1x2048xf32, #tpu.memory_space<vmem>>
        %dma_start3A_430 = tpu.memref_squeeze %dma_start3A_429 : memref<1x2048xf32, #tpu.memory_space<vmem>> -> memref<2048xf32, #tpu.memory_space<vmem>>
        tpu.enqueue_dma source(%dma_start3A_430 : memref<2048xf32, #tpu.memory_space<vmem>>) target(%dma_start3A_427 : memref<2048xf32, #tpu.memory_space<hbm>>) target_semaphore(%arg19 : memref<!tpu.dma_semaphore, #tpu.memory_space<semaphore_mem>>)
        %dma_wait3A_431 = arith.constant 0 : i32
        %dma_wait3A_432 = arith.constant 0 : i32
        %dma_wait3A_433 = arith.constant 0 : i32
        %dma_wait3A_434 = arith.constant 0 : i32
        %dma_wait3A_435 = tpu.memref_slice %arg11[%dma_wait3A_431, %dma_wait3A_434] : memref<2x2048xf32, #tpu.memory_space<vmem>> -> memref<1x2048xf32, #tpu.memory_space<vmem>>
        %dma_wait3A_436 = tpu.memref_squeeze %dma_wait3A_435 : memref<1x2048xf32, #tpu.memory_space<vmem>> -> memref<2048xf32, #tpu.memory_space<vmem>>
        %dma_wait3A_437 = arith.constant 0 : i32
        %dma_wait3A_438 = tpu.memref_slice %arg7[%dma_wait3A_432, %dma_wait3A_433, %dma_wait3A_437] : memref<39x16x16384xf32, #tpu.memory_space<hbm>> -> memref<1x1x2048xf32, #tpu.memory_space<hbm>>
        %dma_wait3A_439 = tpu.memref_squeeze %dma_wait3A_438 : memref<1x1x2048xf32, #tpu.memory_space<hbm>> -> memref<2048xf32, #tpu.memory_space<hbm>>
        %dma_wait3A_440 = arith.constant 0 : i32
        %dma_wait3A_441 = tpu.memref_slice %arg7[%dma_wait3A_432, %dma_wait3A_433, %dma_wait3A_440] : memref<39x16x16384xf32, #tpu.memory_space<hbm>> -> memref<1x1x2048xf32, #tpu.memory_space<hbm>>
        %dma_wait3A_442 = tpu.memref_squeeze %dma_wait3A_441 : memref<1x1x2048xf32, #tpu.memory_space<hbm>> -> memref<2048xf32, #tpu.memory_space<hbm>>
        %dma_wait3A_443 = arith.constant 0 : i32
        %dma_wait3A_444 = tpu.memref_slice %arg11[%dma_wait3A_431, %dma_wait3A_443] : memref<2x2048xf32, #tpu.memory_space<vmem>> -> memref<1x2048xf32, #tpu.memory_space<vmem>>
        %dma_wait3A_445 = tpu.memref_squeeze %dma_wait3A_444 : memref<1x2048xf32, #tpu.memory_space<vmem>> -> memref<2048xf32, #tpu.memory_space<vmem>>
        tpu.wait_dma2 semaphore(%arg18 : memref<!tpu.dma_semaphore, #tpu.memory_space<semaphore_mem>>) src(%dma_wait3A_445 : memref<2048xf32, #tpu.memory_space<vmem>>) dst(%dma_wait3A_442 : memref<2048xf32, #tpu.memory_space<hbm>>)
        %mul3A_446 = arith.constant 16 : i32
        %mul3A_447 = arith.muli %add3A, %mul3A_446 : i32
        %add3A_448 = arith.constant 8 : i32
        %add3A_449 = arith.addi %mul3A_447, %add3A_448 : i32
        %broadcast_in_dim3A_450 = vector.broadcast %add3A_449 : i32 to vector<16xi32>
        %gather3A_451 = tpu.vector_load_idx %arg12[%broadcast_in_dim3A_450] : memref<208xf32, #tpu.memory_space<vmem>>[vector<16xi32>], vector<16xf32>,
        %gather3A_452 = tpu.vector_load_idx %arg13[%broadcast_in_dim3A_450] : memref<208xf32, #tpu.memory_space<vmem>>[vector<16xi32>], vector<16xf32>,
        %parallel_loop3A_453 = arith.constant 0 : i32
        %parallel_loop3A_454 = arith.constant 128 : i32
        %parallel_loop3A_455 = arith.constant 1 : i32
        scf.for %parallel_loop3A_757 = %parallel_loop3A_453 to %parallel_loop3A_454 step %parallel_loop3A_455  : i32 {
          %parallel_loop3A_758 = arith.constant 16 : i32
          %parallel_loop3A_759 = arith.muli %parallel_loop3A_757, %parallel_loop3A_758 : i32
          %parallel_loop3A_760 = arith.constant 0 : i32
          %parallel_loop3A_761 = arith.index_cast %parallel_loop3A_760 : i32 to index
          %parallel_loop3A_762 = arith.index_cast %parallel_loop3A_759 : i32 to index
          %parallel_loop3A_763 = tpu.vector_load %arg10[%parallel_loop3A_761, %parallel_loop3A_762] {strides = array<i32>} : memref<2x4096xf32, #tpu.memory_space<vmem>>, vector<16xf32>,
          %parallel_loop3A_764 = arith.mulf %parallel_loop3A_763, %gather3A_451 : vector<16xf32>
          %parallel_loop3A_765 = arith.addf %parallel_loop3A_764, %gather3A_452 : vector<16xf32>
          %parallel_loop3A_766 = arith.constant 0 : i32
          %parallel_loop3A_767 = arith.index_cast %parallel_loop3A_766 : i32 to index
          %parallel_loop3A_768 = arith.index_cast %parallel_loop3A_759 : i32 to index
          %parallel_loop3A_769 = tpu.vector_load %arg11[%parallel_loop3A_767, %parallel_loop3A_768] {strides = array<i32>} : memref<2x2048xf32, #tpu.memory_space<vmem>>, vector<16xf32>,
          tpu.vector_store %arg11[%parallel_loop3A_767, %parallel_loop3A_768], %parallel_loop3A_765 {strides = array<i32>} : memref<2x2048xf32, #tpu.memory_space<vmem>>, vector<16xf32>,
        } {sc.loop_unroll_factor = 4 : i64, sc.parallel_access}
        %dma_start3A_456 = arith.constant 0 : i32
        %dma_start3A_457 = arith.constant 8 : i32
        %dma_start3A_458 = arith.constant 0 : i32
        %dma_start3A_459 = tpu.memref_slice %arg11[%dma_start3A_456, %dma_start3A_458] : memref<2x2048xf32, #tpu.memory_space<vmem>> -> memref<1x2048xf32, #tpu.memory_space<vmem>>
        %dma_start3A_460 = tpu.memref_squeeze %dma_start3A_459 : memref<1x2048xf32, #tpu.memory_space<vmem>> -> memref<2048xf32, #tpu.memory_space<vmem>>
        %dma_start3A_461 = tpu.memref_slice %arg7[%add3A, %dma_start3A_457, %mul3A_166] : memref<39x16x16384xf32, #tpu.memory_space<hbm>> -> memref<1x1x2048xf32, #tpu.memory_space<hbm>>
        %dma_start3A_462 = tpu.memref_squeeze %dma_start3A_461 : memref<1x1x2048xf32, #tpu.memory_space<hbm>> -> memref<2048xf32, #tpu.memory_space<hbm>>
        %dma_start3A_463 = tpu.memref_slice %arg7[%add3A, %dma_start3A_457, %mul3A_166] : memref<39x16x16384xf32, #tpu.memory_space<hbm>> -> memref<1x1x2048xf32, #tpu.memory_space<hbm>>
        %dma_start3A_464 = tpu.memref_squeeze %dma_start3A_463 : memref<1x1x2048xf32, #tpu.memory_space<hbm>> -> memref<2048xf32, #tpu.memory_space<hbm>>
        %dma_start3A_465 = arith.constant 0 : i32
        %dma_start3A_466 = tpu.memref_slice %arg11[%dma_start3A_456, %dma_start3A_465] : memref<2x2048xf32, #tpu.memory_space<vmem>> -> memref<1x2048xf32, #tpu.memory_space<vmem>>
        %dma_start3A_467 = tpu.memref_squeeze %dma_start3A_466 : memref<1x2048xf32, #tpu.memory_space<vmem>> -> memref<2048xf32, #tpu.memory_space<vmem>>
        tpu.enqueue_dma source(%dma_start3A_467 : memref<2048xf32, #tpu.memory_space<vmem>>) target(%dma_start3A_464 : memref<2048xf32, #tpu.memory_space<hbm>>) target_semaphore(%arg18 : memref<!tpu.dma_semaphore, #tpu.memory_space<semaphore_mem>>)
        %dma_wait3A_468 = arith.constant 1 : i32
        %dma_wait3A_469 = arith.constant 0 : i32
        %dma_wait3A_470 = arith.constant 0 : i32
        %dma_wait3A_471 = arith.constant 0 : i32
        %dma_wait3A_472 = tpu.memref_slice %arg11[%dma_wait3A_468, %dma_wait3A_471] : memref<2x2048xf32, #tpu.memory_space<vmem>> -> memref<1x2048xf32, #tpu.memory_space<vmem>>
        %dma_wait3A_473 = tpu.memref_squeeze %dma_wait3A_472 : memref<1x2048xf32, #tpu.memory_space<vmem>> -> memref<2048xf32, #tpu.memory_space<vmem>>
        %dma_wait3A_474 = arith.constant 0 : i32
        %dma_wait3A_475 = tpu.memref_slice %arg7[%dma_wait3A_469, %dma_wait3A_470, %dma_wait3A_474] : memref<39x16x16384xf32, #tpu.memory_space<hbm>> -> memref<1x1x2048xf32, #tpu.memory_space<hbm>>
        %dma_wait3A_476 = tpu.memref_squeeze %dma_wait3A_475 : memref<1x1x2048xf32, #tpu.memory_space<hbm>> -> memref<2048xf32, #tpu.memory_space<hbm>>
        %dma_wait3A_477 = arith.constant 0 : i32
        %dma_wait3A_478 = tpu.memref_slice %arg7[%dma_wait3A_469, %dma_wait3A_470, %dma_wait3A_477] : memref<39x16x16384xf32, #tpu.memory_space<hbm>> -> memref<1x1x2048xf32, #tpu.memory_space<hbm>>
        %dma_wait3A_479 = tpu.memref_squeeze %dma_wait3A_478 : memref<1x1x2048xf32, #tpu.memory_space<hbm>> -> memref<2048xf32, #tpu.memory_space<hbm>>
        %dma_wait3A_480 = arith.constant 0 : i32
        %dma_wait3A_481 = tpu.memref_slice %arg11[%dma_wait3A_468, %dma_wait3A_480] : memref<2x2048xf32, #tpu.memory_space<vmem>> -> memref<1x2048xf32, #tpu.memory_space<vmem>>
        %dma_wait3A_482 = tpu.memref_squeeze %dma_wait3A_481 : memref<1x2048xf32, #tpu.memory_space<vmem>> -> memref<2048xf32, #tpu.memory_space<vmem>>
        tpu.wait_dma2 semaphore(%arg19 : memref<!tpu.dma_semaphore, #tpu.memory_space<semaphore_mem>>) src(%dma_wait3A_482 : memref<2048xf32, #tpu.memory_space<vmem>>) dst(%dma_wait3A_479 : memref<2048xf32, #tpu.memory_space<hbm>>)
        %mul3A_483 = arith.constant 16 : i32
        %mul3A_484 = arith.muli %add3A, %mul3A_483 : i32
        %add3A_485 = arith.constant 9 : i32
        %add3A_486 = arith.addi %mul3A_484, %add3A_485 : i32
        %broadcast_in_dim3A_487 = vector.broadcast %add3A_486 : i32 to vector<16xi32>
        %gather3A_488 = tpu.vector_load_idx %arg12[%broadcast_in_dim3A_487] : memref<208xf32, #tpu.memory_space<vmem>>[vector<16xi32>], vector<16xf32>,
        %gather3A_489 = tpu.vector_load_idx %arg13[%broadcast_in_dim3A_487] : memref<208xf32, #tpu.memory_space<vmem>>[vector<16xi32>], vector<16xf32>,
        %parallel_loop3A_490 = arith.constant 0 : i32
        %parallel_loop3A_491 = arith.constant 128 : i32
        %parallel_loop3A_492 = arith.constant 1 : i32
        scf.for %parallel_loop3A_757 = %parallel_loop3A_490 to %parallel_loop3A_491 step %parallel_loop3A_492  : i32 {
          %parallel_loop3A_758 = arith.constant 16 : i32
          %parallel_loop3A_759 = arith.muli %parallel_loop3A_757, %parallel_loop3A_758 : i32
          %parallel_loop3A_760 = arith.constant 0 : i32
          %parallel_loop3A_761 = arith.index_cast %parallel_loop3A_760 : i32 to index
          %parallel_loop3A_762 = arith.index_cast %parallel_loop3A_759 : i32 to index
          %parallel_loop3A_763 = tpu.vector_load %arg10[%parallel_loop3A_761, %parallel_loop3A_762] {strides = array<i32>} : memref<2x4096xf32, #tpu.memory_space<vmem>>, vector<16xf32>,
          %parallel_loop3A_764 = arith.mulf %parallel_loop3A_763, %gather3A_488 : vector<16xf32>
          %parallel_loop3A_765 = arith.addf %parallel_loop3A_764, %gather3A_489 : vector<16xf32>
          %parallel_loop3A_766 = arith.constant 1 : i32
          %parallel_loop3A_767 = arith.index_cast %parallel_loop3A_766 : i32 to index
          %parallel_loop3A_768 = arith.index_cast %parallel_loop3A_759 : i32 to index
          %parallel_loop3A_769 = tpu.vector_load %arg11[%parallel_loop3A_767, %parallel_loop3A_768] {strides = array<i32>} : memref<2x2048xf32, #tpu.memory_space<vmem>>, vector<16xf32>,
          tpu.vector_store %arg11[%parallel_loop3A_767, %parallel_loop3A_768], %parallel_loop3A_765 {strides = array<i32>} : memref<2x2048xf32, #tpu.memory_space<vmem>>, vector<16xf32>,
        } {sc.loop_unroll_factor = 4 : i64, sc.parallel_access}
        %dma_start3A_493 = arith.constant 1 : i32
        %dma_start3A_494 = arith.constant 9 : i32
        %dma_start3A_495 = arith.constant 0 : i32
        %dma_start3A_496 = tpu.memref_slice %arg11[%dma_start3A_493, %dma_start3A_495] : memref<2x2048xf32, #tpu.memory_space<vmem>> -> memref<1x2048xf32, #tpu.memory_space<vmem>>
        %dma_start3A_497 = tpu.memref_squeeze %dma_start3A_496 : memref<1x2048xf32, #tpu.memory_space<vmem>> -> memref<2048xf32, #tpu.memory_space<vmem>>
        %dma_start3A_498 = tpu.memref_slice %arg7[%add3A, %dma_start3A_494, %mul3A_166] : memref<39x16x16384xf32, #tpu.memory_space<hbm>> -> memref<1x1x2048xf32, #tpu.memory_space<hbm>>
        %dma_start3A_499 = tpu.memref_squeeze %dma_start3A_498 : memref<1x1x2048xf32, #tpu.memory_space<hbm>> -> memref<2048xf32, #tpu.memory_space<hbm>>
        %dma_start3A_500 = tpu.memref_slice %arg7[%add3A, %dma_start3A_494, %mul3A_166] : memref<39x16x16384xf32, #tpu.memory_space<hbm>> -> memref<1x1x2048xf32, #tpu.memory_space<hbm>>
        %dma_start3A_501 = tpu.memref_squeeze %dma_start3A_500 : memref<1x1x2048xf32, #tpu.memory_space<hbm>> -> memref<2048xf32, #tpu.memory_space<hbm>>
        %dma_start3A_502 = arith.constant 0 : i32
        %dma_start3A_503 = tpu.memref_slice %arg11[%dma_start3A_493, %dma_start3A_502] : memref<2x2048xf32, #tpu.memory_space<vmem>> -> memref<1x2048xf32, #tpu.memory_space<vmem>>
        %dma_start3A_504 = tpu.memref_squeeze %dma_start3A_503 : memref<1x2048xf32, #tpu.memory_space<vmem>> -> memref<2048xf32, #tpu.memory_space<vmem>>
        tpu.enqueue_dma source(%dma_start3A_504 : memref<2048xf32, #tpu.memory_space<vmem>>) target(%dma_start3A_501 : memref<2048xf32, #tpu.memory_space<hbm>>) target_semaphore(%arg19 : memref<!tpu.dma_semaphore, #tpu.memory_space<semaphore_mem>>)
        %dma_wait3A_505 = arith.constant 0 : i32
        %dma_wait3A_506 = arith.constant 0 : i32
        %dma_wait3A_507 = arith.constant 0 : i32
        %dma_wait3A_508 = arith.constant 0 : i32
        %dma_wait3A_509 = tpu.memref_slice %arg11[%dma_wait3A_505, %dma_wait3A_508] : memref<2x2048xf32, #tpu.memory_space<vmem>> -> memref<1x2048xf32, #tpu.memory_space<vmem>>
        %dma_wait3A_510 = tpu.memref_squeeze %dma_wait3A_509 : memref<1x2048xf32, #tpu.memory_space<vmem>> -> memref<2048xf32, #tpu.memory_space<vmem>>
        %dma_wait3A_511 = arith.constant 0 : i32
        %dma_wait3A_512 = tpu.memref_slice %arg7[%dma_wait3A_506, %dma_wait3A_507, %dma_wait3A_511] : memref<39x16x16384xf32, #tpu.memory_space<hbm>> -> memref<1x1x2048xf32, #tpu.memory_space<hbm>>
        %dma_wait3A_513 = tpu.memref_squeeze %dma_wait3A_512 : memref<1x1x2048xf32, #tpu.memory_space<hbm>> -> memref<2048xf32, #tpu.memory_space<hbm>>
        %dma_wait3A_514 = arith.constant 0 : i32
        %dma_wait3A_515 = tpu.memref_slice %arg7[%dma_wait3A_506, %dma_wait3A_507, %dma_wait3A_514] : memref<39x16x16384xf32, #tpu.memory_space<hbm>> -> memref<1x1x2048xf32, #tpu.memory_space<hbm>>
        %dma_wait3A_516 = tpu.memref_squeeze %dma_wait3A_515 : memref<1x1x2048xf32, #tpu.memory_space<hbm>> -> memref<2048xf32, #tpu.memory_space<hbm>>
        %dma_wait3A_517 = arith.constant 0 : i32
        %dma_wait3A_518 = tpu.memref_slice %arg11[%dma_wait3A_505, %dma_wait3A_517] : memref<2x2048xf32, #tpu.memory_space<vmem>> -> memref<1x2048xf32, #tpu.memory_space<vmem>>
        %dma_wait3A_519 = tpu.memref_squeeze %dma_wait3A_518 : memref<1x2048xf32, #tpu.memory_space<vmem>> -> memref<2048xf32, #tpu.memory_space<vmem>>
        tpu.wait_dma2 semaphore(%arg18 : memref<!tpu.dma_semaphore, #tpu.memory_space<semaphore_mem>>) src(%dma_wait3A_519 : memref<2048xf32, #tpu.memory_space<vmem>>) dst(%dma_wait3A_516 : memref<2048xf32, #tpu.memory_space<hbm>>)
        %mul3A_520 = arith.constant 16 : i32
        %mul3A_521 = arith.muli %add3A, %mul3A_520 : i32
        %add3A_522 = arith.constant 10 : i32
        %add3A_523 = arith.addi %mul3A_521, %add3A_522 : i32
        %broadcast_in_dim3A_524 = vector.broadcast %add3A_523 : i32 to vector<16xi32>
        %gather3A_525 = tpu.vector_load_idx %arg12[%broadcast_in_dim3A_524] : memref<208xf32, #tpu.memory_space<vmem>>[vector<16xi32>], vector<16xf32>,
        %gather3A_526 = tpu.vector_load_idx %arg13[%broadcast_in_dim3A_524] : memref<208xf32, #tpu.memory_space<vmem>>[vector<16xi32>], vector<16xf32>,
        %parallel_loop3A_527 = arith.constant 0 : i32
        %parallel_loop3A_528 = arith.constant 128 : i32
        %parallel_loop3A_529 = arith.constant 1 : i32
        scf.for %parallel_loop3A_757 = %parallel_loop3A_527 to %parallel_loop3A_528 step %parallel_loop3A_529  : i32 {
          %parallel_loop3A_758 = arith.constant 16 : i32
          %parallel_loop3A_759 = arith.muli %parallel_loop3A_757, %parallel_loop3A_758 : i32
          %parallel_loop3A_760 = arith.constant 0 : i32
          %parallel_loop3A_761 = arith.index_cast %parallel_loop3A_760 : i32 to index
          %parallel_loop3A_762 = arith.index_cast %parallel_loop3A_759 : i32 to index
          %parallel_loop3A_763 = tpu.vector_load %arg10[%parallel_loop3A_761, %parallel_loop3A_762] {strides = array<i32>} : memref<2x4096xf32, #tpu.memory_space<vmem>>, vector<16xf32>,
          %parallel_loop3A_764 = arith.mulf %parallel_loop3A_763, %gather3A_525 : vector<16xf32>
          %parallel_loop3A_765 = arith.addf %parallel_loop3A_764, %gather3A_526 : vector<16xf32>
          %parallel_loop3A_766 = arith.constant 0 : i32
          %parallel_loop3A_767 = arith.index_cast %parallel_loop3A_766 : i32 to index
          %parallel_loop3A_768 = arith.index_cast %parallel_loop3A_759 : i32 to index
          %parallel_loop3A_769 = tpu.vector_load %arg11[%parallel_loop3A_767, %parallel_loop3A_768] {strides = array<i32>} : memref<2x2048xf32, #tpu.memory_space<vmem>>, vector<16xf32>,
          tpu.vector_store %arg11[%parallel_loop3A_767, %parallel_loop3A_768], %parallel_loop3A_765 {strides = array<i32>} : memref<2x2048xf32, #tpu.memory_space<vmem>>, vector<16xf32>,
        } {sc.loop_unroll_factor = 4 : i64, sc.parallel_access}
        %dma_start3A_530 = arith.constant 0 : i32
        %dma_start3A_531 = arith.constant 10 : i32
        %dma_start3A_532 = arith.constant 0 : i32
        %dma_start3A_533 = tpu.memref_slice %arg11[%dma_start3A_530, %dma_start3A_532] : memref<2x2048xf32, #tpu.memory_space<vmem>> -> memref<1x2048xf32, #tpu.memory_space<vmem>>
        %dma_start3A_534 = tpu.memref_squeeze %dma_start3A_533 : memref<1x2048xf32, #tpu.memory_space<vmem>> -> memref<2048xf32, #tpu.memory_space<vmem>>
        %dma_start3A_535 = tpu.memref_slice %arg7[%add3A, %dma_start3A_531, %mul3A_166] : memref<39x16x16384xf32, #tpu.memory_space<hbm>> -> memref<1x1x2048xf32, #tpu.memory_space<hbm>>
        %dma_start3A_536 = tpu.memref_squeeze %dma_start3A_535 : memref<1x1x2048xf32, #tpu.memory_space<hbm>> -> memref<2048xf32, #tpu.memory_space<hbm>>
        %dma_start3A_537 = tpu.memref_slice %arg7[%add3A, %dma_start3A_531, %mul3A_166] : memref<39x16x16384xf32, #tpu.memory_space<hbm>> -> memref<1x1x2048xf32, #tpu.memory_space<hbm>>
        %dma_start3A_538 = tpu.memref_squeeze %dma_start3A_537 : memref<1x1x2048xf32, #tpu.memory_space<hbm>> -> memref<2048xf32, #tpu.memory_space<hbm>>
        %dma_start3A_539 = arith.constant 0 : i32
        %dma_start3A_540 = tpu.memref_slice %arg11[%dma_start3A_530, %dma_start3A_539] : memref<2x2048xf32, #tpu.memory_space<vmem>> -> memref<1x2048xf32, #tpu.memory_space<vmem>>
        %dma_start3A_541 = tpu.memref_squeeze %dma_start3A_540 : memref<1x2048xf32, #tpu.memory_space<vmem>> -> memref<2048xf32, #tpu.memory_space<vmem>>
        tpu.enqueue_dma source(%dma_start3A_541 : memref<2048xf32, #tpu.memory_space<vmem>>) target(%dma_start3A_538 : memref<2048xf32, #tpu.memory_space<hbm>>) target_semaphore(%arg18 : memref<!tpu.dma_semaphore, #tpu.memory_space<semaphore_mem>>)
        %dma_wait3A_542 = arith.constant 1 : i32
        %dma_wait3A_543 = arith.constant 0 : i32
        %dma_wait3A_544 = arith.constant 0 : i32
        %dma_wait3A_545 = arith.constant 0 : i32
        %dma_wait3A_546 = tpu.memref_slice %arg11[%dma_wait3A_542, %dma_wait3A_545] : memref<2x2048xf32, #tpu.memory_space<vmem>> -> memref<1x2048xf32, #tpu.memory_space<vmem>>
        %dma_wait3A_547 = tpu.memref_squeeze %dma_wait3A_546 : memref<1x2048xf32, #tpu.memory_space<vmem>> -> memref<2048xf32, #tpu.memory_space<vmem>>
        %dma_wait3A_548 = arith.constant 0 : i32
        %dma_wait3A_549 = tpu.memref_slice %arg7[%dma_wait3A_543, %dma_wait3A_544, %dma_wait3A_548] : memref<39x16x16384xf32, #tpu.memory_space<hbm>> -> memref<1x1x2048xf32, #tpu.memory_space<hbm>>
        %dma_wait3A_550 = tpu.memref_squeeze %dma_wait3A_549 : memref<1x1x2048xf32, #tpu.memory_space<hbm>> -> memref<2048xf32, #tpu.memory_space<hbm>>
        %dma_wait3A_551 = arith.constant 0 : i32
        %dma_wait3A_552 = tpu.memref_slice %arg7[%dma_wait3A_543, %dma_wait3A_544, %dma_wait3A_551] : memref<39x16x16384xf32, #tpu.memory_space<hbm>> -> memref<1x1x2048xf32, #tpu.memory_space<hbm>>
        %dma_wait3A_553 = tpu.memref_squeeze %dma_wait3A_552 : memref<1x1x2048xf32, #tpu.memory_space<hbm>> -> memref<2048xf32, #tpu.memory_space<hbm>>
        %dma_wait3A_554 = arith.constant 0 : i32
        %dma_wait3A_555 = tpu.memref_slice %arg11[%dma_wait3A_542, %dma_wait3A_554] : memref<2x2048xf32, #tpu.memory_space<vmem>> -> memref<1x2048xf32, #tpu.memory_space<vmem>>
        %dma_wait3A_556 = tpu.memref_squeeze %dma_wait3A_555 : memref<1x2048xf32, #tpu.memory_space<vmem>> -> memref<2048xf32, #tpu.memory_space<vmem>>
        tpu.wait_dma2 semaphore(%arg19 : memref<!tpu.dma_semaphore, #tpu.memory_space<semaphore_mem>>) src(%dma_wait3A_556 : memref<2048xf32, #tpu.memory_space<vmem>>) dst(%dma_wait3A_553 : memref<2048xf32, #tpu.memory_space<hbm>>)
        %mul3A_557 = arith.constant 16 : i32
        %mul3A_558 = arith.muli %add3A, %mul3A_557 : i32
        %add3A_559 = arith.constant 11 : i32
        %add3A_560 = arith.addi %mul3A_558, %add3A_559 : i32
        %broadcast_in_dim3A_561 = vector.broadcast %add3A_560 : i32 to vector<16xi32>
        %gather3A_562 = tpu.vector_load_idx %arg12[%broadcast_in_dim3A_561] : memref<208xf32, #tpu.memory_space<vmem>>[vector<16xi32>], vector<16xf32>,
        %gather3A_563 = tpu.vector_load_idx %arg13[%broadcast_in_dim3A_561] : memref<208xf32, #tpu.memory_space<vmem>>[vector<16xi32>], vector<16xf32>,
        %parallel_loop3A_564 = arith.constant 0 : i32
        %parallel_loop3A_565 = arith.constant 128 : i32
        %parallel_loop3A_566 = arith.constant 1 : i32
        scf.for %parallel_loop3A_757 = %parallel_loop3A_564 to %parallel_loop3A_565 step %parallel_loop3A_566  : i32 {
          %parallel_loop3A_758 = arith.constant 16 : i32
          %parallel_loop3A_759 = arith.muli %parallel_loop3A_757, %parallel_loop3A_758 : i32
          %parallel_loop3A_760 = arith.constant 0 : i32
          %parallel_loop3A_761 = arith.index_cast %parallel_loop3A_760 : i32 to index
          %parallel_loop3A_762 = arith.index_cast %parallel_loop3A_759 : i32 to index
          %parallel_loop3A_763 = tpu.vector_load %arg10[%parallel_loop3A_761, %parallel_loop3A_762] {strides = array<i32>} : memref<2x4096xf32, #tpu.memory_space<vmem>>, vector<16xf32>,
          %parallel_loop3A_764 = arith.mulf %parallel_loop3A_763, %gather3A_562 : vector<16xf32>
          %parallel_loop3A_765 = arith.addf %parallel_loop3A_764, %gather3A_563 : vector<16xf32>
          %parallel_loop3A_766 = arith.constant 1 : i32
          %parallel_loop3A_767 = arith.index_cast %parallel_loop3A_766 : i32 to index
          %parallel_loop3A_768 = arith.index_cast %parallel_loop3A_759 : i32 to index
          %parallel_loop3A_769 = tpu.vector_load %arg11[%parallel_loop3A_767, %parallel_loop3A_768] {strides = array<i32>} : memref<2x2048xf32, #tpu.memory_space<vmem>>, vector<16xf32>,
          tpu.vector_store %arg11[%parallel_loop3A_767, %parallel_loop3A_768], %parallel_loop3A_765 {strides = array<i32>} : memref<2x2048xf32, #tpu.memory_space<vmem>>, vector<16xf32>,
        } {sc.loop_unroll_factor = 4 : i64, sc.parallel_access}
        %dma_start3A_567 = arith.constant 1 : i32
        %dma_start3A_568 = arith.constant 11 : i32
        %dma_start3A_569 = arith.constant 0 : i32
        %dma_start3A_570 = tpu.memref_slice %arg11[%dma_start3A_567, %dma_start3A_569] : memref<2x2048xf32, #tpu.memory_space<vmem>> -> memref<1x2048xf32, #tpu.memory_space<vmem>>
        %dma_start3A_571 = tpu.memref_squeeze %dma_start3A_570 : memref<1x2048xf32, #tpu.memory_space<vmem>> -> memref<2048xf32, #tpu.memory_space<vmem>>
        %dma_start3A_572 = tpu.memref_slice %arg7[%add3A, %dma_start3A_568, %mul3A_166] : memref<39x16x16384xf32, #tpu.memory_space<hbm>> -> memref<1x1x2048xf32, #tpu.memory_space<hbm>>
        %dma_start3A_573 = tpu.memref_squeeze %dma_start3A_572 : memref<1x1x2048xf32, #tpu.memory_space<hbm>> -> memref<2048xf32, #tpu.memory_space<hbm>>
        %dma_start3A_574 = tpu.memref_slice %arg7[%add3A, %dma_start3A_568, %mul3A_166] : memref<39x16x16384xf32, #tpu.memory_space<hbm>> -> memref<1x1x2048xf32, #tpu.memory_space<hbm>>
        %dma_start3A_575 = tpu.memref_squeeze %dma_start3A_574 : memref<1x1x2048xf32, #tpu.memory_space<hbm>> -> memref<2048xf32, #tpu.memory_space<hbm>>
        %dma_start3A_576 = arith.constant 0 : i32
        %dma_start3A_577 = tpu.memref_slice %arg11[%dma_start3A_567, %dma_start3A_576] : memref<2x2048xf32, #tpu.memory_space<vmem>> -> memref<1x2048xf32, #tpu.memory_space<vmem>>
        %dma_start3A_578 = tpu.memref_squeeze %dma_start3A_577 : memref<1x2048xf32, #tpu.memory_space<vmem>> -> memref<2048xf32, #tpu.memory_space<vmem>>
        tpu.enqueue_dma source(%dma_start3A_578 : memref<2048xf32, #tpu.memory_space<vmem>>) target(%dma_start3A_575 : memref<2048xf32, #tpu.memory_space<hbm>>) target_semaphore(%arg19 : memref<!tpu.dma_semaphore, #tpu.memory_space<semaphore_mem>>)
        %dma_wait3A_579 = arith.constant 0 : i32
        %dma_wait3A_580 = arith.constant 0 : i32
        %dma_wait3A_581 = arith.constant 0 : i32
        %dma_wait3A_582 = arith.constant 0 : i32
        %dma_wait3A_583 = tpu.memref_slice %arg11[%dma_wait3A_579, %dma_wait3A_582] : memref<2x2048xf32, #tpu.memory_space<vmem>> -> memref<1x2048xf32, #tpu.memory_space<vmem>>
        %dma_wait3A_584 = tpu.memref_squeeze %dma_wait3A_583 : memref<1x2048xf32, #tpu.memory_space<vmem>> -> memref<2048xf32, #tpu.memory_space<vmem>>
        %dma_wait3A_585 = arith.constant 0 : i32
        %dma_wait3A_586 = tpu.memref_slice %arg7[%dma_wait3A_580, %dma_wait3A_581, %dma_wait3A_585] : memref<39x16x16384xf32, #tpu.memory_space<hbm>> -> memref<1x1x2048xf32, #tpu.memory_space<hbm>>
        %dma_wait3A_587 = tpu.memref_squeeze %dma_wait3A_586 : memref<1x1x2048xf32, #tpu.memory_space<hbm>> -> memref<2048xf32, #tpu.memory_space<hbm>>
        %dma_wait3A_588 = arith.constant 0 : i32
        %dma_wait3A_589 = tpu.memref_slice %arg7[%dma_wait3A_580, %dma_wait3A_581, %dma_wait3A_588] : memref<39x16x16384xf32, #tpu.memory_space<hbm>> -> memref<1x1x2048xf32, #tpu.memory_space<hbm>>
        %dma_wait3A_590 = tpu.memref_squeeze %dma_wait3A_589 : memref<1x1x2048xf32, #tpu.memory_space<hbm>> -> memref<2048xf32, #tpu.memory_space<hbm>>
        %dma_wait3A_591 = arith.constant 0 : i32
        %dma_wait3A_592 = tpu.memref_slice %arg11[%dma_wait3A_579, %dma_wait3A_591] : memref<2x2048xf32, #tpu.memory_space<vmem>> -> memref<1x2048xf32, #tpu.memory_space<vmem>>
        %dma_wait3A_593 = tpu.memref_squeeze %dma_wait3A_592 : memref<1x2048xf32, #tpu.memory_space<vmem>> -> memref<2048xf32, #tpu.memory_space<vmem>>
        tpu.wait_dma2 semaphore(%arg18 : memref<!tpu.dma_semaphore, #tpu.memory_space<semaphore_mem>>) src(%dma_wait3A_593 : memref<2048xf32, #tpu.memory_space<vmem>>) dst(%dma_wait3A_590 : memref<2048xf32, #tpu.memory_space<hbm>>)
        %mul3A_594 = arith.constant 16 : i32
        %mul3A_595 = arith.muli %add3A, %mul3A_594 : i32
        %add3A_596 = arith.constant 12 : i32
        %add3A_597 = arith.addi %mul3A_595, %add3A_596 : i32
        %broadcast_in_dim3A_598 = vector.broadcast %add3A_597 : i32 to vector<16xi32>
        %gather3A_599 = tpu.vector_load_idx %arg12[%broadcast_in_dim3A_598] : memref<208xf32, #tpu.memory_space<vmem>>[vector<16xi32>], vector<16xf32>,
        %gather3A_600 = tpu.vector_load_idx %arg13[%broadcast_in_dim3A_598] : memref<208xf32, #tpu.memory_space<vmem>>[vector<16xi32>], vector<16xf32>,
        %parallel_loop3A_601 = arith.constant 0 : i32
        %parallel_loop3A_602 = arith.constant 128 : i32
        %parallel_loop3A_603 = arith.constant 1 : i32
        scf.for %parallel_loop3A_757 = %parallel_loop3A_601 to %parallel_loop3A_602 step %parallel_loop3A_603  : i32 {
          %parallel_loop3A_758 = arith.constant 16 : i32
          %parallel_loop3A_759 = arith.muli %parallel_loop3A_757, %parallel_loop3A_758 : i32
          %parallel_loop3A_760 = arith.constant 0 : i32
          %parallel_loop3A_761 = arith.index_cast %parallel_loop3A_760 : i32 to index
          %parallel_loop3A_762 = arith.index_cast %parallel_loop3A_759 : i32 to index
          %parallel_loop3A_763 = tpu.vector_load %arg10[%parallel_loop3A_761, %parallel_loop3A_762] {strides = array<i32>} : memref<2x4096xf32, #tpu.memory_space<vmem>>, vector<16xf32>,
          %parallel_loop3A_764 = arith.mulf %parallel_loop3A_763, %gather3A_599 : vector<16xf32>
          %parallel_loop3A_765 = arith.addf %parallel_loop3A_764, %gather3A_600 : vector<16xf32>
          %parallel_loop3A_766 = arith.constant 0 : i32
          %parallel_loop3A_767 = arith.index_cast %parallel_loop3A_766 : i32 to index
          %parallel_loop3A_768 = arith.index_cast %parallel_loop3A_759 : i32 to index
          %parallel_loop3A_769 = tpu.vector_load %arg11[%parallel_loop3A_767, %parallel_loop3A_768] {strides = array<i32>} : memref<2x2048xf32, #tpu.memory_space<vmem>>, vector<16xf32>,
          tpu.vector_store %arg11[%parallel_loop3A_767, %parallel_loop3A_768], %parallel_loop3A_765 {strides = array<i32>} : memref<2x2048xf32, #tpu.memory_space<vmem>>, vector<16xf32>,
        } {sc.loop_unroll_factor = 4 : i64, sc.parallel_access}
        %dma_start3A_604 = arith.constant 0 : i32
        %dma_start3A_605 = arith.constant 12 : i32
        %dma_start3A_606 = arith.constant 0 : i32
        %dma_start3A_607 = tpu.memref_slice %arg11[%dma_start3A_604, %dma_start3A_606] : memref<2x2048xf32, #tpu.memory_space<vmem>> -> memref<1x2048xf32, #tpu.memory_space<vmem>>
        %dma_start3A_608 = tpu.memref_squeeze %dma_start3A_607 : memref<1x2048xf32, #tpu.memory_space<vmem>> -> memref<2048xf32, #tpu.memory_space<vmem>>
        %dma_start3A_609 = tpu.memref_slice %arg7[%add3A, %dma_start3A_605, %mul3A_166] : memref<39x16x16384xf32, #tpu.memory_space<hbm>> -> memref<1x1x2048xf32, #tpu.memory_space<hbm>>
        %dma_start3A_610 = tpu.memref_squeeze %dma_start3A_609 : memref<1x1x2048xf32, #tpu.memory_space<hbm>> -> memref<2048xf32, #tpu.memory_space<hbm>>
        %dma_start3A_611 = tpu.memref_slice %arg7[%add3A, %dma_start3A_605, %mul3A_166] : memref<39x16x16384xf32, #tpu.memory_space<hbm>> -> memref<1x1x2048xf32, #tpu.memory_space<hbm>>
        %dma_start3A_612 = tpu.memref_squeeze %dma_start3A_611 : memref<1x1x2048xf32, #tpu.memory_space<hbm>> -> memref<2048xf32, #tpu.memory_space<hbm>>
        %dma_start3A_613 = arith.constant 0 : i32
        %dma_start3A_614 = tpu.memref_slice %arg11[%dma_start3A_604, %dma_start3A_613] : memref<2x2048xf32, #tpu.memory_space<vmem>> -> memref<1x2048xf32, #tpu.memory_space<vmem>>
        %dma_start3A_615 = tpu.memref_squeeze %dma_start3A_614 : memref<1x2048xf32, #tpu.memory_space<vmem>> -> memref<2048xf32, #tpu.memory_space<vmem>>
        tpu.enqueue_dma source(%dma_start3A_615 : memref<2048xf32, #tpu.memory_space<vmem>>) target(%dma_start3A_612 : memref<2048xf32, #tpu.memory_space<hbm>>) target_semaphore(%arg18 : memref<!tpu.dma_semaphore, #tpu.memory_space<semaphore_mem>>)
        %dma_wait3A_616 = arith.constant 1 : i32
        %dma_wait3A_617 = arith.constant 0 : i32
        %dma_wait3A_618 = arith.constant 0 : i32
        %dma_wait3A_619 = arith.constant 0 : i32
        %dma_wait3A_620 = tpu.memref_slice %arg11[%dma_wait3A_616, %dma_wait3A_619] : memref<2x2048xf32, #tpu.memory_space<vmem>> -> memref<1x2048xf32, #tpu.memory_space<vmem>>
        %dma_wait3A_621 = tpu.memref_squeeze %dma_wait3A_620 : memref<1x2048xf32, #tpu.memory_space<vmem>> -> memref<2048xf32, #tpu.memory_space<vmem>>
        %dma_wait3A_622 = arith.constant 0 : i32
        %dma_wait3A_623 = tpu.memref_slice %arg7[%dma_wait3A_617, %dma_wait3A_618, %dma_wait3A_622] : memref<39x16x16384xf32, #tpu.memory_space<hbm>> -> memref<1x1x2048xf32, #tpu.memory_space<hbm>>
        %dma_wait3A_624 = tpu.memref_squeeze %dma_wait3A_623 : memref<1x1x2048xf32, #tpu.memory_space<hbm>> -> memref<2048xf32, #tpu.memory_space<hbm>>
        %dma_wait3A_625 = arith.constant 0 : i32
        %dma_wait3A_626 = tpu.memref_slice %arg7[%dma_wait3A_617, %dma_wait3A_618, %dma_wait3A_625] : memref<39x16x16384xf32, #tpu.memory_space<hbm>> -> memref<1x1x2048xf32, #tpu.memory_space<hbm>>
        %dma_wait3A_627 = tpu.memref_squeeze %dma_wait3A_626 : memref<1x1x2048xf32, #tpu.memory_space<hbm>> -> memref<2048xf32, #tpu.memory_space<hbm>>
        %dma_wait3A_628 = arith.constant 0 : i32
        %dma_wait3A_629 = tpu.memref_slice %arg11[%dma_wait3A_616, %dma_wait3A_628] : memref<2x2048xf32, #tpu.memory_space<vmem>> -> memref<1x2048xf32, #tpu.memory_space<vmem>>
        %dma_wait3A_630 = tpu.memref_squeeze %dma_wait3A_629 : memref<1x2048xf32, #tpu.memory_space<vmem>> -> memref<2048xf32, #tpu.memory_space<vmem>>
        tpu.wait_dma2 semaphore(%arg19 : memref<!tpu.dma_semaphore, #tpu.memory_space<semaphore_mem>>) src(%dma_wait3A_630 : memref<2048xf32, #tpu.memory_space<vmem>>) dst(%dma_wait3A_627 : memref<2048xf32, #tpu.memory_space<hbm>>)
        %mul3A_631 = arith.constant 16 : i32
        %mul3A_632 = arith.muli %add3A, %mul3A_631 : i32
        %add3A_633 = arith.constant 13 : i32
        %add3A_634 = arith.addi %mul3A_632, %add3A_633 : i32
        %broadcast_in_dim3A_635 = vector.broadcast %add3A_634 : i32 to vector<16xi32>
        %gather3A_636 = tpu.vector_load_idx %arg12[%broadcast_in_dim3A_635] : memref<208xf32, #tpu.memory_space<vmem>>[vector<16xi32>], vector<16xf32>,
        %gather3A_637 = tpu.vector_load_idx %arg13[%broadcast_in_dim3A_635] : memref<208xf32, #tpu.memory_space<vmem>>[vector<16xi32>], vector<16xf32>,
        %parallel_loop3A_638 = arith.constant 0 : i32
        %parallel_loop3A_639 = arith.constant 128 : i32
        %parallel_loop3A_640 = arith.constant 1 : i32
        scf.for %parallel_loop3A_757 = %parallel_loop3A_638 to %parallel_loop3A_639 step %parallel_loop3A_640  : i32 {
          %parallel_loop3A_758 = arith.constant 16 : i32
          %parallel_loop3A_759 = arith.muli %parallel_loop3A_757, %parallel_loop3A_758 : i32
          %parallel_loop3A_760 = arith.constant 0 : i32
          %parallel_loop3A_761 = arith.index_cast %parallel_loop3A_760 : i32 to index
          %parallel_loop3A_762 = arith.index_cast %parallel_loop3A_759 : i32 to index
          %parallel_loop3A_763 = tpu.vector_load %arg10[%parallel_loop3A_761, %parallel_loop3A_762] {strides = array<i32>} : memref<2x4096xf32, #tpu.memory_space<vmem>>, vector<16xf32>,
          %parallel_loop3A_764 = arith.mulf %parallel_loop3A_763, %gather3A_636 : vector<16xf32>
          %parallel_loop3A_765 = arith.addf %parallel_loop3A_764, %gather3A_637 : vector<16xf32>
          %parallel_loop3A_766 = arith.constant 1 : i32
          %parallel_loop3A_767 = arith.index_cast %parallel_loop3A_766 : i32 to index
          %parallel_loop3A_768 = arith.index_cast %parallel_loop3A_759 : i32 to index
          %parallel_loop3A_769 = tpu.vector_load %arg11[%parallel_loop3A_767, %parallel_loop3A_768] {strides = array<i32>} : memref<2x2048xf32, #tpu.memory_space<vmem>>, vector<16xf32>,
          tpu.vector_store %arg11[%parallel_loop3A_767, %parallel_loop3A_768], %parallel_loop3A_765 {strides = array<i32>} : memref<2x2048xf32, #tpu.memory_space<vmem>>, vector<16xf32>,
        } {sc.loop_unroll_factor = 4 : i64, sc.parallel_access}
        %dma_start3A_641 = arith.constant 1 : i32
        %dma_start3A_642 = arith.constant 13 : i32
        %dma_start3A_643 = arith.constant 0 : i32
        %dma_start3A_644 = tpu.memref_slice %arg11[%dma_start3A_641, %dma_start3A_643] : memref<2x2048xf32, #tpu.memory_space<vmem>> -> memref<1x2048xf32, #tpu.memory_space<vmem>>
        %dma_start3A_645 = tpu.memref_squeeze %dma_start3A_644 : memref<1x2048xf32, #tpu.memory_space<vmem>> -> memref<2048xf32, #tpu.memory_space<vmem>>
        %dma_start3A_646 = tpu.memref_slice %arg7[%add3A, %dma_start3A_642, %mul3A_166] : memref<39x16x16384xf32, #tpu.memory_space<hbm>> -> memref<1x1x2048xf32, #tpu.memory_space<hbm>>
        %dma_start3A_647 = tpu.memref_squeeze %dma_start3A_646 : memref<1x1x2048xf32, #tpu.memory_space<hbm>> -> memref<2048xf32, #tpu.memory_space<hbm>>
        %dma_start3A_648 = tpu.memref_slice %arg7[%add3A, %dma_start3A_642, %mul3A_166] : memref<39x16x16384xf32, #tpu.memory_space<hbm>> -> memref<1x1x2048xf32, #tpu.memory_space<hbm>>
        %dma_start3A_649 = tpu.memref_squeeze %dma_start3A_648 : memref<1x1x2048xf32, #tpu.memory_space<hbm>> -> memref<2048xf32, #tpu.memory_space<hbm>>
        %dma_start3A_650 = arith.constant 0 : i32
        %dma_start3A_651 = tpu.memref_slice %arg11[%dma_start3A_641, %dma_start3A_650] : memref<2x2048xf32, #tpu.memory_space<vmem>> -> memref<1x2048xf32, #tpu.memory_space<vmem>>
        %dma_start3A_652 = tpu.memref_squeeze %dma_start3A_651 : memref<1x2048xf32, #tpu.memory_space<vmem>> -> memref<2048xf32, #tpu.memory_space<vmem>>
        tpu.enqueue_dma source(%dma_start3A_652 : memref<2048xf32, #tpu.memory_space<vmem>>) target(%dma_start3A_649 : memref<2048xf32, #tpu.memory_space<hbm>>) target_semaphore(%arg19 : memref<!tpu.dma_semaphore, #tpu.memory_space<semaphore_mem>>)
        %dma_wait3A_653 = arith.constant 0 : i32
        %dma_wait3A_654 = arith.constant 0 : i32
        %dma_wait3A_655 = arith.constant 0 : i32
        %dma_wait3A_656 = arith.constant 0 : i32
        %dma_wait3A_657 = tpu.memref_slice %arg11[%dma_wait3A_653, %dma_wait3A_656] : memref<2x2048xf32, #tpu.memory_space<vmem>> -> memref<1x2048xf32, #tpu.memory_space<vmem>>
        %dma_wait3A_658 = tpu.memref_squeeze %dma_wait3A_657 : memref<1x2048xf32, #tpu.memory_space<vmem>> -> memref<2048xf32, #tpu.memory_space<vmem>>
        %dma_wait3A_659 = arith.constant 0 : i32
        %dma_wait3A_660 = tpu.memref_slice %arg7[%dma_wait3A_654, %dma_wait3A_655, %dma_wait3A_659] : memref<39x16x16384xf32, #tpu.memory_space<hbm>> -> memref<1x1x2048xf32, #tpu.memory_space<hbm>>
        %dma_wait3A_661 = tpu.memref_squeeze %dma_wait3A_660 : memref<1x1x2048xf32, #tpu.memory_space<hbm>> -> memref<2048xf32, #tpu.memory_space<hbm>>
        %dma_wait3A_662 = arith.constant 0 : i32
        %dma_wait3A_663 = tpu.memref_slice %arg7[%dma_wait3A_654, %dma_wait3A_655, %dma_wait3A_662] : memref<39x16x16384xf32, #tpu.memory_space<hbm>> -> memref<1x1x2048xf32, #tpu.memory_space<hbm>>
        %dma_wait3A_664 = tpu.memref_squeeze %dma_wait3A_663 : memref<1x1x2048xf32, #tpu.memory_space<hbm>> -> memref<2048xf32, #tpu.memory_space<hbm>>
        %dma_wait3A_665 = arith.constant 0 : i32
        %dma_wait3A_666 = tpu.memref_slice %arg11[%dma_wait3A_653, %dma_wait3A_665] : memref<2x2048xf32, #tpu.memory_space<vmem>> -> memref<1x2048xf32, #tpu.memory_space<vmem>>
        %dma_wait3A_667 = tpu.memref_squeeze %dma_wait3A_666 : memref<1x2048xf32, #tpu.memory_space<vmem>> -> memref<2048xf32, #tpu.memory_space<vmem>>
        tpu.wait_dma2 semaphore(%arg18 : memref<!tpu.dma_semaphore, #tpu.memory_space<semaphore_mem>>) src(%dma_wait3A_667 : memref<2048xf32, #tpu.memory_space<vmem>>) dst(%dma_wait3A_664 : memref<2048xf32, #tpu.memory_space<hbm>>)
        %mul3A_668 = arith.constant 16 : i32
        %mul3A_669 = arith.muli %add3A, %mul3A_668 : i32
        %add3A_670 = arith.constant 14 : i32
        %add3A_671 = arith.addi %mul3A_669, %add3A_670 : i32
        %broadcast_in_dim3A_672 = vector.broadcast %add3A_671 : i32 to vector<16xi32>
        %gather3A_673 = tpu.vector_load_idx %arg12[%broadcast_in_dim3A_672] : memref<208xf32, #tpu.memory_space<vmem>>[vector<16xi32>], vector<16xf32>,
        %gather3A_674 = tpu.vector_load_idx %arg13[%broadcast_in_dim3A_672] : memref<208xf32, #tpu.memory_space<vmem>>[vector<16xi32>], vector<16xf32>,
        %parallel_loop3A_675 = arith.constant 0 : i32
        %parallel_loop3A_676 = arith.constant 128 : i32
        %parallel_loop3A_677 = arith.constant 1 : i32
        scf.for %parallel_loop3A_757 = %parallel_loop3A_675 to %parallel_loop3A_676 step %parallel_loop3A_677  : i32 {
          %parallel_loop3A_758 = arith.constant 16 : i32
          %parallel_loop3A_759 = arith.muli %parallel_loop3A_757, %parallel_loop3A_758 : i32
          %parallel_loop3A_760 = arith.constant 0 : i32
          %parallel_loop3A_761 = arith.index_cast %parallel_loop3A_760 : i32 to index
          %parallel_loop3A_762 = arith.index_cast %parallel_loop3A_759 : i32 to index
          %parallel_loop3A_763 = tpu.vector_load %arg10[%parallel_loop3A_761, %parallel_loop3A_762] {strides = array<i32>} : memref<2x4096xf32, #tpu.memory_space<vmem>>, vector<16xf32>,
          %parallel_loop3A_764 = arith.mulf %parallel_loop3A_763, %gather3A_673 : vector<16xf32>
          %parallel_loop3A_765 = arith.addf %parallel_loop3A_764, %gather3A_674 : vector<16xf32>
          %parallel_loop3A_766 = arith.constant 0 : i32
          %parallel_loop3A_767 = arith.index_cast %parallel_loop3A_766 : i32 to index
          %parallel_loop3A_768 = arith.index_cast %parallel_loop3A_759 : i32 to index
          %parallel_loop3A_769 = tpu.vector_load %arg11[%parallel_loop3A_767, %parallel_loop3A_768] {strides = array<i32>} : memref<2x2048xf32, #tpu.memory_space<vmem>>, vector<16xf32>,
          tpu.vector_store %arg11[%parallel_loop3A_767, %parallel_loop3A_768], %parallel_loop3A_765 {strides = array<i32>} : memref<2x2048xf32, #tpu.memory_space<vmem>>, vector<16xf32>,
        } {sc.loop_unroll_factor = 4 : i64, sc.parallel_access}
        %dma_start3A_678 = arith.constant 0 : i32
        %dma_start3A_679 = arith.constant 14 : i32
        %dma_start3A_680 = arith.constant 0 : i32
        %dma_start3A_681 = tpu.memref_slice %arg11[%dma_start3A_678, %dma_start3A_680] : memref<2x2048xf32, #tpu.memory_space<vmem>> -> memref<1x2048xf32, #tpu.memory_space<vmem>>
        %dma_start3A_682 = tpu.memref_squeeze %dma_start3A_681 : memref<1x2048xf32, #tpu.memory_space<vmem>> -> memref<2048xf32, #tpu.memory_space<vmem>>
        %dma_start3A_683 = tpu.memref_slice %arg7[%add3A, %dma_start3A_679, %mul3A_166] : memref<39x16x16384xf32, #tpu.memory_space<hbm>> -> memref<1x1x2048xf32, #tpu.memory_space<hbm>>
        %dma_start3A_684 = tpu.memref_squeeze %dma_start3A_683 : memref<1x1x2048xf32, #tpu.memory_space<hbm>> -> memref<2048xf32, #tpu.memory_space<hbm>>
        %dma_start3A_685 = tpu.memref_slice %arg7[%add3A, %dma_start3A_679, %mul3A_166] : memref<39x16x16384xf32, #tpu.memory_space<hbm>> -> memref<1x1x2048xf32, #tpu.memory_space<hbm>>
        %dma_start3A_686 = tpu.memref_squeeze %dma_start3A_685 : memref<1x1x2048xf32, #tpu.memory_space<hbm>> -> memref<2048xf32, #tpu.memory_space<hbm>>
        %dma_start3A_687 = arith.constant 0 : i32
        %dma_start3A_688 = tpu.memref_slice %arg11[%dma_start3A_678, %dma_start3A_687] : memref<2x2048xf32, #tpu.memory_space<vmem>> -> memref<1x2048xf32, #tpu.memory_space<vmem>>
        %dma_start3A_689 = tpu.memref_squeeze %dma_start3A_688 : memref<1x2048xf32, #tpu.memory_space<vmem>> -> memref<2048xf32, #tpu.memory_space<vmem>>
        tpu.enqueue_dma source(%dma_start3A_689 : memref<2048xf32, #tpu.memory_space<vmem>>) target(%dma_start3A_686 : memref<2048xf32, #tpu.memory_space<hbm>>) target_semaphore(%arg18 : memref<!tpu.dma_semaphore, #tpu.memory_space<semaphore_mem>>)
        %dma_wait3A_690 = arith.constant 1 : i32
        %dma_wait3A_691 = arith.constant 0 : i32
        %dma_wait3A_692 = arith.constant 0 : i32
        %dma_wait3A_693 = arith.constant 0 : i32
        %dma_wait3A_694 = tpu.memref_slice %arg11[%dma_wait3A_690, %dma_wait3A_693] : memref<2x2048xf32, #tpu.memory_space<vmem>> -> memref<1x2048xf32, #tpu.memory_space<vmem>>
        %dma_wait3A_695 = tpu.memref_squeeze %dma_wait3A_694 : memref<1x2048xf32, #tpu.memory_space<vmem>> -> memref<2048xf32, #tpu.memory_space<vmem>>
        %dma_wait3A_696 = arith.constant 0 : i32
        %dma_wait3A_697 = tpu.memref_slice %arg7[%dma_wait3A_691, %dma_wait3A_692, %dma_wait3A_696] : memref<39x16x16384xf32, #tpu.memory_space<hbm>> -> memref<1x1x2048xf32, #tpu.memory_space<hbm>>
        %dma_wait3A_698 = tpu.memref_squeeze %dma_wait3A_697 : memref<1x1x2048xf32, #tpu.memory_space<hbm>> -> memref<2048xf32, #tpu.memory_space<hbm>>
        %dma_wait3A_699 = arith.constant 0 : i32
        %dma_wait3A_700 = tpu.memref_slice %arg7[%dma_wait3A_691, %dma_wait3A_692, %dma_wait3A_699] : memref<39x16x16384xf32, #tpu.memory_space<hbm>> -> memref<1x1x2048xf32, #tpu.memory_space<hbm>>
        %dma_wait3A_701 = tpu.memref_squeeze %dma_wait3A_700 : memref<1x1x2048xf32, #tpu.memory_space<hbm>> -> memref<2048xf32, #tpu.memory_space<hbm>>
        %dma_wait3A_702 = arith.constant 0 : i32
        %dma_wait3A_703 = tpu.memref_slice %arg11[%dma_wait3A_690, %dma_wait3A_702] : memref<2x2048xf32, #tpu.memory_space<vmem>> -> memref<1x2048xf32, #tpu.memory_space<vmem>>
        %dma_wait3A_704 = tpu.memref_squeeze %dma_wait3A_703 : memref<1x2048xf32, #tpu.memory_space<vmem>> -> memref<2048xf32, #tpu.memory_space<vmem>>
        tpu.wait_dma2 semaphore(%arg19 : memref<!tpu.dma_semaphore, #tpu.memory_space<semaphore_mem>>) src(%dma_wait3A_704 : memref<2048xf32, #tpu.memory_space<vmem>>) dst(%dma_wait3A_701 : memref<2048xf32, #tpu.memory_space<hbm>>)
        %mul3A_705 = arith.constant 16 : i32
        %mul3A_706 = arith.muli %add3A, %mul3A_705 : i32
        %add3A_707 = arith.constant 15 : i32
        %add3A_708 = arith.addi %mul3A_706, %add3A_707 : i32
        %broadcast_in_dim3A_709 = vector.broadcast %add3A_708 : i32 to vector<16xi32>
        %gather3A_710 = tpu.vector_load_idx %arg12[%broadcast_in_dim3A_709] : memref<208xf32, #tpu.memory_space<vmem>>[vector<16xi32>], vector<16xf32>,
        %gather3A_711 = tpu.vector_load_idx %arg13[%broadcast_in_dim3A_709] : memref<208xf32, #tpu.memory_space<vmem>>[vector<16xi32>], vector<16xf32>,
        %parallel_loop3A_712 = arith.constant 0 : i32
        %parallel_loop3A_713 = arith.constant 128 : i32
        %parallel_loop3A_714 = arith.constant 1 : i32
        scf.for %parallel_loop3A_757 = %parallel_loop3A_712 to %parallel_loop3A_713 step %parallel_loop3A_714  : i32 {
          %parallel_loop3A_758 = arith.constant 16 : i32
          %parallel_loop3A_759 = arith.muli %parallel_loop3A_757, %parallel_loop3A_758 : i32
          %parallel_loop3A_760 = arith.constant 0 : i32
          %parallel_loop3A_761 = arith.index_cast %parallel_loop3A_760 : i32 to index
          %parallel_loop3A_762 = arith.index_cast %parallel_loop3A_759 : i32 to index
          %parallel_loop3A_763 = tpu.vector_load %arg10[%parallel_loop3A_761, %parallel_loop3A_762] {strides = array<i32>} : memref<2x4096xf32, #tpu.memory_space<vmem>>, vector<16xf32>,
          %parallel_loop3A_764 = arith.mulf %parallel_loop3A_763, %gather3A_710 : vector<16xf32>
          %parallel_loop3A_765 = arith.addf %parallel_loop3A_764, %gather3A_711 : vector<16xf32>
          %parallel_loop3A_766 = arith.constant 1 : i32
          %parallel_loop3A_767 = arith.index_cast %parallel_loop3A_766 : i32 to index
          %parallel_loop3A_768 = arith.index_cast %parallel_loop3A_759 : i32 to index
          %parallel_loop3A_769 = tpu.vector_load %arg11[%parallel_loop3A_767, %parallel_loop3A_768] {strides = array<i32>} : memref<2x2048xf32, #tpu.memory_space<vmem>>, vector<16xf32>,
          tpu.vector_store %arg11[%parallel_loop3A_767, %parallel_loop3A_768], %parallel_loop3A_765 {strides = array<i32>} : memref<2x2048xf32, #tpu.memory_space<vmem>>, vector<16xf32>,
        } {sc.loop_unroll_factor = 4 : i64, sc.parallel_access}
        %dma_start3A_715 = arith.constant 1 : i32
        %dma_start3A_716 = arith.constant 15 : i32
        %dma_start3A_717 = arith.constant 0 : i32
        %dma_start3A_718 = tpu.memref_slice %arg11[%dma_start3A_715, %dma_start3A_717] : memref<2x2048xf32, #tpu.memory_space<vmem>> -> memref<1x2048xf32, #tpu.memory_space<vmem>>
        %dma_start3A_719 = tpu.memref_squeeze %dma_start3A_718 : memref<1x2048xf32, #tpu.memory_space<vmem>> -> memref<2048xf32, #tpu.memory_space<vmem>>
        %dma_start3A_720 = tpu.memref_slice %arg7[%add3A, %dma_start3A_716, %mul3A_166] : memref<39x16x16384xf32, #tpu.memory_space<hbm>> -> memref<1x1x2048xf32, #tpu.memory_space<hbm>>
        %dma_start3A_721 = tpu.memref_squeeze %dma_start3A_720 : memref<1x1x2048xf32, #tpu.memory_space<hbm>> -> memref<2048xf32, #tpu.memory_space<hbm>>
        %dma_start3A_722 = tpu.memref_slice %arg7[%add3A, %dma_start3A_716, %mul3A_166] : memref<39x16x16384xf32, #tpu.memory_space<hbm>> -> memref<1x1x2048xf32, #tpu.memory_space<hbm>>
        %dma_start3A_723 = tpu.memref_squeeze %dma_start3A_722 : memref<1x1x2048xf32, #tpu.memory_space<hbm>> -> memref<2048xf32, #tpu.memory_space<hbm>>
        %dma_start3A_724 = arith.constant 0 : i32
        %dma_start3A_725 = tpu.memref_slice %arg11[%dma_start3A_715, %dma_start3A_724] : memref<2x2048xf32, #tpu.memory_space<vmem>> -> memref<1x2048xf32, #tpu.memory_space<vmem>>
        %dma_start3A_726 = tpu.memref_squeeze %dma_start3A_725 : memref<1x2048xf32, #tpu.memory_space<vmem>> -> memref<2048xf32, #tpu.memory_space<vmem>>
        tpu.enqueue_dma source(%dma_start3A_726 : memref<2048xf32, #tpu.memory_space<vmem>>) target(%dma_start3A_723 : memref<2048xf32, #tpu.memory_space<hbm>>) target_semaphore(%arg19 : memref<!tpu.dma_semaphore, #tpu.memory_space<semaphore_mem>>)
        %dma_wait3A_727 = arith.constant 0 : i32
        %dma_wait3A_728 = arith.constant 0 : i32
        %dma_wait3A_729 = arith.constant 0 : i32
        %dma_wait3A_730 = arith.constant 0 : i32
        %dma_wait3A_731 = tpu.memref_slice %arg11[%dma_wait3A_727, %dma_wait3A_730] : memref<2x2048xf32, #tpu.memory_space<vmem>> -> memref<1x2048xf32, #tpu.memory_space<vmem>>
        %dma_wait3A_732 = tpu.memref_squeeze %dma_wait3A_731 : memref<1x2048xf32, #tpu.memory_space<vmem>> -> memref<2048xf32, #tpu.memory_space<vmem>>
        %dma_wait3A_733 = arith.constant 0 : i32
        %dma_wait3A_734 = tpu.memref_slice %arg7[%dma_wait3A_728, %dma_wait3A_729, %dma_wait3A_733] : memref<39x16x16384xf32, #tpu.memory_space<hbm>> -> memref<1x1x2048xf32, #tpu.memory_space<hbm>>
        %dma_wait3A_735 = tpu.memref_squeeze %dma_wait3A_734 : memref<1x1x2048xf32, #tpu.memory_space<hbm>> -> memref<2048xf32, #tpu.memory_space<hbm>>
        %dma_wait3A_736 = arith.constant 0 : i32
        %dma_wait3A_737 = tpu.memref_slice %arg7[%dma_wait3A_728, %dma_wait3A_729, %dma_wait3A_736] : memref<39x16x16384xf32, #tpu.memory_space<hbm>> -> memref<1x1x2048xf32, #tpu.memory_space<hbm>>
        %dma_wait3A_738 = tpu.memref_squeeze %dma_wait3A_737 : memref<1x1x2048xf32, #tpu.memory_space<hbm>> -> memref<2048xf32, #tpu.memory_space<hbm>>
        %dma_wait3A_739 = arith.constant 0 : i32
        %dma_wait3A_740 = tpu.memref_slice %arg11[%dma_wait3A_727, %dma_wait3A_739] : memref<2x2048xf32, #tpu.memory_space<vmem>> -> memref<1x2048xf32, #tpu.memory_space<vmem>>
        %dma_wait3A_741 = tpu.memref_squeeze %dma_wait3A_740 : memref<1x2048xf32, #tpu.memory_space<vmem>> -> memref<2048xf32, #tpu.memory_space<vmem>>
        tpu.wait_dma2 semaphore(%arg18 : memref<!tpu.dma_semaphore, #tpu.memory_space<semaphore_mem>>) src(%dma_wait3A_741 : memref<2048xf32, #tpu.memory_space<vmem>>) dst(%dma_wait3A_738 : memref<2048xf32, #tpu.memory_space<hbm>>)
        %dma_wait3A_742 = arith.constant 1 : i32
        %dma_wait3A_743 = arith.constant 0 : i32
        %dma_wait3A_744 = arith.constant 0 : i32
        %dma_wait3A_745 = arith.constant 0 : i32
        %dma_wait3A_746 = tpu.memref_slice %arg11[%dma_wait3A_742, %dma_wait3A_745] : memref<2x2048xf32, #tpu.memory_space<vmem>> -> memref<1x2048xf32, #tpu.memory_space<vmem>>
        %dma_wait3A_747 = tpu.memref_squeeze %dma_wait3A_746 : memref<1x2048xf32, #tpu.memory_space<vmem>> -> memref<2048xf32, #tpu.memory_space<vmem>>
        %dma_wait3A_748 = arith.constant 0 : i32
        %dma_wait3A_749 = tpu.memref_slice %arg7[%dma_wait3A_743, %dma_wait3A_744, %dma_wait3A_748] : memref<39x16x16384xf32, #tpu.memory_space<hbm>> -> memref<1x1x2048xf32, #tpu.memory_space<hbm>>
        %dma_wait3A_750 = tpu.memref_squeeze %dma_wait3A_749 : memref<1x1x2048xf32, #tpu.memory_space<hbm>> -> memref<2048xf32, #tpu.memory_space<hbm>>
        %dma_wait3A_751 = arith.constant 0 : i32
        %dma_wait3A_752 = tpu.memref_slice %arg7[%dma_wait3A_743, %dma_wait3A_744, %dma_wait3A_751] : memref<39x16x16384xf32, #tpu.memory_space<hbm>> -> memref<1x1x2048xf32, #tpu.memory_space<hbm>>
        %dma_wait3A_753 = tpu.memref_squeeze %dma_wait3A_752 : memref<1x1x2048xf32, #tpu.memory_space<hbm>> -> memref<2048xf32, #tpu.memory_space<hbm>>
        %dma_wait3A_754 = arith.constant 0 : i32
        %dma_wait3A_755 = tpu.memref_slice %arg11[%dma_wait3A_742, %dma_wait3A_754] : memref<2x2048xf32, #tpu.memory_space<vmem>> -> memref<1x2048xf32, #tpu.memory_space<vmem>>
        %dma_wait3A_756 = tpu.memref_squeeze %dma_wait3A_755 : memref<1x2048xf32, #tpu.memory_space<vmem>> -> memref<2048xf32, #tpu.memory_space<vmem>>
        tpu.wait_dma2 semaphore(%arg19 : memref<!tpu.dma_semaphore, #tpu.memory_space<semaphore_mem>>) src(%dma_wait3A_756 : memref<2048xf32, #tpu.memory_space<vmem>>) dst(%dma_wait3A_753 : memref<2048xf32, #tpu.memory_space<hbm>>)
      } else {
      }
      %convert_element_type3A_26 = arith.extui %ne3A : i1 to i32
      %cond3A_27 = arith.constant 0 : i32
      %cond3A_28 = arith.cmpi ne, %convert_element_type3A_26, %cond3A_27 : i32
      scf.if %cond3A_28 {
        %dma_wait3A_165 = arith.constant 0 : i32
        %dma_wait3A_166 = tpu.memref_slice %arg3[%div3A_12, %dma_wait3A_165] : memref<26x16384xi32, #tpu.memory_space<hbm>> -> memref<1x16384xi32, #tpu.memory_space<hbm>>
        %dma_wait3A_167 = tpu.memref_squeeze %dma_wait3A_166 : memref<1x16384xi32, #tpu.memory_space<hbm>> -> memref<16384xi32, #tpu.memory_space<hbm>>
        %dma_wait3A_168 = arith.constant 0 : i32
        %dma_wait3A_169 = tpu.memref_slice %arg3[%div3A_12, %dma_wait3A_168] : memref<26x16384xi32, #tpu.memory_space<hbm>> -> memref<1x16384xi32, #tpu.memory_space<hbm>>
        %dma_wait3A_170 = tpu.memref_squeeze %dma_wait3A_169 : memref<1x16384xi32, #tpu.memory_space<hbm>> -> memref<16384xi32, #tpu.memory_space<hbm>>
        tpu.wait_dma2 semaphore(%arg15 : memref<!tpu.dma_semaphore, #tpu.memory_space<semaphore_mem>>) src(%dma_wait3A_170 : memref<16384xi32, #tpu.memory_space<hbm>>) dst(%arg9 : memref<16384xi32, #tpu.memory_space<vmem>>)
      } else {
      }
      %dma_wait3A = arith.constant 0 : i32
      %dma_wait3A_29 = tpu.memref_slice %arg6[%div3A_12, %rem3A_13, %dma_wait3A] : memref<26x16x100000xf32, #tpu.memory_space<hbm>> -> memref<1x1x100000xf32, #tpu.memory_space<hbm>>
      %dma_wait3A_30 = tpu.memref_squeeze %dma_wait3A_29 : memref<1x1x100000xf32, #tpu.memory_space<hbm>> -> memref<100000xf32, #tpu.memory_space<hbm>>
      %dma_wait3A_31 = arith.constant 0 : i32
      %dma_wait3A_32 = tpu.memref_slice %arg6[%div3A_12, %rem3A_13, %dma_wait3A_31] : memref<26x16x100000xf32, #tpu.memory_space<hbm>> -> memref<1x1x100000xf32, #tpu.memory_space<hbm>>
      %dma_wait3A_33 = tpu.memref_squeeze %dma_wait3A_32 : memref<1x1x100000xf32, #tpu.memory_space<hbm>> -> memref<100000xf32, #tpu.memory_space<hbm>>
      tpu.wait_dma2 semaphore(%arg14 : memref<!tpu.dma_semaphore, #tpu.memory_space<semaphore_mem>>) src(%dma_wait3A_33 : memref<100000xf32, #tpu.memory_space<hbm>>) dst(%arg8 : memref<100000xf32, #tpu.memory_space<vmem>>)
      %parallel_loop3A = arith.constant 0 : i32
      %parallel_loop3A_34 = arith.constant 256 : i32
      %parallel_loop3A_35 = arith.constant 1 : i32
      scf.for %parallel_loop3A_165 = %parallel_loop3A to %parallel_loop3A_34 step %parallel_loop3A_35  : i32 {
        %parallel_loop3A_166 = arith.constant 16 : i32
        %parallel_loop3A_167 = arith.muli %parallel_loop3A_165, %parallel_loop3A_166 : i32
        %parallel_loop3A_168 = arith.constant 0 : i32
        %parallel_loop3A_169 = arith.addi %parallel_loop3A_168, %parallel_loop3A_167 : i32
        %parallel_loop3A_170 = arith.index_cast %parallel_loop3A_169 : i32 to index
        %parallel_loop3A_171 = tpu.vector_load %arg9[%parallel_loop3A_170] {strides = array<i32>} : memref<16384xi32, #tpu.memory_space<vmem>>, vector<16xi32>,
        %parallel_loop3A_172 = tpu.vector_load_idx %arg8[%parallel_loop3A_171] : memref<100000xf32, #tpu.memory_space<vmem>>[vector<16xi32>], vector<16xf32>,
        %parallel_loop3A_173 = arith.constant 0 : i32
        %parallel_loop3A_174 = arith.index_cast %parallel_loop3A_173 : i32 to index
        %parallel_loop3A_175 = arith.index_cast %parallel_loop3A_167 : i32 to index
        %parallel_loop3A_176 = tpu.vector_load %arg10[%parallel_loop3A_174, %parallel_loop3A_175] {strides = array<i32>} : memref<2x4096xf32, #tpu.memory_space<vmem>>, vector<16xf32>,
        tpu.vector_store %arg10[%parallel_loop3A_174, %parallel_loop3A_175], %parallel_loop3A_172 {strides = array<i32>} : memref<2x4096xf32, #tpu.memory_space<vmem>>, vector<16xf32>,
      } {sc.loop_unroll_factor = 4 : i64, sc.parallel_access}
      %add3A_36 = arith.constant 13 : i32
      %add3A_37 = arith.addi %add3A_36, %div3A_12 : i32
      %dma_start3A_38 = arith.constant 0 : i32
      %dma_start3A_39 = arith.constant 0 : i32
      %dma_start3A_40 = tpu.memref_slice %arg10[%dma_start3A_38, %dma_start3A_39] : memref<2x4096xf32, #tpu.memory_space<vmem>> -> memref<1x4096xf32, #tpu.memory_space<vmem>>
      %dma_start3A_41 = tpu.memref_squeeze %dma_start3A_40 : memref<1x4096xf32, #tpu.memory_space<vmem>> -> memref<4096xf32, #tpu.memory_space<vmem>>
      %dma_start3A_42 = arith.constant 0 : i32
      %dma_start3A_43 = tpu.memref_slice %arg7[%add3A_37, %rem3A_13, %dma_start3A_42] : memref<39x16x16384xf32, #tpu.memory_space<hbm>> -> memref<1x1x4096xf32, #tpu.memory_space<hbm>>
      %dma_start3A_44 = tpu.memref_squeeze %dma_start3A_43 : memref<1x1x4096xf32, #tpu.memory_space<hbm>> -> memref<4096xf32, #tpu.memory_space<hbm>>
      %dma_start3A_45 = arith.constant 0 : i32
      %dma_start3A_46 = tpu.memref_slice %arg7[%add3A_37, %rem3A_13, %dma_start3A_45] : memref<39x16x16384xf32, #tpu.memory_space<hbm>> -> memref<1x1x4096xf32, #tpu.memory_space<hbm>>
      %dma_start3A_47 = tpu.memref_squeeze %dma_start3A_46 : memref<1x1x4096xf32, #tpu.memory_space<hbm>> -> memref<4096xf32, #tpu.memory_space<hbm>>
      %dma_start3A_48 = arith.constant 0 : i32
      %dma_start3A_49 = tpu.memref_slice %arg10[%dma_start3A_38, %dma_start3A_48] : memref<2x4096xf32, #tpu.memory_space<vmem>> -> memref<1x4096xf32, #tpu.memory_space<vmem>>
      %dma_start3A_50 = tpu.memref_squeeze %dma_start3A_49 : memref<1x4096xf32, #tpu.memory_space<vmem>> -> memref<4096xf32, #tpu.memory_space<vmem>>
      tpu.enqueue_dma source(%dma_start3A_50 : memref<4096xf32, #tpu.memory_space<vmem>>) target(%dma_start3A_47 : memref<4096xf32, #tpu.memory_space<hbm>>) target_semaphore(%arg16 : memref<!tpu.dma_semaphore, #tpu.memory_space<semaphore_mem>>)
      %parallel_loop3A_51 = arith.constant 0 : i32
      %parallel_loop3A_52 = arith.constant 256 : i32
      %parallel_loop3A_53 = arith.constant 1 : i32
      scf.for %parallel_loop3A_165 = %parallel_loop3A_51 to %parallel_loop3A_52 step %parallel_loop3A_53  : i32 {
        %parallel_loop3A_166 = arith.constant 16 : i32
        %parallel_loop3A_167 = arith.muli %parallel_loop3A_165, %parallel_loop3A_166 : i32
        %parallel_loop3A_168 = arith.constant 4096 : i32
        %parallel_loop3A_169 = arith.addi %parallel_loop3A_168, %parallel_loop3A_167 : i32
        %parallel_loop3A_170 = arith.index_cast %parallel_loop3A_169 : i32 to index
        %parallel_loop3A_171 = tpu.vector_load %arg9[%parallel_loop3A_170] {strides = array<i32>} : memref<16384xi32, #tpu.memory_space<vmem>>, vector<16xi32>,
        %parallel_loop3A_172 = tpu.vector_load_idx %arg8[%parallel_loop3A_171] : memref<100000xf32, #tpu.memory_space<vmem>>[vector<16xi32>], vector<16xf32>,
        %parallel_loop3A_173 = arith.constant 1 : i32
        %parallel_loop3A_174 = arith.index_cast %parallel_loop3A_173 : i32 to index
        %parallel_loop3A_175 = arith.index_cast %parallel_loop3A_167 : i32 to index
        %parallel_loop3A_176 = tpu.vector_load %arg10[%parallel_loop3A_174, %parallel_loop3A_175] {strides = array<i32>} : memref<2x4096xf32, #tpu.memory_space<vmem>>, vector<16xf32>,
        tpu.vector_store %arg10[%parallel_loop3A_174, %parallel_loop3A_175], %parallel_loop3A_172 {strides = array<i32>} : memref<2x4096xf32, #tpu.memory_space<vmem>>, vector<16xf32>,
      } {sc.loop_unroll_factor = 4 : i64, sc.parallel_access}
      %add3A_54 = arith.constant 13 : i32
      %add3A_55 = arith.addi %add3A_54, %div3A_12 : i32
      %dma_start3A_56 = arith.constant 1 : i32
      %dma_start3A_57 = arith.constant 0 : i32
      %dma_start3A_58 = tpu.memref_slice %arg10[%dma_start3A_56, %dma_start3A_57] : memref<2x4096xf32, #tpu.memory_space<vmem>> -> memref<1x4096xf32, #tpu.memory_space<vmem>>
      %dma_start3A_59 = tpu.memref_squeeze %dma_start3A_58 : memref<1x4096xf32, #tpu.memory_space<vmem>> -> memref<4096xf32, #tpu.memory_space<vmem>>
      %dma_start3A_60 = arith.constant 4096 : i32
      %dma_start3A_61 = tpu.memref_slice %arg7[%add3A_55, %rem3A_13, %dma_start3A_60] : memref<39x16x16384xf32, #tpu.memory_space<hbm>> -> memref<1x1x4096xf32, #tpu.memory_space<hbm>>
      %dma_start3A_62 = tpu.memref_squeeze %dma_start3A_61 : memref<1x1x4096xf32, #tpu.memory_space<hbm>> -> memref<4096xf32, #tpu.memory_space<hbm>>
      %dma_start3A_63 = arith.constant 4096 : i32
      %dma_start3A_64 = tpu.memref_slice %arg7[%add3A_55, %rem3A_13, %dma_start3A_63] : memref<39x16x16384xf32, #tpu.memory_space<hbm>> -> memref<1x1x4096xf32, #tpu.memory_space<hbm>>
      %dma_start3A_65 = tpu.memref_squeeze %dma_start3A_64 : memref<1x1x4096xf32, #tpu.memory_space<hbm>> -> memref<4096xf32, #tpu.memory_space<hbm>>
      %dma_start3A_66 = arith.constant 0 : i32
      %dma_start3A_67 = tpu.memref_slice %arg10[%dma_start3A_56, %dma_start3A_66] : memref<2x4096xf32, #tpu.memory_space<vmem>> -> memref<1x4096xf32, #tpu.memory_space<vmem>>
      %dma_start3A_68 = tpu.memref_squeeze %dma_start3A_67 : memref<1x4096xf32, #tpu.memory_space<vmem>> -> memref<4096xf32, #tpu.memory_space<vmem>>
      tpu.enqueue_dma source(%dma_start3A_68 : memref<4096xf32, #tpu.memory_space<vmem>>) target(%dma_start3A_65 : memref<4096xf32, #tpu.memory_space<hbm>>) target_semaphore(%arg17 : memref<!tpu.dma_semaphore, #tpu.memory_space<semaphore_mem>>)
      %dma_wait3A_69 = arith.constant 0 : i32
      %dma_wait3A_70 = arith.constant 0 : i32
      %dma_wait3A_71 = arith.constant 0 : i32
      %dma_wait3A_72 = arith.constant 0 : i32
      %dma_wait3A_73 = tpu.memref_slice %arg10[%dma_wait3A_69, %dma_wait3A_72] : memref<2x4096xf32, #tpu.memory_space<vmem>> -> memref<1x4096xf32, #tpu.memory_space<vmem>>
      %dma_wait3A_74 = tpu.memref_squeeze %dma_wait3A_73 : memref<1x4096xf32, #tpu.memory_space<vmem>> -> memref<4096xf32, #tpu.memory_space<vmem>>
      %dma_wait3A_75 = arith.constant 0 : i32
      %dma_wait3A_76 = tpu.memref_slice %arg7[%dma_wait3A_70, %dma_wait3A_71, %dma_wait3A_75] : memref<39x16x16384xf32, #tpu.memory_space<hbm>> -> memref<1x1x4096xf32, #tpu.memory_space<hbm>>
      %dma_wait3A_77 = tpu.memref_squeeze %dma_wait3A_76 : memref<1x1x4096xf32, #tpu.memory_space<hbm>> -> memref<4096xf32, #tpu.memory_space<hbm>>
      %dma_wait3A_78 = arith.constant 0 : i32
      %dma_wait3A_79 = tpu.memref_slice %arg7[%dma_wait3A_70, %dma_wait3A_71, %dma_wait3A_78] : memref<39x16x16384xf32, #tpu.memory_space<hbm>> -> memref<1x1x4096xf32, #tpu.memory_space<hbm>>
      %dma_wait3A_80 = tpu.memref_squeeze %dma_wait3A_79 : memref<1x1x4096xf32, #tpu.memory_space<hbm>> -> memref<4096xf32, #tpu.memory_space<hbm>>
      %dma_wait3A_81 = arith.constant 0 : i32
      %dma_wait3A_82 = tpu.memref_slice %arg10[%dma_wait3A_69, %dma_wait3A_81] : memref<2x4096xf32, #tpu.memory_space<vmem>> -> memref<1x4096xf32, #tpu.memory_space<vmem>>
      %dma_wait3A_83 = tpu.memref_squeeze %dma_wait3A_82 : memref<1x4096xf32, #tpu.memory_space<vmem>> -> memref<4096xf32, #tpu.memory_space<vmem>>
      tpu.wait_dma2 semaphore(%arg16 : memref<!tpu.dma_semaphore, #tpu.memory_space<semaphore_mem>>) src(%dma_wait3A_83 : memref<4096xf32, #tpu.memory_space<vmem>>) dst(%dma_wait3A_80 : memref<4096xf32, #tpu.memory_space<hbm>>)
      %parallel_loop3A_84 = arith.constant 0 : i32
      %parallel_loop3A_85 = arith.constant 256 : i32
      %parallel_loop3A_86 = arith.constant 1 : i32
      scf.for %parallel_loop3A_165 = %parallel_loop3A_84 to %parallel_loop3A_85 step %parallel_loop3A_86  : i32 {
        %parallel_loop3A_166 = arith.constant 16 : i32
        %parallel_loop3A_167 = arith.muli %parallel_loop3A_165, %parallel_loop3A_166 : i32
        %parallel_loop3A_168 = arith.constant 8192 : i32
        %parallel_loop3A_169 = arith.addi %parallel_loop3A_168, %parallel_loop3A_167 : i32
        %parallel_loop3A_170 = arith.index_cast %parallel_loop3A_169 : i32 to index
        %parallel_loop3A_171 = tpu.vector_load %arg9[%parallel_loop3A_170] {strides = array<i32>} : memref<16384xi32, #tpu.memory_space<vmem>>, vector<16xi32>,
        %parallel_loop3A_172 = tpu.vector_load_idx %arg8[%parallel_loop3A_171] : memref<100000xf32, #tpu.memory_space<vmem>>[vector<16xi32>], vector<16xf32>,
        %parallel_loop3A_173 = arith.constant 0 : i32
        %parallel_loop3A_174 = arith.index_cast %parallel_loop3A_173 : i32 to index
        %parallel_loop3A_175 = arith.index_cast %parallel_loop3A_167 : i32 to index
        %parallel_loop3A_176 = tpu.vector_load %arg10[%parallel_loop3A_174, %parallel_loop3A_175] {strides = array<i32>} : memref<2x4096xf32, #tpu.memory_space<vmem>>, vector<16xf32>,
        tpu.vector_store %arg10[%parallel_loop3A_174, %parallel_loop3A_175], %parallel_loop3A_172 {strides = array<i32>} : memref<2x4096xf32, #tpu.memory_space<vmem>>, vector<16xf32>,
      } {sc.loop_unroll_factor = 4 : i64, sc.parallel_access}
      %add3A_87 = arith.constant 13 : i32
      %add3A_88 = arith.addi %add3A_87, %div3A_12 : i32
      %dma_start3A_89 = arith.constant 0 : i32
      %dma_start3A_90 = arith.constant 0 : i32
      %dma_start3A_91 = tpu.memref_slice %arg10[%dma_start3A_89, %dma_start3A_90] : memref<2x4096xf32, #tpu.memory_space<vmem>> -> memref<1x4096xf32, #tpu.memory_space<vmem>>
      %dma_start3A_92 = tpu.memref_squeeze %dma_start3A_91 : memref<1x4096xf32, #tpu.memory_space<vmem>> -> memref<4096xf32, #tpu.memory_space<vmem>>
      %dma_start3A_93 = arith.constant 8192 : i32
      %dma_start3A_94 = tpu.memref_slice %arg7[%add3A_88, %rem3A_13, %dma_start3A_93] : memref<39x16x16384xf32, #tpu.memory_space<hbm>> -> memref<1x1x4096xf32, #tpu.memory_space<hbm>>
      %dma_start3A_95 = tpu.memref_squeeze %dma_start3A_94 : memref<1x1x4096xf32, #tpu.memory_space<hbm>> -> memref<4096xf32, #tpu.memory_space<hbm>>
      %dma_start3A_96 = arith.constant 8192 : i32
      %dma_start3A_97 = tpu.memref_slice %arg7[%add3A_88, %rem3A_13, %dma_start3A_96] : memref<39x16x16384xf32, #tpu.memory_space<hbm>> -> memref<1x1x4096xf32, #tpu.memory_space<hbm>>
      %dma_start3A_98 = tpu.memref_squeeze %dma_start3A_97 : memref<1x1x4096xf32, #tpu.memory_space<hbm>> -> memref<4096xf32, #tpu.memory_space<hbm>>
      %dma_start3A_99 = arith.constant 0 : i32
      %dma_start3A_100 = tpu.memref_slice %arg10[%dma_start3A_89, %dma_start3A_99] : memref<2x4096xf32, #tpu.memory_space<vmem>> -> memref<1x4096xf32, #tpu.memory_space<vmem>>
      %dma_start3A_101 = tpu.memref_squeeze %dma_start3A_100 : memref<1x4096xf32, #tpu.memory_space<vmem>> -> memref<4096xf32, #tpu.memory_space<vmem>>
      tpu.enqueue_dma source(%dma_start3A_101 : memref<4096xf32, #tpu.memory_space<vmem>>) target(%dma_start3A_98 : memref<4096xf32, #tpu.memory_space<hbm>>) target_semaphore(%arg16 : memref<!tpu.dma_semaphore, #tpu.memory_space<semaphore_mem>>)
      %dma_wait3A_102 = arith.constant 1 : i32
      %dma_wait3A_103 = arith.constant 0 : i32
      %dma_wait3A_104 = arith.constant 0 : i32
      %dma_wait3A_105 = arith.constant 0 : i32
      %dma_wait3A_106 = tpu.memref_slice %arg10[%dma_wait3A_102, %dma_wait3A_105] : memref<2x4096xf32, #tpu.memory_space<vmem>> -> memref<1x4096xf32, #tpu.memory_space<vmem>>
      %dma_wait3A_107 = tpu.memref_squeeze %dma_wait3A_106 : memref<1x4096xf32, #tpu.memory_space<vmem>> -> memref<4096xf32, #tpu.memory_space<vmem>>
      %dma_wait3A_108 = arith.constant 0 : i32
      %dma_wait3A_109 = tpu.memref_slice %arg7[%dma_wait3A_103, %dma_wait3A_104, %dma_wait3A_108] : memref<39x16x16384xf32, #tpu.memory_space<hbm>> -> memref<1x1x4096xf32, #tpu.memory_space<hbm>>
      %dma_wait3A_110 = tpu.memref_squeeze %dma_wait3A_109 : memref<1x1x4096xf32, #tpu.memory_space<hbm>> -> memref<4096xf32, #tpu.memory_space<hbm>>
      %dma_wait3A_111 = arith.constant 0 : i32
      %dma_wait3A_112 = tpu.memref_slice %arg7[%dma_wait3A_103, %dma_wait3A_104, %dma_wait3A_111] : memref<39x16x16384xf32, #tpu.memory_space<hbm>> -> memref<1x1x4096xf32, #tpu.memory_space<hbm>>
      %dma_wait3A_113 = tpu.memref_squeeze %dma_wait3A_112 : memref<1x1x4096xf32, #tpu.memory_space<hbm>> -> memref<4096xf32, #tpu.memory_space<hbm>>
      %dma_wait3A_114 = arith.constant 0 : i32
      %dma_wait3A_115 = tpu.memref_slice %arg10[%dma_wait3A_102, %dma_wait3A_114] : memref<2x4096xf32, #tpu.memory_space<vmem>> -> memref<1x4096xf32, #tpu.memory_space<vmem>>
      %dma_wait3A_116 = tpu.memref_squeeze %dma_wait3A_115 : memref<1x4096xf32, #tpu.memory_space<vmem>> -> memref<4096xf32, #tpu.memory_space<vmem>>
      tpu.wait_dma2 semaphore(%arg17 : memref<!tpu.dma_semaphore, #tpu.memory_space<semaphore_mem>>) src(%dma_wait3A_116 : memref<4096xf32, #tpu.memory_space<vmem>>) dst(%dma_wait3A_113 : memref<4096xf32, #tpu.memory_space<hbm>>)
      %parallel_loop3A_117 = arith.constant 0 : i32
      %parallel_loop3A_118 = arith.constant 256 : i32
      %parallel_loop3A_119 = arith.constant 1 : i32
      scf.for %parallel_loop3A_165 = %parallel_loop3A_117 to %parallel_loop3A_118 step %parallel_loop3A_119  : i32 {
        %parallel_loop3A_166 = arith.constant 16 : i32
        %parallel_loop3A_167 = arith.muli %parallel_loop3A_165, %parallel_loop3A_166 : i32
        %parallel_loop3A_168 = arith.constant 12288 : i32
        %parallel_loop3A_169 = arith.addi %parallel_loop3A_168, %parallel_loop3A_167 : i32
        %parallel_loop3A_170 = arith.index_cast %parallel_loop3A_169 : i32 to index
        %parallel_loop3A_171 = tpu.vector_load %arg9[%parallel_loop3A_170] {strides = array<i32>} : memref<16384xi32, #tpu.memory_space<vmem>>, vector<16xi32>,
        %parallel_loop3A_172 = tpu.vector_load_idx %arg8[%parallel_loop3A_171] : memref<100000xf32, #tpu.memory_space<vmem>>[vector<16xi32>], vector<16xf32>,
        %parallel_loop3A_173 = arith.constant 1 : i32
        %parallel_loop3A_174 = arith.index_cast %parallel_loop3A_173 : i32 to index
        %parallel_loop3A_175 = arith.index_cast %parallel_loop3A_167 : i32 to index
        %parallel_loop3A_176 = tpu.vector_load %arg10[%parallel_loop3A_174, %parallel_loop3A_175] {strides = array<i32>} : memref<2x4096xf32, #tpu.memory_space<vmem>>, vector<16xf32>,
        tpu.vector_store %arg10[%parallel_loop3A_174, %parallel_loop3A_175], %parallel_loop3A_172 {strides = array<i32>} : memref<2x4096xf32, #tpu.memory_space<vmem>>, vector<16xf32>,
      } {sc.loop_unroll_factor = 4 : i64, sc.parallel_access}
      %add3A_120 = arith.constant 13 : i32
      %add3A_121 = arith.addi %add3A_120, %div3A_12 : i32
      %dma_start3A_122 = arith.constant 1 : i32
      %dma_start3A_123 = arith.constant 0 : i32
      %dma_start3A_124 = tpu.memref_slice %arg10[%dma_start3A_122, %dma_start3A_123] : memref<2x4096xf32, #tpu.memory_space<vmem>> -> memref<1x4096xf32, #tpu.memory_space<vmem>>
      %dma_start3A_125 = tpu.memref_squeeze %dma_start3A_124 : memref<1x4096xf32, #tpu.memory_space<vmem>> -> memref<4096xf32, #tpu.memory_space<vmem>>
      %dma_start3A_126 = arith.constant 12288 : i32
      %dma_start3A_127 = tpu.memref_slice %arg7[%add3A_121, %rem3A_13, %dma_start3A_126] : memref<39x16x16384xf32, #tpu.memory_space<hbm>> -> memref<1x1x4096xf32, #tpu.memory_space<hbm>>
      %dma_start3A_128 = tpu.memref_squeeze %dma_start3A_127 : memref<1x1x4096xf32, #tpu.memory_space<hbm>> -> memref<4096xf32, #tpu.memory_space<hbm>>
      %dma_start3A_129 = arith.constant 12288 : i32
      %dma_start3A_130 = tpu.memref_slice %arg7[%add3A_121, %rem3A_13, %dma_start3A_129] : memref<39x16x16384xf32, #tpu.memory_space<hbm>> -> memref<1x1x4096xf32, #tpu.memory_space<hbm>>
      %dma_start3A_131 = tpu.memref_squeeze %dma_start3A_130 : memref<1x1x4096xf32, #tpu.memory_space<hbm>> -> memref<4096xf32, #tpu.memory_space<hbm>>
      %dma_start3A_132 = arith.constant 0 : i32
      %dma_start3A_133 = tpu.memref_slice %arg10[%dma_start3A_122, %dma_start3A_132] : memref<2x4096xf32, #tpu.memory_space<vmem>> -> memref<1x4096xf32, #tpu.memory_space<vmem>>
      %dma_start3A_134 = tpu.memref_squeeze %dma_start3A_133 : memref<1x4096xf32, #tpu.memory_space<vmem>> -> memref<4096xf32, #tpu.memory_space<vmem>>
      tpu.enqueue_dma source(%dma_start3A_134 : memref<4096xf32, #tpu.memory_space<vmem>>) target(%dma_start3A_131 : memref<4096xf32, #tpu.memory_space<hbm>>) target_semaphore(%arg17 : memref<!tpu.dma_semaphore, #tpu.memory_space<semaphore_mem>>)
      %dma_wait3A_135 = arith.constant 0 : i32
      %dma_wait3A_136 = arith.constant 0 : i32
      %dma_wait3A_137 = arith.constant 0 : i32
      %dma_wait3A_138 = arith.constant 0 : i32
      %dma_wait3A_139 = tpu.memref_slice %arg10[%dma_wait3A_135, %dma_wait3A_138] : memref<2x4096xf32, #tpu.memory_space<vmem>> -> memref<1x4096xf32, #tpu.memory_space<vmem>>
      %dma_wait3A_140 = tpu.memref_squeeze %dma_wait3A_139 : memref<1x4096xf32, #tpu.memory_space<vmem>> -> memref<4096xf32, #tpu.memory_space<vmem>>
      %dma_wait3A_141 = arith.constant 0 : i32
      %dma_wait3A_142 = tpu.memref_slice %arg7[%dma_wait3A_136, %dma_wait3A_137, %dma_wait3A_141] : memref<39x16x16384xf32, #tpu.memory_space<hbm>> -> memref<1x1x4096xf32, #tpu.memory_space<hbm>>
      %dma_wait3A_143 = tpu.memref_squeeze %dma_wait3A_142 : memref<1x1x4096xf32, #tpu.memory_space<hbm>> -> memref<4096xf32, #tpu.memory_space<hbm>>
      %dma_wait3A_144 = arith.constant 0 : i32
      %dma_wait3A_145 = tpu.memref_slice %arg7[%dma_wait3A_136, %dma_wait3A_137, %dma_wait3A_144] : memref<39x16x16384xf32, #tpu.memory_space<hbm>> -> memref<1x1x4096xf32, #tpu.memory_space<hbm>>
      %dma_wait3A_146 = tpu.memref_squeeze %dma_wait3A_145 : memref<1x1x4096xf32, #tpu.memory_space<hbm>> -> memref<4096xf32, #tpu.memory_space<hbm>>
      %dma_wait3A_147 = arith.constant 0 : i32
      %dma_wait3A_148 = tpu.memref_slice %arg10[%dma_wait3A_135, %dma_wait3A_147] : memref<2x4096xf32, #tpu.memory_space<vmem>> -> memref<1x4096xf32, #tpu.memory_space<vmem>>
      %dma_wait3A_149 = tpu.memref_squeeze %dma_wait3A_148 : memref<1x4096xf32, #tpu.memory_space<vmem>> -> memref<4096xf32, #tpu.memory_space<vmem>>
      tpu.wait_dma2 semaphore(%arg16 : memref<!tpu.dma_semaphore, #tpu.memory_space<semaphore_mem>>) src(%dma_wait3A_149 : memref<4096xf32, #tpu.memory_space<vmem>>) dst(%dma_wait3A_146 : memref<4096xf32, #tpu.memory_space<hbm>>)
      %dma_wait3A_150 = arith.constant 1 : i32
      %dma_wait3A_151 = arith.constant 0 : i32
      %dma_wait3A_152 = arith.constant 0 : i32
      %dma_wait3A_153 = arith.constant 0 : i32
      %dma_wait3A_154 = tpu.memref_slice %arg10[%dma_wait3A_150, %dma_wait3A_153] : memref<2x4096xf32, #tpu.memory_space<vmem>> -> memref<1x4096xf32, #tpu.memory_space<vmem>>
      %dma_wait3A_155 = tpu.memref_squeeze %dma_wait3A_154 : memref<1x4096xf32, #tpu.memory_space<vmem>> -> memref<4096xf32, #tpu.memory_space<vmem>>
      %dma_wait3A_156 = arith.constant 0 : i32
      %dma_wait3A_157 = tpu.memref_slice %arg7[%dma_wait3A_151, %dma_wait3A_152, %dma_wait3A_156] : memref<39x16x16384xf32, #tpu.memory_space<hbm>> -> memref<1x1x4096xf32, #tpu.memory_space<hbm>>
      %dma_wait3A_158 = tpu.memref_squeeze %dma_wait3A_157 : memref<1x1x4096xf32, #tpu.memory_space<hbm>> -> memref<4096xf32, #tpu.memory_space<hbm>>
      %dma_wait3A_159 = arith.constant 0 : i32
      %dma_wait3A_160 = tpu.memref_slice %arg7[%dma_wait3A_151, %dma_wait3A_152, %dma_wait3A_159] : memref<39x16x16384xf32, #tpu.memory_space<hbm>> -> memref<1x1x4096xf32, #tpu.memory_space<hbm>>
      %dma_wait3A_161 = tpu.memref_squeeze %dma_wait3A_160 : memref<1x1x4096xf32, #tpu.memory_space<hbm>> -> memref<4096xf32, #tpu.memory_space<hbm>>
      %dma_wait3A_162 = arith.constant 0 : i32
      %dma_wait3A_163 = tpu.memref_slice %arg10[%dma_wait3A_150, %dma_wait3A_162] : memref<2x4096xf32, #tpu.memory_space<vmem>> -> memref<1x4096xf32, #tpu.memory_space<vmem>>
      %dma_wait3A_164 = tpu.memref_squeeze %dma_wait3A_163 : memref<1x4096xf32, #tpu.memory_space<vmem>> -> memref<4096xf32, #tpu.memory_space<vmem>>
      tpu.wait_dma2 semaphore(%arg17 : memref<!tpu.dma_semaphore, #tpu.memory_space<semaphore_mem>>) src(%dma_wait3A_164 : memref<4096xf32, #tpu.memory_space<vmem>>) dst(%dma_wait3A_161 : memref<4096xf32, #tpu.memory_space<hbm>>)
      scf.yield %div3A_12 : i32
    }
    %scan3A_6 = arith.constant 13 : i32
    return
  }
}

</mosaic_0001>

<sc_bundles>
// kernel: _sc_tokenize.3.cloned.1.call-start
scs
__scs_entry_jumppad:
0x0: {  	(pc) =	sbr.rel $0x88, $3  }
0x1: {  	(tag) =	ssettag $0x0;
	lr =	simm.s32 $0x1  }
0x2: {  	[smem:$0x3F9C] =	sst lr;
	_ =	strace $0xD0000000  }
0x3: {  	_ = 	snop  }
0x4: {  	_ = 	snop  }
0x5: {  	_ = 	snop  }
0x6: {  	_ = 	snop  }
0x7: {  	_ = 	snop  }
__scs_overlays_trampoline_lowered:
0x8: {  	[smem:$0x3FAB] =	sst s0  }
0x9: {  	[smem:$0x3FAC] =	sst s1  }
0xa: {  	[smem:$0x3FAD] =	sst s2  }
0xb: {  	[smem:$0x3FAE] =	sst s3  }
0xc: {  	[smem:$0x3FAF] =	sst s4  }
0xd: {  	[smem:$0x3FB0] =	sst s5  }
0xe: {  	[smem:$0x3FB1] =	sst s6  }
0xf: {  	[smem:$0x3FB2] =	sst s7  }
0x10: {  	[smem:$0x3FB3] =	sst s8  }
0x11: {  	[smem:$0x3FB4] =	sst s9;
	s0 =	simm.s32 @!p0 $0x0  }
0x12: {  	s1 =	sld [smem:$0x3F9A];
	s0 =	simm.s32 @p0 $0x1  }
0x13: {  	[smem:$0x3FB5] =	sst s0;
	s0 =	simm.s32 @!p1 $0x0  }
0x14: {  	s2 =	sld [smem:$0x3F99];
	s0 =	simm.s32 @p1 $0x1  }
0x15: {  	[smem:$0x3FB6] =	sst s0;
	s0 =	simm.s32 @!p2 $0x0  }
0x16: {  	s3 =	sld [smem:$0x3FDB];
	s0 =	simm.s32 @p2 $0x1  }
0x17: {  	s4 =	simm.s32 $0x1BF5;
	[smem:$0x3FB8] =	sst s0  }
0x18: {  	s0 =	sld [smem:$0x3F9B];
	_ =	swait.ge [sflag:s4], $0x0  }
0x19: {  	s7 =	sld [smem:$0x3F9C]  }
0x1a: {  	s8 =	sadd.s32 $0xFFFFE003, lr  }
0x1b: {  	s9 =	sadd.s32 $0xFFFFFEF7, lr;
	s5 =	simm.s32 $0xFFFFFFFF;
	p2 =	slt.u32 s8, $0xFFFFF086  }
0x1c: {  	p1 =	slt.u32 s9, $0xF7A;
	s5 =	simm.s32 @!p2 $0x0  }
0x1d: {  	s5 =	simm.s32 @p1 $0x1;
	p0 =	seq.s32 s7, s2  }
0x1e: {  	s7 =	smul.u32 @!p0 $0xF7A, s2;
	p2 =	seq.s32 @!p0 s5, $0x0  }
0x1f: {  	s9 =	smul.u32 $0xF7A, s1;
	s8 =	simm.s32 @!p0 $0x1BF5;
	p2 =	por !p2, p0  }
0x20: {  	[sflag:s8] =	ssyncset.s32 @!p0 $0xFFFFF086;
	s6 =	sadd.s32 @!p0 s3, s7;
	s7 =	simm.s32 @!p0 $0x108  }
0x21: {  	s3 =	sadd.s32 s3, s9;
	s6 =	sadd.s32 @!p0 $0x88, s6;
	s7 =	simm.s32 @p2 $0x1082  }
0x22: {  	[simem:s7], [sflag:s8] =	dma.local @!p0 [hbm:s6], $0xF7A  }
0x23: {  	s9 =	sor.u32 $0xD0000000, s2;
	s6 =	simm.s32 $0x108;
	_ =	swait.ge @!p0 [sflag:s8], $0x0  }
0x24: {  	s3 =	sadd.s32 $0x88, s3;
	s6 =	simm.s32 @!p1 $0x1082;
	[sflag:s4] =	ssyncset.s32 $0xFFFFF086  }
0x25: {  	[simem:s6], [sflag:s4] =	dma.local [hbm:s3], $0xF7A  }
0x26: {  	[smem:$0x3F9C] =	sst s1;
	(tag) =	ssettag s2;
	_ =	strace s9  }
0x27: {  	s1 =	sld [smem:$0x3FAC]  }
0x28: {  	s2 =	sld [smem:$0x3FAD]  }
0x29: {  	s4 =	sld [smem:$0x3FAF]  }
0x2a: {  	p0 =	seq.s32 s5, $0x0;
	s5 =	sld [smem:$0x3FB0]  }
0x2b: {  	s6 =	sld [smem:$0x3FB1]  }
0x2c: {  	s7 =	sld [smem:$0x3FB2]  }
0x2d: {  	s3 =	simm.s32 $0x108;
	s8 =	sld [smem:$0x3FB3]  }
0x2e: {  	s3 =	simm.s32 @!p0 $0x1082;
	s9 =	sld [smem:$0x3FB4]  }
0x2f: {  	lr =	sadd.s32 s0, s3;
	s0 =	sld [smem:$0x3FAB]  }
0x30: {  	s3 =	sld [smem:$0x3FAE]  }
0x31: {  	[smem:$0x3FB7] =	sst s10  }
0x32: {  	s10 =	sld [smem:$0x3FB5];
	_ =	sdelay $0x3  }
0x33: {  	p0 =	seq.s32 s10, $0x1;
	s10 =	sld [smem:$0x3FB7];
	_ =	sdelay $0x3  }
0x34: {  	[smem:$0x3FB7] =	sst s10  }
0x35: {  	s10 =	sld [smem:$0x3FB6];
	_ =	sdelay $0x3  }
0x36: {  	p1 =	seq.s32 s10, $0x1;
	s10 =	sld [smem:$0x3FB7];
	_ =	sdelay $0x3  }
0x37: {  	[smem:$0x3FB7] =	sst s10  }
0x38: {  	s10 =	sld [smem:$0x3FB8]  }
0x39: {  	_ = 	snop;
	(pc) =	sbr.ind lr, $3  }
0x3a: {  	_ = 	snop  }
0x3b: {  	_ = 	snop  }
0x3c: {  	p2 =	seq.s32 s10, $0x1;
	s10 =	sld [smem:$0x3FB7]  }
0x3d: {  	_ =	shalt  }
0x3e: {  	_ =	shalt  }
0x3f: {  	_ =	shalt  }
0x40: {  	_ =	shalt  }
0x41: {  	_ =	shalt  }
0x42: {  	_ =	shalt  }
0x43: {  	_ =	shalt  }
0x44: {  	_ =	shalt  }
0x45: {  	_ =	shalt  }
0x46: {  	_ =	shalt  }
0x47: {  	_ =	shalt  }
0x48: {  	_ =	shalt  }
0x49: {  	_ =	shalt  }
0x4a: {  	_ =	shalt  }
0x4b: {  	_ =	shalt  }
0x4c: {  	_ =	shalt  }
0x4d: {  	_ =	shalt  }
0x4e: {  	_ =	shalt  }
0x4f: {  	_ =	shalt  }
0x50: {  	_ =	shalt  }
0x51: {  	_ =	shalt  }
0x52: {  	_ =	shalt  }
0x53: {  	_ =	shalt  }
0x54: {  	_ =	shalt  }
0x55: {  	_ =	shalt  }
0x56: {  	_ =	shalt  }
0x57: {  	_ =	shalt  }
0x58: {  	_ =	shalt  }
0x59: {  	_ =	shalt  }
0x5a: {  	_ =	shalt  }
0x5b: {  	_ =	shalt  }
0x5c: {  	_ =	shalt  }
0x5d: {  	_ =	shalt  }
0x5e: {  	_ =	shalt  }
0x5f: {  	_ =	shalt  }
0x60: {  	_ =	shalt  }
0x61: {  	_ =	shalt  }
0x62: {  	_ =	shalt  }
0x63: {  	_ =	shalt  }
0x64: {  	_ =	shalt  }
0x65: {  	_ =	shalt  }
0x66: {  	_ =	shalt  }
0x67: {  	_ =	shalt  }
0x68: {  	_ =	shalt  }
0x69: {  	_ =	shalt  }
0x6a: {  	_ =	shalt  }
0x6b: {  	_ =	shalt  }
0x6c: {  	_ =	shalt  }
0x6d: {  	_ =	shalt  }
0x6e: {  	_ =	shalt  }
0x6f: {  	_ =	shalt  }
0x70: {  	_ =	shalt  }
0x71: {  	_ =	shalt  }
0x72: {  	_ =	shalt  }
0x73: {  	_ =	shalt  }
0x74: {  	_ =	shalt  }
0x75: {  	_ =	shalt  }
0x76: {  	_ =	shalt  }
0x77: {  	_ =	shalt  }
0x78: {  	_ =	shalt  }
0x79: {  	_ =	shalt  }
0x7a: {  	_ =	shalt  }
0x7b: {  	_ =	shalt  }
0x7c: {  	_ =	shalt  }
0x7d: {  	_ =	shalt  }
0x7e: {  	_ =	shalt  }
0x7f: {  	_ =	shalt  }
0x80: {  	_ =	shalt  }
0x81: {  	_ =	shalt  }
0x82: {  	_ =	shalt  }
0x83: {  	_ =	shalt  }
0x84: {  	_ =	shalt  }
0x85: {  	_ =	shalt  }
0x86: {  	_ =	shalt  }
0x87: {  	_ =	shalt  }
.Lfunc_end0:
.L_simem_size_0:
called_computation_lowered:
.L_overlay_start_0:
0x88: {  	s2 =	sld [smem:$0x3FD9]  }
0x89: {  	s3 =	sld [smem:$0x3FFE];
	_ =	sdelay $0x1  }
0x8a: {  	s1 =	srdreg.scid  }
0x8b: {  	s0 =	sand.u32 $0x1, s1  }
0x8c: {  	s18 =	sshll.u32 s0, $0xA;
	s2 =	sadd.s32 s3, s2  }
0x8d: {  	s2 =	sadd.s32 s2, s18  }
0x8e: {  	[smem:$0x3FC3] =	sst s2  }
0x8f: {  	_ = 	snop  }
0x90: {  	s2 =	sld [smem:$0x3FC9]  }
0x91: {  	s19 =	sld [smem:$0x3FC8]  }
0x92: {  	s4 =	sld [smem:$0x3FC7]  }
0x93: {  	s5 =	sld [smem:$0x3FC6]  }
0x94: {  	s6 =	sld [smem:$0x3FC5]  }
0x95: {  	s7 =	sld [smem:$0x3FD0];
	(tm) =	ssettm $0x1  }
0x96: {  	s8 =	sld [smem:$0x3FFB];
	_ =	sdelay $0x3  }
0x97: {  	_ =	strace s8  }
0x98: {  	s8 =	sld [smem:$0x3FFC];
	_ =	sdelay $0x3  }
0x99: {  	_ =	strace s8  }
0x9a: {  	s8 =	sld [smem:$0x3FFD];
	_ =	sdelay $0x3  }
0x9b: {  	_ =	strace s8  }
0x9c: {  	_ =	strace $0x8FFFFFFF  }
0x9d: {  	s20 =	sld [smem:$0x3FDB];
	_ =	sdelay $0x1  }
0x9e: {  	s9 =	simm.s32 $_scs_section_size  }
0x9f: {  	s10 =	simm.s32 $_size__tile_overlayer_lowered;
	s11 =	simm.s32 $_tile_overlayer_lowered  }
0xa0: {  	s23 =	simm.s32 $0x1BFF;
	s22 =	sshll.u32 s11, $0x1;
	s8 =	sadd.s32 s9, s20  }
0xa1: {  	s12 =	simm.s32 $0x0;
	s21 =	sshll.u32 s10, $0x1;
	s10 =	sadd.s32 s22, s8  }
0xa2: {  	[timem:s12], [sflag:s23] =	dma.local [hbm:s10], s21  }
0xa3: {  	_ =	swait.ge [sflag:s23], s21  }
0xa4: {  	s9 =	ssub.s32 $0x0, s21;
	[sflag:s23] =	ssyncset.done $0x0  }
0xa5: {  	[sflag:s23] =	ssyncadd.s32 s9;
	_ =	sdelay $0x1  }
0xa6: {  	s24 =	simm.s32 $0x1B8B  }
0xa7: {  	_ =	swait.ge [sflag:s24], $0x1  }
0xa8: {  	[sflag:s24] =	ssyncset.done $0x0  }
0xa9: {  	s25 =	simm.s32 $0x1B8E;
	[sflag:s24] =	ssyncadd.s32 $0xFFFFFFFF  }
0xaa: {  	s26 =	simm.s32 $execute0_lowered;
	[smem:$0x3FD2] =	sst s25  }
0xab: {  	s9 =	sshll.u32 s26, $0x1;
	_ =	strace $0x80000046;
	[dreg:$0x1] =	wrdreg $0xFFFFFFFF  }
0xac: {  	s28 =	simm.s32 $_size_execute0_lowered;
	s8 =	sadd.s32 s8, s9;
	[dreg:$0x0] =	wrdreg $0x0  }
0xad: {  	s9 =	sshll.u32 s28, $0x1;
	[dreg:$0x2] =	wrdreg s8  }
0xae: {  	[dreg:$0x3] =	wrdreg s9  }
0xaf: {  	[dreg:$0x4] =	wrdreg $0xC0  }
0xb0: {  	_ =	task [dreg:s12], $0x5FFFF  }
0xb1: {  	[dreg:$0x1] =	wrdreg $0xFFFFFFFF  }
0xb2: {  	[dreg:$0x0] =	wrdreg $0x60  }
0xb3: {  	[dreg:$0x2] =	wrdreg s2  }
0xb4: {  	[dreg:$0x3] =	wrdreg s19  }
0xb5: {  	[dreg:$0x4] =	wrdreg s4  }
0xb6: {  	[dreg:$0x5] =	wrdreg s5  }
0xb7: {  	[dreg:$0x6] =	wrdreg s6  }
0xb8: {  	[dreg:$0x7] =	wrdreg s7  }
0xb9: {  	[dreg:$0x8] =	wrdreg $0x9  }
0xba: {  	_ =	task.clear_ibuf [dreg:s12], $0x9FFFF;
	_ =	strace $0x90000046  }
0xbb: {  	s29 =	simm.s32 $0x9;
	_ =	strace $0x80000048  }
0xbc: {  	_ =	swait.ge [sflag:s29], $0x1  }
0xbd: {  	[sflag:s29] =	ssyncadd.s32 $0xFFFFFFFF  }
0xbe: {  	_ =	strace $0x90000048  }
0xbf: {  	_ =	sfence  }
0xc0: {  	s30 =	sld [smem:$0x0];
	_ =	sdelay $0x2  }
0xc1: {  	s31 =	sshll.u32 s1, $0xD;
	s1 =	sshrl.u32 s1, $0x2  }
0xc2: {  	s3 =	sand.u32 $0x4000, s31;
	s1 =	sadd.s32 s1, s30  }
0xc3: {  	s0 =	sor.u32 s3, s0;
	s1 =	sshll.u32 s1, $0x11  }
0xc4: {  	s0 =	sor.u32 s1, s0  }
0xc5: {  	s0 =	sadd.s32 $0x8F2B, s0  }
0xc6: {  	[sflag:s0] =	ssyncadd.remote.s32 $0x1  }
0xc7: {  	_ =	sfence.sel $0xFFFF  }
0xc8: {  	[dreg:$0x0] =	wrdreg $0xFFFFFFFF;
	(pc) =	sbr.abs _section_cstart, $3  }
0xc9: {  	[dreg:$0x1] =	wrdreg $0xFFFFFFFF  }
0xca: {  	_ =	task.clear_ibuf [dreg:s12], $0x2FFFF;
	_ =	strace $0x9FFFFFFF  }
0xcb: {  	(tm) =	ssettm $0x7FFFFFFF  }
tec
execute0_lowered:
.L_overlay_start_1:
0x0: {  	(tag) =	ssettag $0x1  }
0x1: {  	s19 =	rddreg [dreg:$0x5];
	s8 =	simm.s32 $0x0  }
0x2: {  	[smem:$0x7FF] =	sst s8;
	s14 =	sadd.s32 $0x10, s19  }
0x3: {  	s15 =	sadd.s32 $0x20, s19;
	_ =	strace $0x80000047;
	[dreg:$0xa] =	wrdreg s14  }
0x4: {  	s0 =	srdreg.scid;
	s16 =	sadd.s32 $0x30, s19;
	[dreg:$0xb] =	wrdreg s15  }
0x5: {  	s4 =	stileid.u32;
	s17 =	sadd.s32 $0x40, s19;
	[dreg:$0xc] =	wrdreg s16  }
0x6: {  	s28 =	simm.s32 $0x1E900;
	s18 =	sadd.s32 $0x50, s19;
	[dreg:$0xd] =	wrdreg s17  }
0x7: {  	s29 =	simm.s32 $0x1EA00;
	s21 =	sadd.s32 $0x60, s19;
	[dreg:$0xe] =	wrdreg s18  }
0x8: {  	s30 =	simm.s32 $0x1EB00;
	s22 =	sadd.s32 $0x70, s19;
	[dreg:$0x10] =	wrdreg s21  }
0x9: {  	s31 =	simm.s32 $0x1EC00;
	s23 =	sadd.s32 $0x4000, s19;
	[dreg:$0x11] =	wrdreg s22  }
0xa: {  	s0 =	sand.u32 $0x1, s0;
	s24 =	sadd.s32 $0x4010, s19;
	[dreg:$0x12] =	wrdreg s23  }
0xb: {  	s2 =	sshll.u32 s4, $0x1;
	s25 =	sadd.s32 $0x4020, s19;
	[dreg:$0x13] =	wrdreg s24  }
0xc: {  	s11 =	sshll.u32 s4, $0xF;
	s26 =	sadd.s32 $0x4030, s19;
	[dreg:$0x14] =	wrdreg s25  }
0xd: {  	s1 =	ssub.s32 $0x2, s0;
	s0 =	sor.u32 s0, s2;
	[dreg:$0x15] =	wrdreg s26  }
0xe: {  	s22 =	sadd.s32 $0x4060, s19;
	s23 =	sadd.s32 $0x4070, s19;
	s24 =	sadd.s32 $0x1000, s19  }
0xf: {  	s25 =	sadd.s32 $0x2000, s19;
	s26 =	sadd.s32 $0x3000, s19;
	[dreg:$0x18] =	wrdreg s22  }
0x10: {  	s3 =	sshrl.u32 s1, $0x1;
	s2 =	sshll.u32 s0, $0x7;
	[dreg:$0x19] =	wrdreg s23  }
0x11: {  	s12 =	smul.u32 $0xD, s0;
	s10 =	sshll.u32 s0, $0x4;
	[dreg:$0x1a] =	wrdreg s24  }
0x12: {  	s13 =	sshll.u32 s0, $0x12;
	p0 =	sgt.u32 s0, $0xC;
	[dreg:$0x1b] =	wrdreg s25  }
0x13: {  	[dreg:$0x1c] =	wrdreg s26;
	s22 =	simm.s32 $0x1E800;
	s1 =	ssub.s32 s1, s3  }
0x14: {  	s2 =	sor.u32 s11, s2;
	[dreg:$0x9] =	wrdreg s13;
	s7 =	sor.u32 $0x1, s10  }
0x15: {  	s15 =	sor.u32 $0x3, s10;
	s9 =	sor.u32 $0x4, s10;
	s13 =	sor.u32 $0x5, s10;
	v0 =	vmov s10;
	v1 =	vmov s7  }
0x16: {  	s16 =	sor.u32 $0x6, s10;
	s17 =	sor.u32 $0x7, s10;
	s18 =	sor.u32 $0x8, s10;
	v3 =	vmov s15;
	v4 =	vmov s9;
	v5 =	vmov s13  }
0x17: {  	s11 =	sshllo.u32 s0, $0x4;
	s14 =	sor.u32 $0x9, s10;
	s6 =	sor.u32 $0xA, s10;
	v6 =	vmov s16;
	v7 =	vmov s17;
	v8 =	vmov s18  }
0x18: {  	s5 =	sor.u32 $0xB, s10;
	s3 =	sadd.s32 $0x4040, s19;
	s4 =	sor.u32 $0xD, s10;
	v0 =	vbroadcast v0, $0x0;
	v9 =	vmov s14;
	v10 =	vmov s6  }
0x19: {  	s21 =	sor.u32 $0xE, s10;
	s0 =	simm.s32 $0x1F700;
	[dreg:$0x7] =	wrdreg s12;
	v11 =	vmov s5;
	v1 =	vbroadcast v1, $0x0;
	v3 =	vbroadcast v3, $0x0  }
0x1a: {  	s2 =	sand.u32 $0x60380, s2;
	s12 =	sor.u32 $0x2, s10;
	s20 =	smax.u32 s1, $0x1;
	v14 =	vmov s4;
	v4 =	vbroadcast v4, $0x0;
	v5 =	vbroadcast v5, $0x0  }
0x1b: {  	s1 =	sor.u32 $0xC, s10;
	[dreg:$0x16] =	wrdreg s3;
	s3 =	simm.s32 $0x1F800;
	v15 =	vmov s21;
	v6 =	vbroadcast v6, $0x0;
	v7 =	vbroadcast v7, $0x0  }
0x1c: {  	s5 =	simm.s32 $0x1F580;
	s4 =	simm.s32 $0x1F680;
	s17 =	simm.s32 $0x5;
	v13 =	vmov s11;
	v8 =	vbroadcast v8, $0x0;
	v9 =	vbroadcast v9, $0x0  }
0x1d: {  	s10 =	simm.s32 $0x6;
	s11 =	simm.s32 $0x3;
	[dreg:$0x8] =	wrdreg s2;
	v2 =	vmov s12;
	v10 =	vbroadcast v10, $0x0;
	v11 =	vbroadcast v11, $0x0  }
0x1e: {  	s6 =	simm.s32 $0x0;
	[dreg:$0xf] =	wrdreg s20;
	s20 =	sadd.s32 $0x4050, s19;
	v12 =	vmov s1;
	v14 =	vbroadcast v14, $0x0;
	v15 =	vbroadcast v15, $0x0  }
0x1f: {  	s2 =	simm.s32 $0x1F480;
	s12 =	simm.s32 $0x4;
	[dreg:$0x17] =	wrdreg s20;
	v2 =	vbroadcast v2, $0x0;
	v12 =	vbroadcast v12, $0x0  }
.LBB2_1:
0x20: {  	[dreg:$0x1d] =	wrdreg s6  }
0x21: {  	s1 =	rddreg [dreg:$0x2];
	s25 =	simm.s32 $0x7  }
0x22: {  	[tilespmem:s0], [sflag:$0x7] =	stream.linear.gather [hbm4b:s1+s8], $0x100, $0x38;
	[tilespmem:$0x1F900] =	vst v63  }
0x23: {  	_ =	swait.ge [sflag:s25], $0x100  }
0x24: {  	[sflag:s25] =	ssyncset.done $0x0  }
0x25: {  	[sflag:s25] =	ssyncadd.s32 $0xFFFFFF00  }
0x26: {  	s26 =	rddreg [dreg:$0x3]  }
0x27: {  	[tilespmem:s3], [sflag:$0x7] =	stream.linear.gather [hbm4b:s26+s8], $0x100, $0x38;
	[tilespmem:$0x1F900] =	vst v63  }
0x28: {  	_ =	swait.ge [sflag:s25], $0x100  }
0x29: {  	[sflag:s25] =	ssyncset.done $0x0  }
0x2a: {  	s14 =	simm.s32 $0xFFFFFFFF;
	s13 =	simm.s32 $0x0;
	[sflag:s25] =	ssyncadd.s32 $0xFFFFFF00  }
.LBB2_2:
0x2b: {  	s1 =	rddreg [dreg:$0x7]  }
0x2c: {  	s7 =	smov.u32 s14;
	s9 =	sadd.s32 s1, s13  }
0x2d: {  	s25 =	rddreg [dreg:$0x4];
	s14 =	sshrl.u32 s9, $0x4;
	s15 =	sand.u32 $0x8, s9  }
0x2e: {  	s26 =	simm.s32 $0x80;
	s16 =	sshrl.u32 s15, $0x3;
	s18 =	smul.u32 $0x187000, s14  }
0x2f: {  	p2 =	sgt.u32 @!p0 s13, $0x7;
	s1 =	rddreg [dreg:$0x1];
	s19 =	smul.u32 $0xC3800, s16  }
0x30: {  	p2 =	por p0, p2;
	s24 =	sshll.u32 s9, $0x7;
	p1 =	seq.s32 s14, s7  }
0x31: {  	s15 =	sand.u32 $0x380, s24;
	s7 =	sshll.u32 @!p1 s14, $0xB;
	s18 =	sadd.s32 s18, s19  }
0x32: {  	s9 =	sand.u32 @!p1 $0x70, s9;
	s7 =	sand.u32 @!p1 $0xFFFC000, s7;
	s18 =	sor.u32 s15, s18  }
.Ltmp0:
0x33: {  	s9 =	sadd.s32 @!p1 s1, s9;
	s18 =	sshrl.u32 s18, $0x3;
	(pc) =	sbr.rel @p2 .LBB2_36-.Ltmp0, $4  }
0x34: {  	s6 =	simm.s32 $0x400;
	s7 =	sadd.s32 @!p1 s7, s9;
	s18 =	sadd.s32 s25, s18  }
0x35: {  	[tilespmem:s8], [sflag:$0x1] =	stream.strided.gather [hbm4b:s18+s26], $0x18700, s6, s26, $0x38;
	[tilespmem:$0x1F900] =	vst v63  }
0x36: {  	s9 =	simm.s32 @!p1 $0x80;
	s19 =	simm.s32 @!p1 $0x18700;
	s18 =	simm.s32 @!p1 $0x400  }
0x37: {  	[tilespmem:s19], [sflag:$0x2] =	stream.strided.gather @!p1 [hbm4b:s7+s9], $0x4000, s18, s9, $0x38;
	[tilespmem:$0x1F900] =	vst v63  }
0x38: {  	s18 =	sshll.u32 s13, $0xE;
	s1 =	rddreg [dreg:$0x8]  }
0x39: {  	s7 =	sor.u32 s18, s1  }
0x3a: {  	s24 =	rddreg [dreg:$0x0];
	s7 =	sshrl.u32 s7, $0x3  }
0x3b: {  	s9 =	simm.s32 $0x0;
	s25 =	simm.s32 $0x1C700;
	s7 =	sadd.s32 s24, s7  }
0x3c: {  	[tilespmem:s25], [sflag:$0x7] =	stream.linear.gather [hbm4b:s7+s9], $0x80, $0x38;
	[tilespmem:$0x1F900] =	vst v63  }
0x3d: {  	s26 =	simm.s32 $0x1C800;
	s19 =	sadd.s32 $0x80, s7  }
0x3e: {  	[tilespmem:s26], [sflag:$0x7] =	stream.linear.gather [hbm4b:s19+s9], $0x80, $0x38;
	[tilespmem:$0x1F900] =	vst v63  }
0x3f: {  	s6 =	simm.s32 $0x1C900;
	s1 =	sadd.s32 $0x100, s7  }
0x40: {  	[tilespmem:s6], [sflag:$0x7] =	stream.linear.gather [hbm4b:s1+s9], $0x80, $0x38;
	[tilespmem:$0x1F900] =	vst v63  }
0x41: {  	s21 =	simm.s32 $0x1CA00;
	s20 =	sadd.s32 $0x180, s7  }
0x42: {  	[tilespmem:s21], [sflag:$0x7] =	stream.linear.gather [hbm4b:s20+s9], $0x80, $0x38;
	[tilespmem:$0x1F900] =	vst v63  }
0x43: {  	s24 =	simm.s32 $0x1CB00;
	s23 =	sadd.s32 $0x200, s7  }
0x44: {  	[tilespmem:s24], [sflag:$0x7] =	stream.linear.gather [hbm4b:s23+s9], $0x80, $0x38;
	[tilespmem:$0x1F900] =	vst v63  }
0x45: {  	s25 =	sadd.s32 $0x280, s7;
	s26 =	simm.s32 $0x1CC00  }
0x46: {  	[tilespmem:s26], [sflag:$0x7] =	stream.linear.gather [hbm4b:s25+s9], $0x80, $0x38;
	[tilespmem:$0x1F900] =	vst v63  }
0x47: {  	s1 =	sadd.s32 $0x300, s7;
	s6 =	simm.s32 $0x1CD00  }
0x48: {  	[tilespmem:s6], [sflag:$0x7] =	stream.linear.gather [hbm4b:s1+s9], $0x80, $0x38;
	[tilespmem:$0x1F900] =	vst v63  }
0x49: {  	s20 =	sadd.s32 $0x380, s7;
	s21 =	simm.s32 $0x1CE00  }
0x4a: {  	[tilespmem:s21], [sflag:$0x7] =	stream.linear.gather [hbm4b:s20+s9], $0x80, $0x38;
	[tilespmem:$0x1F900] =	vst v63  }
0x4b: {  	s23 =	sadd.s32 $0x400, s7;
	s24 =	simm.s32 $0x1CF00  }
0x4c: {  	[tilespmem:s24], [sflag:$0x7] =	stream.linear.gather [hbm4b:s23+s9], $0x80, $0x38;
	[tilespmem:$0x1F900] =	vst v63  }
0x4d: {  	s25 =	sadd.s32 $0x480, s7;
	s26 =	simm.s32 $0x1D000  }
0x4e: {  	[tilespmem:s26], [sflag:$0x7] =	stream.linear.gather [hbm4b:s25+s9], $0x80, $0x38;
	[tilespmem:$0x1F900] =	vst v63  }
0x4f: {  	s1 =	sadd.s32 $0x500, s7;
	s6 =	simm.s32 $0x1D100  }
0x50: {  	[tilespmem:s6], [sflag:$0x7] =	stream.linear.gather [hbm4b:s1+s9], $0x80, $0x38;
	[tilespmem:$0x1F900] =	vst v63  }
0x51: {  	s20 =	sadd.s32 $0x580, s7;
	s21 =	simm.s32 $0x1D200  }
0x52: {  	[tilespmem:s21], [sflag:$0x7] =	stream.linear.gather [hbm4b:s20+s9], $0x80, $0x38;
	[tilespmem:$0x1F900] =	vst v63  }
0x53: {  	s23 =	sadd.s32 $0x600, s7;
	s24 =	simm.s32 $0x1D300  }
0x54: {  	[tilespmem:s24], [sflag:$0x7] =	stream.linear.gather [hbm4b:s23+s9], $0x80, $0x38;
	[tilespmem:$0x1F900] =	vst v63  }
0x55: {  	s25 =	sadd.s32 $0x680, s7;
	s26 =	simm.s32 $0x1D400  }
0x56: {  	[tilespmem:s26], [sflag:$0x7] =	stream.linear.gather [hbm4b:s25+s9], $0x80, $0x38;
	[tilespmem:$0x1F900] =	vst v63  }
0x57: {  	s6 =	sadd.s32 $0x700, s7;
	s20 =	simm.s32 $0x1D500  }
0x58: {  	[tilespmem:s20], [sflag:$0x7] =	stream.linear.gather [hbm4b:s6+s9], $0x80, $0x38;
	[tilespmem:$0x1F900] =	vst v63  }
0x59: {  	s7 =	sadd.s32 $0x780, s7;
	s21 =	simm.s32 $0x1D600;
	s23 =	simm.s32 $0x7  }
0x5a: {  	[tilespmem:s21], [sflag:$0x7] =	stream.linear.gather [hbm4b:s7+s9], $0x80, $0x38;
	[tilespmem:$0x1F900] =	vst v63  }
0x5b: {  	_ =	swait.ge [sflag:s23], $0x800  }
0x5c: {  	[sflag:s23] =	ssyncset.done $0x0  }
0x5d: {  	[sflag:s23] =	ssyncadd.s32 $0xFFFFF800  }
0x5e: {  	s24 =	sand.u32 $0x40, s9;
	s9 =	sand.u32 $0xF00, s9;
	v17 =	vld.idx.msk [tilespmem:v0+s0+$0x0], $0xffff  }
0x5f: {  	s20 =	sor.u32 s24, s9;
	v16 =	vld.idx.msk [tilespmem:v0+s3+$0x0], $0xffff  }
0x60: {  	v18 =	vld [tilespmem:s20+$0x1C730]  }
0x61: {  	v19 =	vld [tilespmem:s20+$0x1C710]  }
0x62: {  	v20 =	vld [tilespmem:s20+$0x1C720]  }
0x63: {  	s7 =	simm.s32 $0x80;
	s21 =	simm.s32 $0x40;
	v22 =	vld [tilespmem:s20+$0x1C700]  }
0x64: {  	s25 =	sand.u32 $0x40, s21;
	s26 =	sand.u32 $0xF00, s7  }
0x65: {  	s19 =	sor.u32 s25, s26  }
0x66: {  	v23 =	vmul.f32 v18, v17;
	v18 =	vld [tilespmem:s19+$0x1C730];
	v25 =	vmul.f32 v19, v17  }
0x67: {  	v19 =	vld [tilespmem:s19+$0x1C710];
	v21 =	vmul.f32 v20, v17  }
0x68: {  	s23 =	simm.s32 $0x4;
	v20 =	vld [tilespmem:s19+$0x1C720];
	v22 =	vmul.f32 v22, v17;
	v24 =	vadd.f32 v23, v16;
	v23 =	vadd.f32 v25, v16  }
.LBB2_4:
0x69: {  	s23 =	sadd.s32 $0x4, s23  }
0x6a: {  	v25 =	vld [tilespmem:s19+$0x1C700];
	s7 =	sadd.s32 $0x80, s7;
	s21 =	sadd.s32 $0x40, s21;
	v21 =	vadd.f32 v21, v16;
	[tilespmem:s20+$0x1E730] =	vst v24;
	p2 =	slt.u32 s23, $0x7C  }
.Ltmp1:
0x6b: {  	s9 =	sand.u32 $0x40, s21;
	s24 =	sand.u32 $0xF00, s7;
	v22 =	vadd.f32 v22, v16;
	[tilespmem:s20+$0x1E710] =	vst v23;
	(pc) =	sbr.rel @p2 .LBB2_4-.Ltmp1, $4  }
0x6c: {  	s9 =	sor.u32 s9, s24;
	v23 =	vmul.f32 v18, v17;
	[tilespmem:s20+$0x1E720] =	vst v21  }
0x6d: {  	v18 =	vld [tilespmem:s9+$0x1C730];
	v26 =	vmul.f32 v19, v17;
	[tilespmem:s20+$0x1E700] =	vst v22;
	s20 =	smov.u32 s19;
	s19 =	smov.u32 s9  }
0x6e: {  	v19 =	vld [tilespmem:s19+$0x1C710];
	v21 =	vmul.f32 v20, v17;
	v24 =	vadd.f32 v23, v16  }
0x6f: {  	v20 =	vld [tilespmem:s19+$0x1C720];
	v22 =	vmul.f32 v25, v17;
	v23 =	vadd.f32 v26, v16  }
0x70: {  	_ =	sdelay $0x1  }
0x71: {  	v25 =	vld [tilespmem:s19+$0x1C700];
	v21 =	vadd.f32 v21, v16;
	[tilespmem:s20+$0x1E730] =	vst v24;
	v18 =	vmul.f32 v18, v17  }
0x72: {  	v22 =	vadd.f32 v22, v16;
	[tilespmem:s20+$0x1E710] =	vst v23;
	v19 =	vmul.f32 v19, v17  }
0x73: {  	[tilespmem:s20+$0x1E720] =	vst v21;
	v18 =	vadd.f32 v18, v16  }
0x74: {  	[tilespmem:s20+$0x1E700] =	vst v22;
	v19 =	vadd.f32 v19, v16  }
0x75: {  	v20 =	vmul.f32 v20, v17;
	[tilespmem:s19+$0x1E730] =	vst v18  }
0x76: {  	v17 =	vmul.f32 v25, v17;
	[tilespmem:s19+$0x1E710] =	vst v19  }
0x77: {  	v20 =	vadd.f32 v20, v16;
	s1 =	rddreg [dreg:$0x9]  }
0x78: {  	v16 =	vadd.f32 v17, v16;
	s7 =	sor.u32 s1, s18  }
0x79: {  	s21 =	rddreg [dreg:$0x5];
	[tilespmem:s19+$0x1E720] =	vst v20;
	s18 =	sshrl.u32 s7, $0x3  }
0x7a: {  	s9 =	simm.s32 $0x0;
	s6 =	simm.s32 $0x1E700;
	[tilespmem:s19+$0x1E700] =	vst v16;
	s7 =	sadd.s32 s21, s18  }
0x7b: {  	[hbm4b:s7+s9] =	stream.linear.scatter [tilespmem:s6], [sflag:$0x5], $0x80, $0x38;
	[tilespmem:$0x1F900] =	vst v63  }
0x7c: {  	s23 =	sadd.s32 $0x80, s7  }
0x7d: {  	[hbm4b:s23+s9] =	stream.linear.scatter [tilespmem:s22], [sflag:$0x5], $0x80, $0x38;
	[tilespmem:$0x1F900] =	vst v63  }
0x7e: {  	s24 =	sadd.s32 $0x100, s7  }
0x7f: {  	[hbm4b:s24+s9] =	stream.linear.scatter [tilespmem:s28], [sflag:$0x5], $0x80, $0x38;
	[tilespmem:$0x1F900] =	vst v63  }
0x80: {  	s25 =	sadd.s32 $0x180, s7  }
0x81: {  	[hbm4b:s25+s9] =	stream.linear.scatter [tilespmem:s29], [sflag:$0x5], $0x80, $0x38;
	[tilespmem:$0x1F900] =	vst v63  }
0x82: {  	s26 =	sadd.s32 $0x200, s7  }
0x83: {  	[hbm4b:s26+s9] =	stream.linear.scatter [tilespmem:s30], [sflag:$0x5], $0x80, $0x38;
	[tilespmem:$0x1F900] =	vst v63  }
0x84: {  	s1 =	sadd.s32 $0x280, s7  }
0x85: {  	[hbm4b:s1+s9] =	stream.linear.scatter [tilespmem:s31], [sflag:$0x5], $0x80, $0x38;
	[tilespmem:$0x1F900] =	vst v63  }
0x86: {  	s21 =	simm.s32 $0x1ED00;
	s20 =	sadd.s32 $0x300, s7  }
0x87: {  	[hbm4b:s20+s9] =	stream.linear.scatter [tilespmem:s21], [sflag:$0x5], $0x80, $0x38;
	[tilespmem:$0x1F900] =	vst v63  }
0x88: {  	s23 =	sadd.s32 $0x380, s7;
	s24 =	simm.s32 $0x1EE00  }
0x89: {  	[hbm4b:s23+s9] =	stream.linear.scatter [tilespmem:s24], [sflag:$0x5], $0x80, $0x38;
	[tilespmem:$0x1F900] =	vst v63  }
0x8a: {  	s25 =	sadd.s32 $0x400, s7;
	s26 =	simm.s32 $0x1EF00  }
0x8b: {  	[hbm4b:s25+s9] =	stream.linear.scatter [tilespmem:s26], [sflag:$0x5], $0x80, $0x38;
	[tilespmem:$0x1F900] =	vst v63  }
0x8c: {  	s20 =	sadd.s32 $0x480, s7;
	s21 =	simm.s32 $0x1F000  }
0x8d: {  	[hbm4b:s20+s9] =	stream.linear.scatter [tilespmem:s21], [sflag:$0x5], $0x80, $0x38;
	[tilespmem:$0x1F900] =	vst v63  }
0x8e: {  	s23 =	sadd.s32 $0x500, s7;
	s24 =	simm.s32 $0x1F100  }
0x8f: {  	[hbm4b:s23+s9] =	stream.linear.scatter [tilespmem:s24], [sflag:$0x5], $0x80, $0x38;
	[tilespmem:$0x1F900] =	vst v63  }
0x90: {  	s25 =	sadd.s32 $0x580, s7;
	s26 =	simm.s32 $0x1F200  }
0x91: {  	[hbm4b:s25+s9] =	stream.linear.scatter [tilespmem:s26], [sflag:$0x5], $0x80, $0x38;
	[tilespmem:$0x1F900] =	vst v63  }
0x92: {  	s20 =	sadd.s32 $0x600, s7;
	s21 =	simm.s32 $0x1F300  }
0x93: {  	[hbm4b:s20+s9] =	stream.linear.scatter [tilespmem:s21], [sflag:$0x5], $0x80, $0x38;
	[tilespmem:$0x1F900] =	vst v63  }
0x94: {  	s23 =	sadd.s32 $0x680, s7;
	s24 =	simm.s32 $0x1F400  }
0x95: {  	[hbm4b:s23+s9] =	stream.linear.scatter [tilespmem:s24], [sflag:$0x5], $0x80, $0x38;
	[tilespmem:$0x1F900] =	vst v63  }
0x96: {  	s25 =	sadd.s32 $0x700, s7;
	s26 =	simm.s32 $0x1F500  }
0x97: {  	[hbm4b:s25+s9] =	stream.linear.scatter [tilespmem:s26], [sflag:$0x5], $0x80, $0x38;
	[tilespmem:$0x1F900] =	vst v63  }
0x98: {  	s19 =	simm.s32 $0x1F600;
	s7 =	sadd.s32 $0x780, s7  }
0x99: {  	[hbm4b:s7+s9] =	stream.linear.scatter [tilespmem:s19], [sflag:$0x5], $0x80, $0x38;
	[tilespmem:$0x1F900] =	vst v63  }
0x9a: {  	s20 =	sand.u32 $0x40, s9;
	s9 =	sand.u32 $0xF00, s9  }
0x9b: {  	v17 =	vld.idx.msk [tilespmem:v1+s0+$0x0], $0xffff;
	s7 =	sor.u32 s20, s9  }
0x9c: {  	v16 =	vld.idx.msk [tilespmem:v1+s3+$0x0], $0xffff;
	s9 =	sadd.s32 $0x1C700, s7  }
0x9d: {  	v18 =	vld [tilespmem:s9+$0x30]  }
0x9e: {  	v19 =	vld [tilespmem:s9+$0x10]  }
0x9f: {  	v20 =	vld [tilespmem:s7+$0x1C700]  }
0xa0: {  	p2 =	por $0x0, $0x0;
	s21 =	simm.s32 $0x40;
	s7 =	simm.s32 $0x1;
	v21 =	vld [tilespmem:s9+$0x20]  }
0xa1: {  	s19 =	simm.s32 $0x4;
	s20 =	simm.s32 $0x80;
	s7 =	simm.s32 @!p2 $0x0  }
0xa2: {  	s23 =	sand.u32 $0xF00, s20;
	s9 =	sand.u32 $0x40, s21;
	s7 =	sshll.u32 s7, $0x6;
	v22 =	vmul.f32 v18, v17  }
0xa3: {  	p2 =	por !p2, !p2;
	s9 =	sor.u32 s9, s23;
	s7 =	sadd.s32 $0x0, s7;
	v19 =	vmul.f32 v19, v17  }
0xa4: {  	s21 =	sadd.s32 $0x1C700, s9;
	s24 =	sadd.s32 $0x10, s7;
	s25 =	sadd.s32 $0x30, s7;
	v18 =	vld [tilespmem:s9+$0x1C700];
	v22 =	vadd.f32 v22, v16  }
0xa5: {  	s23 =	sadd.s32 $0x20, s7;
	v23 =	vmul.f32 v20, v17;
	v20 =	vld [tilespmem:s21+$0x30];
	s26 =	sor.u32 $0x80, s24;
	s25 =	sor.u32 $0x80, s25;
	v62 =	vmul.f32 v21, v17;
	v63 =	vadd.f32 v19, v16  }
0xa6: {  	s24 =	sor.u32 $0x80, s23;
	s23 =	sor.u32 $0x80, s7;
	v21 =	vld [tilespmem:s21+$0x10];
	s9 =	simm.s32 $0x1;
	[tilespmem:s25+$0x1E700] =	vst v22  }
0xa7: {  	s7 =	simm.s32 $0x80;
	s9 =	simm.s32 @!p2 $0x0;
	v19 =	vadd.f32 v23, v16;
	v23 =	vadd.f32 v62, v16;
	v22 =	vld [tilespmem:s21+$0x20];
	s21 =	simm.s32 $0x100;
	[tilespmem:s26+$0x1E700] =	vst v63  }
.LBB2_6:
0xa8: {  	s25 =	sand.u32 $0x40, s7  }
0xa9: {  	s26 =	sand.u32 $0xF00, s21;
	s19 =	sadd.s32 $0x4, s19;
	v24 =	vmul.f32 v18, v17;
	[tilespmem:s24+$0x1E700] =	vst v23;
	s9 =	sshll.u32 s9, $0x6  }
0xaa: {  	p2 =	por !p2, !p2;
	s24 =	sor.u32 s25, s26;
	p3 =	slt.u32 s19, $0x7C;
	v23 =	vmul.f32 v20, v17;
	[tilespmem:s23+$0x1E700] =	vst v19  }
.Ltmp2:
0xab: {  	s9 =	sadd.s32 s9, s20;
	s23 =	sadd.s32 $0x1C700, s24;
	v18 =	vld [tilespmem:s24+$0x1C700];
	v19 =	vadd.f32 v24, v16;
	v24 =	vmul.f32 v21, v17;
	(pc) =	sbr.rel @p3 .LBB2_6-.Ltmp2, $4  }
0xac: {  	s20 =	sadd.s32 $0x10, s9;
	s24 =	sadd.s32 $0x20, s9;
	s25 =	sadd.s32 $0x30, s9;
	v20 =	vld [tilespmem:s23+$0x30];
	v25 =	vmul.f32 v22, v17;
	v26 =	vadd.f32 v23, v16  }
0xad: {  	s26 =	sor.u32 $0x80, s20;
	s24 =	sor.u32 $0x80, s24;
	s20 =	sor.u32 $0x80, s25;
	v21 =	vld [tilespmem:s23+$0x10];
	v24 =	vadd.f32 v24, v16  }
0xae: {  	v22 =	vld [tilespmem:s23+$0x20];
	s23 =	sor.u32 $0x80, s9;
	v23 =	vadd.f32 v25, v16;
	[tilespmem:s20+$0x1E700] =	vst v26;
	s20 =	smov.u32 s21;
	s9 =	simm.s32 $0x1  }
0xaf: {  	s7 =	sadd.s32 $0x40, s7;
	s21 =	sadd.s32 $0x80, s21;
	s9 =	simm.s32 @!p2 $0x0;
	[tilespmem:s26+$0x1E700] =	vst v24  }
0xb0: {  	_ = 	snop  }
0xb1: {  	s7 =	sshll.u32 s9, $0x6;
	v20 =	vmul.f32 v20, v17  }
0xb2: {  	s7 =	sadd.s32 s7, s20;
	v21 =	vmul.f32 v21, v17  }
0xb3: {  	[tilespmem:s24+$0x1E700] =	vst v23;
	s1 =	sadd.s32 $0x30, s7;
	v22 =	vmul.f32 v22, v17;
	v20 =	vadd.f32 v20, v16  }
0xb4: {  	[tilespmem:s23+$0x1E700] =	vst v19;
	s19 =	sadd.s32 $0x10, s7;
	v17 =	vmul.f32 v18, v17;
	s9 =	sor.u32 $0x80, s1;
	v18 =	vadd.f32 v21, v16  }
0xb5: {  	s20 =	sadd.s32 $0x20, s7;
	s19 =	sor.u32 $0x80, s19;
	v19 =	vadd.f32 v22, v16;
	[tilespmem:s9+$0x1E700] =	vst v20  }
0xb6: {  	s20 =	sor.u32 $0x80, s20;
	v16 =	vadd.f32 v17, v16;
	[tilespmem:s19+$0x1E700] =	vst v18  }
0xb7: {  	s7 =	sor.u32 $0x80, s7;
	[tilespmem:s20+$0x1E700] =	vst v19  }
0xb8: {  	[tilespmem:s7+$0x1E700] =	vst v16  }
0xb9: {  	s1 =	rddreg [dreg:$0xa]  }
0xba: {  	s21 =	simm.s32 $0x1E780;
	s9 =	simm.s32 $0x0;
	s7 =	sadd.s32 s18, s1  }
0xbb: {  	[hbm4b:s7+s9] =	stream.linear.scatter [tilespmem:s21], [sflag:$0x6], $0x80, $0x38;
	[tilespmem:$0x1F900] =	vst v63  }
0xbc: {  	s24 =	simm.s32 $0x1E880;
	s23 =	sadd.s32 $0x80, s7  }
0xbd: {  	[hbm4b:s23+s9] =	stream.linear.scatter [tilespmem:s24], [sflag:$0x6], $0x80, $0x38;
	[tilespmem:$0x1F900] =	vst v63  }
0xbe: {  	s26 =	simm.s32 $0x1E980;
	s25 =	sadd.s32 $0x100, s7  }
0xbf: {  	[hbm4b:s25+s9] =	stream.linear.scatter [tilespmem:s26], [sflag:$0x6], $0x80, $0x38;
	[tilespmem:$0x1F900] =	vst v63  }
0xc0: {  	s20 =	sadd.s32 $0x180, s7;
	s21 =	simm.s32 $0x1EA80  }
0xc1: {  	[hbm4b:s20+s9] =	stream.linear.scatter [tilespmem:s21], [sflag:$0x6], $0x80, $0x38;
	[tilespmem:$0x1F900] =	vst v63  }
0xc2: {  	s23 =	sadd.s32 $0x200, s7;
	s24 =	simm.s32 $0x1EB80  }
0xc3: {  	[hbm4b:s23+s9] =	stream.linear.scatter [tilespmem:s24], [sflag:$0x6], $0x80, $0x38;
	[tilespmem:$0x1F900] =	vst v63  }
0xc4: {  	s25 =	sadd.s32 $0x280, s7;
	s26 =	simm.s32 $0x1EC80  }
0xc5: {  	[hbm4b:s25+s9] =	stream.linear.scatter [tilespmem:s26], [sflag:$0x6], $0x80, $0x38;
	[tilespmem:$0x1F900] =	vst v63  }
0xc6: {  	s20 =	sadd.s32 $0x300, s7;
	s21 =	simm.s32 $0x1ED80  }
0xc7: {  	[hbm4b:s20+s9] =	stream.linear.scatter [tilespmem:s21], [sflag:$0x6], $0x80, $0x38;
	[tilespmem:$0x1F900] =	vst v63  }
0xc8: {  	s23 =	sadd.s32 $0x380, s7;
	s24 =	simm.s32 $0x1EE80  }
0xc9: {  	[hbm4b:s23+s9] =	stream.linear.scatter [tilespmem:s24], [sflag:$0x6], $0x80, $0x38;
	[tilespmem:$0x1F900] =	vst v63  }
0xca: {  	s25 =	sadd.s32 $0x400, s7;
	s26 =	simm.s32 $0x1EF80  }
0xcb: {  	[hbm4b:s25+s9] =	stream.linear.scatter [tilespmem:s26], [sflag:$0x6], $0x80, $0x38;
	[tilespmem:$0x1F900] =	vst v63  }
0xcc: {  	s20 =	sadd.s32 $0x480, s7;
	s21 =	simm.s32 $0x1F080  }
0xcd: {  	[hbm4b:s20+s9] =	stream.linear.scatter [tilespmem:s21], [sflag:$0x6], $0x80, $0x38;
	[tilespmem:$0x1F900] =	vst v63  }
0xce: {  	s23 =	sadd.s32 $0x500, s7;
	s24 =	simm.s32 $0x1F180  }
0xcf: {  	[hbm4b:s23+s9] =	stream.linear.scatter [tilespmem:s24], [sflag:$0x6], $0x80, $0x38;
	[tilespmem:$0x1F900] =	vst v63  }
0xd0: {  	s25 =	sadd.s32 $0x580, s7;
	s26 =	simm.s32 $0x1F280  }
0xd1: {  	[hbm4b:s25+s9] =	stream.linear.scatter [tilespmem:s26], [sflag:$0x6], $0x80, $0x38;
	[tilespmem:$0x1F900] =	vst v63  }
0xd2: {  	s1 =	sadd.s32 $0x600, s7;
	s20 =	simm.s32 $0x1F380  }
0xd3: {  	[hbm4b:s1+s9] =	stream.linear.scatter [tilespmem:s20], [sflag:$0x6], $0x80, $0x38;
	[tilespmem:$0x1F900] =	vst v63  }
0xd4: {  	s21 =	sadd.s32 $0x680, s7  }
0xd5: {  	[hbm4b:s21+s9] =	stream.linear.scatter [tilespmem:s2], [sflag:$0x6], $0x80, $0x38;
	[tilespmem:$0x1F900] =	vst v63  }
0xd6: {  	s23 =	sadd.s32 $0x700, s7  }
0xd7: {  	[hbm4b:s23+s9] =	stream.linear.scatter [tilespmem:s5], [sflag:$0x6], $0x80, $0x38;
	[tilespmem:$0x1F900] =	vst v63  }
0xd8: {  	s7 =	sadd.s32 $0x780, s7  }
0xd9: {  	[hbm4b:s7+s9] =	stream.linear.scatter [tilespmem:s4], [sflag:$0x6], $0x80, $0x38;
	[tilespmem:$0x1F900] =	vst v63  }
0xda: {  	_ =	swait.ge [sflag:s17], $0x800  }
0xdb: {  	[sflag:s17] =	ssyncset.done $0x0  }
0xdc: {  	[sflag:s17] =	ssyncadd.s32 $0xFFFFF800  }
0xdd: {  	s24 =	sand.u32 $0x40, s9;
	s9 =	sand.u32 $0xF00, s9;
	v17 =	vld.idx.msk [tilespmem:v2+s0+$0x0], $0xffff  }
0xde: {  	s19 =	sor.u32 s24, s9;
	v16 =	vld.idx.msk [tilespmem:v2+s3+$0x0], $0xffff  }
0xdf: {  	v18 =	vld [tilespmem:s19+$0x1C730]  }
0xe0: {  	v19 =	vld [tilespmem:s19+$0x1C710]  }
0xe1: {  	v20 =	vld [tilespmem:s19+$0x1C720]  }
0xe2: {  	s21 =	simm.s32 $0x40;
	s7 =	simm.s32 $0x80;
	v22 =	vld [tilespmem:s19+$0x1C700]  }
0xe3: {  	s25 =	sand.u32 $0x40, s21;
	s26 =	sand.u32 $0xF00, s7  }
0xe4: {  	s20 =	sor.u32 s25, s26  }
0xe5: {  	v23 =	vmul.f32 v18, v17;
	v18 =	vld [tilespmem:s20+$0x1C730];
	v25 =	vmul.f32 v19, v17  }
0xe6: {  	v19 =	vld [tilespmem:s20+$0x1C710];
	v21 =	vmul.f32 v20, v17  }
0xe7: {  	s23 =	simm.s32 $0x4;
	v20 =	vld [tilespmem:s20+$0x1C720];
	v22 =	vmul.f32 v22, v17;
	v24 =	vadd.f32 v23, v16;
	v23 =	vadd.f32 v25, v16  }
.LBB2_8:
0xe8: {  	s23 =	sadd.s32 $0x4, s23  }
0xe9: {  	v25 =	vld [tilespmem:s20+$0x1C700];
	s7 =	sadd.s32 $0x80, s7;
	s21 =	sadd.s32 $0x40, s21;
	v21 =	vadd.f32 v21, v16;
	[tilespmem:s19+$0x1E730] =	vst v24;
	p2 =	slt.u32 s23, $0x7C  }
.Ltmp3:
0xea: {  	s9 =	sand.u32 $0x40, s21;
	s24 =	sand.u32 $0xF00, s7;
	v22 =	vadd.f32 v22, v16;
	[tilespmem:s19+$0x1E710] =	vst v23;
	(pc) =	sbr.rel @p2 .LBB2_8-.Ltmp3, $4  }
0xeb: {  	s9 =	sor.u32 s9, s24;
	v23 =	vmul.f32 v18, v17;
	[tilespmem:s19+$0x1E720] =	vst v21  }
0xec: {  	v18 =	vld [tilespmem:s9+$0x1C730];
	v26 =	vmul.f32 v19, v17;
	[tilespmem:s19+$0x1E700] =	vst v22;
	s19 =	smov.u32 s20;
	s20 =	smov.u32 s9  }
0xed: {  	v19 =	vld [tilespmem:s20+$0x1C710];
	v21 =	vmul.f32 v20, v17;
	v24 =	vadd.f32 v23, v16  }
0xee: {  	v20 =	vld [tilespmem:s20+$0x1C720];
	v22 =	vmul.f32 v25, v17;
	v23 =	vadd.f32 v26, v16  }
0xef: {  	v25 =	vld [tilespmem:s20+$0x1C700];
	_ =	sdelay $0x1  }
0xf0: {  	v21 =	vadd.f32 v21, v16;
	[tilespmem:s19+$0x1E730] =	vst v24;
	v18 =	vmul.f32 v18, v17  }
0xf1: {  	v22 =	vadd.f32 v22, v16;
	[tilespmem:s19+$0x1E710] =	vst v23;
	v19 =	vmul.f32 v19, v17  }
0xf2: {  	[tilespmem:s19+$0x1E720] =	vst v21;
	v20 =	vmul.f32 v20, v17;
	v18 =	vadd.f32 v18, v16  }
0xf3: {  	[tilespmem:s19+$0x1E700] =	vst v22;
	v17 =	vmul.f32 v25, v17;
	v19 =	vadd.f32 v19, v16  }
0xf4: {  	v20 =	vadd.f32 v20, v16;
	[tilespmem:s20+$0x1E730] =	vst v18  }
0xf5: {  	v16 =	vadd.f32 v17, v16;
	[tilespmem:s20+$0x1E710] =	vst v19  }
0xf6: {  	[tilespmem:s20+$0x1E720] =	vst v20  }
0xf7: {  	[tilespmem:s20+$0x1E700] =	vst v16  }
0xf8: {  	s1 =	rddreg [dreg:$0xb]  }
0xf9: {  	s9 =	simm.s32 $0x0;
	s7 =	sadd.s32 s18, s1  }
0xfa: {  	[hbm4b:s7+s9] =	stream.linear.scatter [tilespmem:s6], [sflag:$0x5], $0x80, $0x38;
	[tilespmem:$0x1F900] =	vst v63  }
0xfb: {  	s23 =	sadd.s32 $0x80, s7  }
0xfc: {  	[hbm4b:s23+s9] =	stream.linear.scatter [tilespmem:s22], [sflag:$0x5], $0x80, $0x38;
	[tilespmem:$0x1F900] =	vst v63  }
0xfd: {  	s24 =	sadd.s32 $0x100, s7  }
0xfe: {  	[hbm4b:s24+s9] =	stream.linear.scatter [tilespmem:s28], [sflag:$0x5], $0x80, $0x38;
	[tilespmem:$0x1F900] =	vst v63  }
0xff: {  	s25 =	sadd.s32 $0x180, s7  }
0x100: {  	[hbm4b:s25+s9] =	stream.linear.scatter [tilespmem:s29], [sflag:$0x5], $0x80, $0x38;
	[tilespmem:$0x1F900] =	vst v63  }
0x101: {  	s26 =	sadd.s32 $0x200, s7  }
0x102: {  	[hbm4b:s26+s9] =	stream.linear.scatter [tilespmem:s30], [sflag:$0x5], $0x80, $0x38;
	[tilespmem:$0x1F900] =	vst v63  }
0x103: {  	s1 =	sadd.s32 $0x280, s7  }
0x104: {  	[hbm4b:s1+s9] =	stream.linear.scatter [tilespmem:s31], [sflag:$0x5], $0x80, $0x38;
	[tilespmem:$0x1F900] =	vst v63  }
0x105: {  	s21 =	simm.s32 $0x1ED00;
	s20 =	sadd.s32 $0x300, s7  }
0x106: {  	[hbm4b:s20+s9] =	stream.linear.scatter [tilespmem:s21], [sflag:$0x5], $0x80, $0x38;
	[tilespmem:$0x1F900] =	vst v63  }
0x107: {  	s23 =	sadd.s32 $0x380, s7;
	s24 =	simm.s32 $0x1EE00  }
0x108: {  	[hbm4b:s23+s9] =	stream.linear.scatter [tilespmem:s24], [sflag:$0x5], $0x80, $0x38;
	[tilespmem:$0x1F900] =	vst v63  }
0x109: {  	s25 =	sadd.s32 $0x400, s7;
	s26 =	simm.s32 $0x1EF00  }
0x10a: {  	[hbm4b:s25+s9] =	stream.linear.scatter [tilespmem:s26], [sflag:$0x5], $0x80, $0x38;
	[tilespmem:$0x1F900] =	vst v63  }
0x10b: {  	s20 =	sadd.s32 $0x480, s7;
	s21 =	simm.s32 $0x1F000  }
0x10c: {  	[hbm4b:s20+s9] =	stream.linear.scatter [tilespmem:s21], [sflag:$0x5], $0x80, $0x38;
	[tilespmem:$0x1F900] =	vst v63  }
0x10d: {  	s23 =	sadd.s32 $0x500, s7;
	s24 =	simm.s32 $0x1F100  }
0x10e: {  	[hbm4b:s23+s9] =	stream.linear.scatter [tilespmem:s24], [sflag:$0x5], $0x80, $0x38;
	[tilespmem:$0x1F900] =	vst v63  }
0x10f: {  	s25 =	sadd.s32 $0x580, s7;
	s26 =	simm.s32 $0x1F200  }
0x110: {  	[hbm4b:s25+s9] =	stream.linear.scatter [tilespmem:s26], [sflag:$0x5], $0x80, $0x38;
	[tilespmem:$0x1F900] =	vst v63  }
0x111: {  	s20 =	sadd.s32 $0x600, s7;
	s21 =	simm.s32 $0x1F300  }
0x112: {  	[hbm4b:s20+s9] =	stream.linear.scatter [tilespmem:s21], [sflag:$0x5], $0x80, $0x38;
	[tilespmem:$0x1F900] =	vst v63  }
0x113: {  	s23 =	sadd.s32 $0x680, s7;
	s24 =	simm.s32 $0x1F400  }
0x114: {  	[hbm4b:s23+s9] =	stream.linear.scatter [tilespmem:s24], [sflag:$0x5], $0x80, $0x38;
	[tilespmem:$0x1F900] =	vst v63  }
0x115: {  	s25 =	sadd.s32 $0x700, s7;
	s26 =	simm.s32 $0x1F500  }
0x116: {  	[hbm4b:s25+s9] =	stream.linear.scatter [tilespmem:s26], [sflag:$0x5], $0x80, $0x38;
	[tilespmem:$0x1F900] =	vst v63  }
0x117: {  	s19 =	simm.s32 $0x1F600;
	s7 =	sadd.s32 $0x780, s7  }
0x118: {  	[hbm4b:s7+s9] =	stream.linear.scatter [tilespmem:s19], [sflag:$0x5], $0x80, $0x38;
	[tilespmem:$0x1F900] =	vst v63  }
0x119: {  	_ =	swait.ge [sflag:s10], $0x800  }
0x11a: {  	[sflag:s10] =	ssyncset.done $0x0  }
0x11b: {  	s20 =	sand.u32 $0x40, s9;
	s9 =	sand.u32 $0xF00, s9;
	[sflag:s10] =	ssyncadd.s32 $0xFFFFF800  }
0x11c: {  	s7 =	sor.u32 s20, s9;
	v17 =	vld.idx.msk [tilespmem:v3+s0+$0x0], $0xffff  }
0x11d: {  	s9 =	sadd.s32 $0x1C700, s7;
	v16 =	vld.idx.msk [tilespmem:v3+s3+$0x0], $0xffff  }
0x11e: {  	v18 =	vld [tilespmem:s9+$0x30]  }
0x11f: {  	v19 =	vld [tilespmem:s9+$0x10]  }
0x120: {  	v20 =	vld [tilespmem:s7+$0x1C700]  }
0x121: {  	p2 =	por $0x0, $0x0;
	s21 =	simm.s32 $0x40;
	v21 =	vld [tilespmem:s9+$0x20];
	s7 =	simm.s32 $0x1  }
0x122: {  	s19 =	simm.s32 $0x4;
	s20 =	simm.s32 $0x80;
	s7 =	simm.s32 @!p2 $0x0  }
0x123: {  	s23 =	sand.u32 $0xF00, s20;
	s9 =	sand.u32 $0x40, s21;
	s7 =	sshll.u32 s7, $0x6;
	v22 =	vmul.f32 v18, v17  }
0x124: {  	s9 =	sor.u32 s9, s23;
	p2 =	por !p2, !p2;
	s7 =	sadd.s32 $0x0, s7;
	v19 =	vmul.f32 v19, v17  }
0x125: {  	s21 =	sadd.s32 $0x1C700, s9;
	s24 =	sadd.s32 $0x10, s7;
	s25 =	sadd.s32 $0x30, s7;
	v18 =	vld [tilespmem:s9+$0x1C700];
	v22 =	vadd.f32 v22, v16  }
0x126: {  	s23 =	sadd.s32 $0x20, s7;
	v23 =	vmul.f32 v20, v17;
	v20 =	vld [tilespmem:s21+$0x30];
	v62 =	vmul.f32 v21, v17;
	s26 =	sor.u32 $0x80, s24;
	s25 =	sor.u32 $0x80, s25;
	v63 =	vadd.f32 v19, v16  }
0x127: {  	s24 =	sor.u32 $0x80, s23;
	v21 =	vld [tilespmem:s21+$0x10];
	s23 =	sor.u32 $0x80, s7;
	s9 =	simm.s32 $0x1;
	[tilespmem:s25+$0x1E700] =	vst v22  }
0x128: {  	s7 =	simm.s32 $0x80;
	s9 =	simm.s32 @!p2 $0x0;
	v19 =	vadd.f32 v23, v16;
	v23 =	vadd.f32 v62, v16;
	v22 =	vld [tilespmem:s21+$0x20];
	s21 =	simm.s32 $0x100;
	[tilespmem:s26+$0x1E700] =	vst v63  }
.LBB2_10:
0x129: {  	s25 =	sand.u32 $0x40, s7  }
0x12a: {  	s26 =	sand.u32 $0xF00, s21;
	s19 =	sadd.s32 $0x4, s19;
	v24 =	vmul.f32 v18, v17;
	[tilespmem:s24+$0x1E700] =	vst v23;
	s9 =	sshll.u32 s9, $0x6  }
0x12b: {  	p2 =	por !p2, !p2;
	s24 =	sor.u32 s25, s26;
	p3 =	slt.u32 s19, $0x7C;
	v23 =	vmul.f32 v20, v17;
	[tilespmem:s23+$0x1E700] =	vst v19  }
.Ltmp4:
0x12c: {  	s9 =	sadd.s32 s9, s20;
	s23 =	sadd.s32 $0x1C700, s24;
	v18 =	vld [tilespmem:s24+$0x1C700];
	v19 =	vadd.f32 v24, v16;
	v24 =	vmul.f32 v21, v17;
	(pc) =	sbr.rel @p3 .LBB2_10-.Ltmp4, $4  }
0x12d: {  	s20 =	sadd.s32 $0x10, s9;
	s24 =	sadd.s32 $0x20, s9;
	s25 =	sadd.s32 $0x30, s9;
	v20 =	vld [tilespmem:s23+$0x30];
	v25 =	vmul.f32 v22, v17;
	v26 =	vadd.f32 v23, v16  }
0x12e: {  	s26 =	sor.u32 $0x80, s20;
	s24 =	sor.u32 $0x80, s24;
	s20 =	sor.u32 $0x80, s25;
	v21 =	vld [tilespmem:s23+$0x10];
	v24 =	vadd.f32 v24, v16  }
0x12f: {  	v22 =	vld [tilespmem:s23+$0x20];
	s23 =	sor.u32 $0x80, s9;
	v23 =	vadd.f32 v25, v16;
	[tilespmem:s20+$0x1E700] =	vst v26;
	s20 =	smov.u32 s21;
	s9 =	simm.s32 $0x1  }
0x130: {  	s7 =	sadd.s32 $0x40, s7;
	s21 =	sadd.s32 $0x80, s21;
	s9 =	simm.s32 @!p2 $0x0;
	[tilespmem:s26+$0x1E700] =	vst v24  }
0x131: {  	_ = 	snop  }
0x132: {  	s7 =	sshll.u32 s9, $0x6;
	v20 =	vmul.f32 v20, v17  }
0x133: {  	s7 =	sadd.s32 s7, s20;
	v21 =	vmul.f32 v21, v17  }
0x134: {  	[tilespmem:s24+$0x1E700] =	vst v23;
	s1 =	sadd.s32 $0x30, s7;
	v22 =	vmul.f32 v22, v17;
	v20 =	vadd.f32 v20, v16  }
0x135: {  	[tilespmem:s23+$0x1E700] =	vst v19;
	s19 =	sadd.s32 $0x10, s7;
	v17 =	vmul.f32 v18, v17;
	s9 =	sor.u32 $0x80, s1;
	v18 =	vadd.f32 v21, v16  }
0x136: {  	s20 =	sadd.s32 $0x20, s7;
	s19 =	sor.u32 $0x80, s19;
	v19 =	vadd.f32 v22, v16;
	[tilespmem:s9+$0x1E700] =	vst v20  }
0x137: {  	s20 =	sor.u32 $0x80, s20;
	v16 =	vadd.f32 v17, v16;
	[tilespmem:s19+$0x1E700] =	vst v18  }
0x138: {  	s7 =	sor.u32 $0x80, s7;
	[tilespmem:s20+$0x1E700] =	vst v19  }
0x139: {  	[tilespmem:s7+$0x1E700] =	vst v16  }
0x13a: {  	s1 =	rddreg [dreg:$0xc]  }
0x13b: {  	s21 =	simm.s32 $0x1E780;
	s9 =	simm.s32 $0x0;
	s7 =	sadd.s32 s18, s1  }
0x13c: {  	[hbm4b:s7+s9] =	stream.linear.scatter [tilespmem:s21], [sflag:$0x6], $0x80, $0x38;
	[tilespmem:$0x1F900] =	vst v63  }
0x13d: {  	s24 =	simm.s32 $0x1E880;
	s23 =	sadd.s32 $0x80, s7  }
0x13e: {  	[hbm4b:s23+s9] =	stream.linear.scatter [tilespmem:s24], [sflag:$0x6], $0x80, $0x38;
	[tilespmem:$0x1F900] =	vst v63  }
0x13f: {  	s26 =	simm.s32 $0x1E980;
	s25 =	sadd.s32 $0x100, s7  }
0x140: {  	[hbm4b:s25+s9] =	stream.linear.scatter [tilespmem:s26], [sflag:$0x6], $0x80, $0x38;
	[tilespmem:$0x1F900] =	vst v63  }
0x141: {  	s20 =	sadd.s32 $0x180, s7;
	s21 =	simm.s32 $0x1EA80  }
0x142: {  	[hbm4b:s20+s9] =	stream.linear.scatter [tilespmem:s21], [sflag:$0x6], $0x80, $0x38;
	[tilespmem:$0x1F900] =	vst v63  }
0x143: {  	s23 =	sadd.s32 $0x200, s7;
	s24 =	simm.s32 $0x1EB80  }
0x144: {  	[hbm4b:s23+s9] =	stream.linear.scatter [tilespmem:s24], [sflag:$0x6], $0x80, $0x38;
	[tilespmem:$0x1F900] =	vst v63  }
0x145: {  	s25 =	sadd.s32 $0x280, s7;
	s26 =	simm.s32 $0x1EC80  }
0x146: {  	[hbm4b:s25+s9] =	stream.linear.scatter [tilespmem:s26], [sflag:$0x6], $0x80, $0x38;
	[tilespmem:$0x1F900] =	vst v63  }
0x147: {  	s20 =	sadd.s32 $0x300, s7;
	s21 =	simm.s32 $0x1ED80  }
0x148: {  	[hbm4b:s20+s9] =	stream.linear.scatter [tilespmem:s21], [sflag:$0x6], $0x80, $0x38;
	[tilespmem:$0x1F900] =	vst v63  }
0x149: {  	s23 =	sadd.s32 $0x380, s7;
	s24 =	simm.s32 $0x1EE80  }
0x14a: {  	[hbm4b:s23+s9] =	stream.linear.scatter [tilespmem:s24], [sflag:$0x6], $0x80, $0x38;
	[tilespmem:$0x1F900] =	vst v63  }
0x14b: {  	s25 =	sadd.s32 $0x400, s7;
	s26 =	simm.s32 $0x1EF80  }
0x14c: {  	[hbm4b:s25+s9] =	stream.linear.scatter [tilespmem:s26], [sflag:$0x6], $0x80, $0x38;
	[tilespmem:$0x1F900] =	vst v63  }
0x14d: {  	s20 =	sadd.s32 $0x480, s7;
	s21 =	simm.s32 $0x1F080  }
0x14e: {  	[hbm4b:s20+s9] =	stream.linear.scatter [tilespmem:s21], [sflag:$0x6], $0x80, $0x38;
	[tilespmem:$0x1F900] =	vst v63  }
0x14f: {  	s23 =	sadd.s32 $0x500, s7;
	s24 =	simm.s32 $0x1F180  }
0x150: {  	[hbm4b:s23+s9] =	stream.linear.scatter [tilespmem:s24], [sflag:$0x6], $0x80, $0x38;
	[tilespmem:$0x1F900] =	vst v63  }
0x151: {  	s25 =	sadd.s32 $0x580, s7;
	s26 =	simm.s32 $0x1F280  }
0x152: {  	[hbm4b:s25+s9] =	stream.linear.scatter [tilespmem:s26], [sflag:$0x6], $0x80, $0x38;
	[tilespmem:$0x1F900] =	vst v63  }
0x153: {  	s1 =	sadd.s32 $0x600, s7;
	s20 =	simm.s32 $0x1F380  }
0x154: {  	[hbm4b:s1+s9] =	stream.linear.scatter [tilespmem:s20], [sflag:$0x6], $0x80, $0x38;
	[tilespmem:$0x1F900] =	vst v63  }
0x155: {  	s21 =	sadd.s32 $0x680, s7  }
0x156: {  	[hbm4b:s21+s9] =	stream.linear.scatter [tilespmem:s2], [sflag:$0x6], $0x80, $0x38;
	[tilespmem:$0x1F900] =	vst v63  }
0x157: {  	s23 =	sadd.s32 $0x700, s7  }
0x158: {  	[hbm4b:s23+s9] =	stream.linear.scatter [tilespmem:s5], [sflag:$0x6], $0x80, $0x38;
	[tilespmem:$0x1F900] =	vst v63  }
0x159: {  	s7 =	sadd.s32 $0x780, s7  }
0x15a: {  	[hbm4b:s7+s9] =	stream.linear.scatter [tilespmem:s4], [sflag:$0x6], $0x80, $0x38;
	[tilespmem:$0x1F900] =	vst v63  }
0x15b: {  	_ =	swait.ge [sflag:s17], $0x800  }
0x15c: {  	[sflag:s17] =	ssyncset.done $0x0  }
0x15d: {  	[sflag:s17] =	ssyncadd.s32 $0xFFFFF800  }
0x15e: {  	s24 =	sand.u32 $0x40, s9;
	s9 =	sand.u32 $0xF00, s9;
	v17 =	vld.idx.msk [tilespmem:v4+s0+$0x0], $0xffff  }
0x15f: {  	s19 =	sor.u32 s24, s9;
	v16 =	vld.idx.msk [tilespmem:v4+s3+$0x0], $0xffff  }
0x160: {  	v18 =	vld [tilespmem:s19+$0x1C730]  }
0x161: {  	v19 =	vld [tilespmem:s19+$0x1C710]  }
0x162: {  	v20 =	vld [tilespmem:s19+$0x1C720]  }
0x163: {  	s21 =	simm.s32 $0x40;
	s7 =	simm.s32 $0x80;
	v22 =	vld [tilespmem:s19+$0x1C700]  }
0x164: {  	s25 =	sand.u32 $0x40, s21;
	s26 =	sand.u32 $0xF00, s7  }
0x165: {  	s20 =	sor.u32 s25, s26  }
0x166: {  	v23 =	vmul.f32 v18, v17;
	v18 =	vld [tilespmem:s20+$0x1C730];
	v25 =	vmul.f32 v19, v17  }
0x167: {  	v19 =	vld [tilespmem:s20+$0x1C710];
	v21 =	vmul.f32 v20, v17  }
0x168: {  	s23 =	simm.s32 $0x4;
	v20 =	vld [tilespmem:s20+$0x1C720];
	v22 =	vmul.f32 v22, v17;
	v24 =	vadd.f32 v23, v16;
	v23 =	vadd.f32 v25, v16  }
.LBB2_12:
0x169: {  	s23 =	sadd.s32 $0x4, s23  }
0x16a: {  	v25 =	vld [tilespmem:s20+$0x1C700];
	s7 =	sadd.s32 $0x80, s7;
	s21 =	sadd.s32 $0x40, s21;
	v21 =	vadd.f32 v21, v16;
	[tilespmem:s19+$0x1E730] =	vst v24;
	p2 =	slt.u32 s23, $0x7C  }
.Ltmp5:
0x16b: {  	s9 =	sand.u32 $0x40, s21;
	s24 =	sand.u32 $0xF00, s7;
	v22 =	vadd.f32 v22, v16;
	[tilespmem:s19+$0x1E710] =	vst v23;
	(pc) =	sbr.rel @p2 .LBB2_12-.Ltmp5, $4  }
0x16c: {  	s9 =	sor.u32 s9, s24;
	v23 =	vmul.f32 v18, v17;
	[tilespmem:s19+$0x1E720] =	vst v21  }
0x16d: {  	v18 =	vld [tilespmem:s9+$0x1C730];
	v26 =	vmul.f32 v19, v17;
	[tilespmem:s19+$0x1E700] =	vst v22;
	s19 =	smov.u32 s20;
	s20 =	smov.u32 s9  }
0x16e: {  	v19 =	vld [tilespmem:s20+$0x1C710];
	v21 =	vmul.f32 v20, v17;
	v24 =	vadd.f32 v23, v16  }
0x16f: {  	v20 =	vld [tilespmem:s20+$0x1C720];
	v22 =	vmul.f32 v25, v17;
	v23 =	vadd.f32 v26, v16  }
0x170: {  	v25 =	vld [tilespmem:s20+$0x1C700];
	_ =	sdelay $0x1  }
0x171: {  	v21 =	vadd.f32 v21, v16;
	[tilespmem:s19+$0x1E730] =	vst v24;
	v18 =	vmul.f32 v18, v17  }
0x172: {  	v22 =	vadd.f32 v22, v16;
	[tilespmem:s19+$0x1E710] =	vst v23;
	v19 =	vmul.f32 v19, v17  }
0x173: {  	[tilespmem:s19+$0x1E720] =	vst v21;
	v20 =	vmul.f32 v20, v17;
	v18 =	vadd.f32 v18, v16  }
0x174: {  	[tilespmem:s19+$0x1E700] =	vst v22;
	v17 =	vmul.f32 v25, v17;
	v19 =	vadd.f32 v19, v16  }
0x175: {  	v20 =	vadd.f32 v20, v16;
	[tilespmem:s20+$0x1E730] =	vst v18  }
0x176: {  	v16 =	vadd.f32 v17, v16;
	[tilespmem:s20+$0x1E710] =	vst v19  }
0x177: {  	[tilespmem:s20+$0x1E720] =	vst v20  }
0x178: {  	[tilespmem:s20+$0x1E700] =	vst v16  }
0x179: {  	s1 =	rddreg [dreg:$0xd]  }
0x17a: {  	s9 =	simm.s32 $0x0;
	s7 =	sadd.s32 s18, s1  }
0x17b: {  	[hbm4b:s7+s9] =	stream.linear.scatter [tilespmem:s6], [sflag:$0x5], $0x80, $0x38;
	[tilespmem:$0x1F900] =	vst v63  }
0x17c: {  	s23 =	sadd.s32 $0x80, s7  }
0x17d: {  	[hbm4b:s23+s9] =	stream.linear.scatter [tilespmem:s22], [sflag:$0x5], $0x80, $0x38;
	[tilespmem:$0x1F900] =	vst v63  }
0x17e: {  	s24 =	sadd.s32 $0x100, s7  }
0x17f: {  	[hbm4b:s24+s9] =	stream.linear.scatter [tilespmem:s28], [sflag:$0x5], $0x80, $0x38;
	[tilespmem:$0x1F900] =	vst v63  }
0x180: {  	s25 =	sadd.s32 $0x180, s7  }
0x181: {  	[hbm4b:s25+s9] =	stream.linear.scatter [tilespmem:s29], [sflag:$0x5], $0x80, $0x38;
	[tilespmem:$0x1F900] =	vst v63  }
0x182: {  	s26 =	sadd.s32 $0x200, s7  }
0x183: {  	[hbm4b:s26+s9] =	stream.linear.scatter [tilespmem:s30], [sflag:$0x5], $0x80, $0x38;
	[tilespmem:$0x1F900] =	vst v63  }
0x184: {  	s1 =	sadd.s32 $0x280, s7  }
0x185: {  	[hbm4b:s1+s9] =	stream.linear.scatter [tilespmem:s31], [sflag:$0x5], $0x80, $0x38;
	[tilespmem:$0x1F900] =	vst v63  }
0x186: {  	s21 =	simm.s32 $0x1ED00;
	s20 =	sadd.s32 $0x300, s7  }
0x187: {  	[hbm4b:s20+s9] =	stream.linear.scatter [tilespmem:s21], [sflag:$0x5], $0x80, $0x38;
	[tilespmem:$0x1F900] =	vst v63  }
0x188: {  	s23 =	sadd.s32 $0x380, s7;
	s24 =	simm.s32 $0x1EE00  }
0x189: {  	[hbm4b:s23+s9] =	stream.linear.scatter [tilespmem:s24], [sflag:$0x5], $0x80, $0x38;
	[tilespmem:$0x1F900] =	vst v63  }
0x18a: {  	s25 =	sadd.s32 $0x400, s7;
	s26 =	simm.s32 $0x1EF00  }
0x18b: {  	[hbm4b:s25+s9] =	stream.linear.scatter [tilespmem:s26], [sflag:$0x5], $0x80, $0x38;
	[tilespmem:$0x1F900] =	vst v63  }
0x18c: {  	s20 =	sadd.s32 $0x480, s7;
	s21 =	simm.s32 $0x1F000  }
0x18d: {  	[hbm4b:s20+s9] =	stream.linear.scatter [tilespmem:s21], [sflag:$0x5], $0x80, $0x38;
	[tilespmem:$0x1F900] =	vst v63  }
0x18e: {  	s23 =	sadd.s32 $0x500, s7;
	s24 =	simm.s32 $0x1F100  }
0x18f: {  	[hbm4b:s23+s9] =	stream.linear.scatter [tilespmem:s24], [sflag:$0x5], $0x80, $0x38;
	[tilespmem:$0x1F900] =	vst v63  }
0x190: {  	s25 =	sadd.s32 $0x580, s7;
	s26 =	simm.s32 $0x1F200  }
0x191: {  	[hbm4b:s25+s9] =	stream.linear.scatter [tilespmem:s26], [sflag:$0x5], $0x80, $0x38;
	[tilespmem:$0x1F900] =	vst v63  }
0x192: {  	s20 =	sadd.s32 $0x600, s7;
	s21 =	simm.s32 $0x1F300  }
0x193: {  	[hbm4b:s20+s9] =	stream.linear.scatter [tilespmem:s21], [sflag:$0x5], $0x80, $0x38;
	[tilespmem:$0x1F900] =	vst v63  }
0x194: {  	s23 =	sadd.s32 $0x680, s7;
	s24 =	simm.s32 $0x1F400  }
0x195: {  	[hbm4b:s23+s9] =	stream.linear.scatter [tilespmem:s24], [sflag:$0x5], $0x80, $0x38;
	[tilespmem:$0x1F900] =	vst v63  }
0x196: {  	s25 =	sadd.s32 $0x700, s7;
	s26 =	simm.s32 $0x1F500  }
0x197: {  	[hbm4b:s25+s9] =	stream.linear.scatter [tilespmem:s26], [sflag:$0x5], $0x80, $0x38;
	[tilespmem:$0x1F900] =	vst v63  }
0x198: {  	s19 =	simm.s32 $0x1F600;
	s7 =	sadd.s32 $0x780, s7  }
0x199: {  	[hbm4b:s7+s9] =	stream.linear.scatter [tilespmem:s19], [sflag:$0x5], $0x80, $0x38;
	[tilespmem:$0x1F900] =	vst v63  }
0x19a: {  	_ =	swait.ge [sflag:s10], $0x800  }
0x19b: {  	[sflag:s10] =	ssyncset.done $0x0  }
0x19c: {  	s20 =	sand.u32 $0x40, s9;
	s9 =	sand.u32 $0xF00, s9;
	[sflag:s10] =	ssyncadd.s32 $0xFFFFF800  }
0x19d: {  	s7 =	sor.u32 s20, s9;
	v17 =	vld.idx.msk [tilespmem:v5+s0+$0x0], $0xffff  }
0x19e: {  	s9 =	sadd.s32 $0x1C700, s7;
	v16 =	vld.idx.msk [tilespmem:v5+s3+$0x0], $0xffff  }
0x19f: {  	v18 =	vld [tilespmem:s9+$0x30]  }
0x1a0: {  	v19 =	vld [tilespmem:s9+$0x10]  }
0x1a1: {  	v20 =	vld [tilespmem:s7+$0x1C700]  }
0x1a2: {  	p2 =	por $0x0, $0x0;
	s21 =	simm.s32 $0x40;
	v21 =	vld [tilespmem:s9+$0x20];
	s7 =	simm.s32 $0x1  }
0x1a3: {  	s19 =	simm.s32 $0x4;
	s20 =	simm.s32 $0x80;
	s7 =	simm.s32 @!p2 $0x0  }
0x1a4: {  	s23 =	sand.u32 $0xF00, s20;
	s9 =	sand.u32 $0x40, s21;
	s7 =	sshll.u32 s7, $0x6;
	v22 =	vmul.f32 v18, v17  }
0x1a5: {  	s9 =	sor.u32 s9, s23;
	p2 =	por !p2, !p2;
	s7 =	sadd.s32 $0x0, s7;
	v19 =	vmul.f32 v19, v17  }
0x1a6: {  	s21 =	sadd.s32 $0x1C700, s9;
	s24 =	sadd.s32 $0x10, s7;
	s25 =	sadd.s32 $0x30, s7;
	v18 =	vld [tilespmem:s9+$0x1C700];
	v22 =	vadd.f32 v22, v16  }
0x1a7: {  	s23 =	sadd.s32 $0x20, s7;
	v23 =	vmul.f32 v20, v17;
	v20 =	vld [tilespmem:s21+$0x30];
	v62 =	vmul.f32 v21, v17;
	s26 =	sor.u32 $0x80, s24;
	s25 =	sor.u32 $0x80, s25;
	v63 =	vadd.f32 v19, v16  }
0x1a8: {  	s24 =	sor.u32 $0x80, s23;
	v21 =	vld [tilespmem:s21+$0x10];
	s23 =	sor.u32 $0x80, s7;
	s9 =	simm.s32 $0x1;
	[tilespmem:s25+$0x1E700] =	vst v22  }
0x1a9: {  	s7 =	simm.s32 $0x80;
	s9 =	simm.s32 @!p2 $0x0;
	v19 =	vadd.f32 v23, v16;
	v23 =	vadd.f32 v62, v16;
	v22 =	vld [tilespmem:s21+$0x20];
	s21 =	simm.s32 $0x100;
	[tilespmem:s26+$0x1E700] =	vst v63  }
.LBB2_14:
0x1aa: {  	s25 =	sand.u32 $0x40, s7  }
0x1ab: {  	s26 =	sand.u32 $0xF00, s21;
	s19 =	sadd.s32 $0x4, s19;
	v24 =	vmul.f32 v18, v17;
	[tilespmem:s24+$0x1E700] =	vst v23;
	s9 =	sshll.u32 s9, $0x6  }
0x1ac: {  	p2 =	por !p2, !p2;
	s24 =	sor.u32 s25, s26;
	p3 =	slt.u32 s19, $0x7C;
	v23 =	vmul.f32 v20, v17;
	[tilespmem:s23+$0x1E700] =	vst v19  }
.Ltmp6:
0x1ad: {  	s9 =	sadd.s32 s9, s20;
	s23 =	sadd.s32 $0x1C700, s24;
	v18 =	vld [tilespmem:s24+$0x1C700];
	v19 =	vadd.f32 v24, v16;
	v24 =	vmul.f32 v21, v17;
	(pc) =	sbr.rel @p3 .LBB2_14-.Ltmp6, $4  }
0x1ae: {  	s20 =	sadd.s32 $0x10, s9;
	s24 =	sadd.s32 $0x20, s9;
	s25 =	sadd.s32 $0x30, s9;
	v20 =	vld [tilespmem:s23+$0x30];
	v25 =	vmul.f32 v22, v17;
	v26 =	vadd.f32 v23, v16  }
0x1af: {  	s26 =	sor.u32 $0x80, s20;
	s24 =	sor.u32 $0x80, s24;
	s20 =	sor.u32 $0x80, s25;
	v21 =	vld [tilespmem:s23+$0x10];
	v24 =	vadd.f32 v24, v16  }
0x1b0: {  	v22 =	vld [tilespmem:s23+$0x20];
	s23 =	sor.u32 $0x80, s9;
	v23 =	vadd.f32 v25, v16;
	[tilespmem:s20+$0x1E700] =	vst v26;
	s20 =	smov.u32 s21;
	s9 =	simm.s32 $0x1  }
0x1b1: {  	s7 =	sadd.s32 $0x40, s7;
	s21 =	sadd.s32 $0x80, s21;
	s9 =	simm.s32 @!p2 $0x0;
	[tilespmem:s26+$0x1E700] =	vst v24  }
0x1b2: {  	_ = 	snop  }
0x1b3: {  	s7 =	sshll.u32 s9, $0x6;
	v20 =	vmul.f32 v20, v17  }
0x1b4: {  	s7 =	sadd.s32 s7, s20;
	v21 =	vmul.f32 v21, v17  }
0x1b5: {  	[tilespmem:s24+$0x1E700] =	vst v23;
	s1 =	sadd.s32 $0x30, s7;
	v22 =	vmul.f32 v22, v17;
	v20 =	vadd.f32 v20, v16  }
0x1b6: {  	[tilespmem:s23+$0x1E700] =	vst v19;
	s19 =	sadd.s32 $0x10, s7;
	v17 =	vmul.f32 v18, v17;
	s9 =	sor.u32 $0x80, s1;
	v18 =	vadd.f32 v21, v16  }
0x1b7: {  	s20 =	sadd.s32 $0x20, s7;
	s19 =	sor.u32 $0x80, s19;
	v19 =	vadd.f32 v22, v16;
	[tilespmem:s9+$0x1E700] =	vst v20  }
0x1b8: {  	s20 =	sor.u32 $0x80, s20;
	v16 =	vadd.f32 v17, v16;
	[tilespmem:s19+$0x1E700] =	vst v18  }
0x1b9: {  	s7 =	sor.u32 $0x80, s7;
	[tilespmem:s20+$0x1E700] =	vst v19  }
0x1ba: {  	[tilespmem:s7+$0x1E700] =	vst v16  }
0x1bb: {  	s1 =	rddreg [dreg:$0xe]  }
0x1bc: {  	s21 =	simm.s32 $0x1E780;
	s9 =	simm.s32 $0x0;
	s7 =	sadd.s32 s18, s1  }
0x1bd: {  	[hbm4b:s7+s9] =	stream.linear.scatter [tilespmem:s21], [sflag:$0x6], $0x80, $0x38;
	[tilespmem:$0x1F900] =	vst v63  }
0x1be: {  	s24 =	simm.s32 $0x1E880;
	s23 =	sadd.s32 $0x80, s7  }
0x1bf: {  	[hbm4b:s23+s9] =	stream.linear.scatter [tilespmem:s24], [sflag:$0x6], $0x80, $0x38;
	[tilespmem:$0x1F900] =	vst v63  }
0x1c0: {  	s26 =	simm.s32 $0x1E980;
	s25 =	sadd.s32 $0x100, s7  }
0x1c1: {  	[hbm4b:s25+s9] =	stream.linear.scatter [tilespmem:s26], [sflag:$0x6], $0x80, $0x38;
	[tilespmem:$0x1F900] =	vst v63  }
0x1c2: {  	s20 =	sadd.s32 $0x180, s7;
	s21 =	simm.s32 $0x1EA80  }
0x1c3: {  	[hbm4b:s20+s9] =	stream.linear.scatter [tilespmem:s21], [sflag:$0x6], $0x80, $0x38;
	[tilespmem:$0x1F900] =	vst v63  }
0x1c4: {  	s23 =	sadd.s32 $0x200, s7;
	s24 =	simm.s32 $0x1EB80  }
0x1c5: {  	[hbm4b:s23+s9] =	stream.linear.scatter [tilespmem:s24], [sflag:$0x6], $0x80, $0x38;
	[tilespmem:$0x1F900] =	vst v63  }
0x1c6: {  	s25 =	sadd.s32 $0x280, s7;
	s26 =	simm.s32 $0x1EC80  }
0x1c7: {  	[hbm4b:s25+s9] =	stream.linear.scatter [tilespmem:s26], [sflag:$0x6], $0x80, $0x38;
	[tilespmem:$0x1F900] =	vst v63  }
0x1c8: {  	s20 =	sadd.s32 $0x300, s7;
	s21 =	simm.s32 $0x1ED80  }
0x1c9: {  	[hbm4b:s20+s9] =	stream.linear.scatter [tilespmem:s21], [sflag:$0x6], $0x80, $0x38;
	[tilespmem:$0x1F900] =	vst v63  }
0x1ca: {  	s23 =	sadd.s32 $0x380, s7;
	s24 =	simm.s32 $0x1EE80  }
0x1cb: {  	[hbm4b:s23+s9] =	stream.linear.scatter [tilespmem:s24], [sflag:$0x6], $0x80, $0x38;
	[tilespmem:$0x1F900] =	vst v63  }
0x1cc: {  	s25 =	sadd.s32 $0x400, s7;
	s26 =	simm.s32 $0x1EF80  }
0x1cd: {  	[hbm4b:s25+s9] =	stream.linear.scatter [tilespmem:s26], [sflag:$0x6], $0x80, $0x38;
	[tilespmem:$0x1F900] =	vst v63  }
0x1ce: {  	s20 =	sadd.s32 $0x480, s7;
	s21 =	simm.s32 $0x1F080  }
0x1cf: {  	[hbm4b:s20+s9] =	stream.linear.scatter [tilespmem:s21], [sflag:$0x6], $0x80, $0x38;
	[tilespmem:$0x1F900] =	vst v63  }
0x1d0: {  	s23 =	sadd.s32 $0x500, s7;
	s24 =	simm.s32 $0x1F180  }
0x1d1: {  	[hbm4b:s23+s9] =	stream.linear.scatter [tilespmem:s24], [sflag:$0x6], $0x80, $0x38;
	[tilespmem:$0x1F900] =	vst v63  }
0x1d2: {  	s25 =	sadd.s32 $0x580, s7;
	s26 =	simm.s32 $0x1F280  }
0x1d3: {  	[hbm4b:s25+s9] =	stream.linear.scatter [tilespmem:s26], [sflag:$0x6], $0x80, $0x38;
	[tilespmem:$0x1F900] =	vst v63  }
0x1d4: {  	s1 =	sadd.s32 $0x600, s7;
	s20 =	simm.s32 $0x1F380  }
0x1d5: {  	[hbm4b:s1+s9] =	stream.linear.scatter [tilespmem:s20], [sflag:$0x6], $0x80, $0x38;
	[tilespmem:$0x1F900] =	vst v63  }
0x1d6: {  	s21 =	sadd.s32 $0x680, s7  }
0x1d7: {  	[hbm4b:s21+s9] =	stream.linear.scatter [tilespmem:s2], [sflag:$0x6], $0x80, $0x38;
	[tilespmem:$0x1F900] =	vst v63  }
0x1d8: {  	s23 =	sadd.s32 $0x700, s7  }
0x1d9: {  	[hbm4b:s23+s9] =	stream.linear.scatter [tilespmem:s5], [sflag:$0x6], $0x80, $0x38;
	[tilespmem:$0x1F900] =	vst v63  }
0x1da: {  	s7 =	sadd.s32 $0x780, s7  }
0x1db: {  	[hbm4b:s7+s9] =	stream.linear.scatter [tilespmem:s4], [sflag:$0x6], $0x80, $0x38;
	[tilespmem:$0x1F900] =	vst v63  }
0x1dc: {  	_ =	swait.ge [sflag:s17], $0x800  }
0x1dd: {  	[sflag:s17] =	ssyncset.done $0x0  }
0x1de: {  	[sflag:s17] =	ssyncadd.s32 $0xFFFFF800  }
0x1df: {  	s24 =	sand.u32 $0x40, s9;
	s9 =	sand.u32 $0xF00, s9;
	v17 =	vld.idx.msk [tilespmem:v6+s0+$0x0], $0xffff  }
0x1e0: {  	s19 =	sor.u32 s24, s9;
	v16 =	vld.idx.msk [tilespmem:v6+s3+$0x0], $0xffff  }
0x1e1: {  	v18 =	vld [tilespmem:s19+$0x1C730]  }
0x1e2: {  	v19 =	vld [tilespmem:s19+$0x1C710]  }
0x1e3: {  	v20 =	vld [tilespmem:s19+$0x1C720]  }
0x1e4: {  	s21 =	simm.s32 $0x40;
	s7 =	simm.s32 $0x80;
	v22 =	vld [tilespmem:s19+$0x1C700]  }
0x1e5: {  	s25 =	sand.u32 $0x40, s21;
	s26 =	sand.u32 $0xF00, s7  }
0x1e6: {  	s20 =	sor.u32 s25, s26  }
0x1e7: {  	v23 =	vmul.f32 v18, v17;
	v18 =	vld [tilespmem:s20+$0x1C730];
	v25 =	vmul.f32 v19, v17  }
0x1e8: {  	v19 =	vld [tilespmem:s20+$0x1C710];
	v21 =	vmul.f32 v20, v17  }
0x1e9: {  	s23 =	simm.s32 $0x4;
	v20 =	vld [tilespmem:s20+$0x1C720];
	v22 =	vmul.f32 v22, v17;
	v24 =	vadd.f32 v23, v16;
	v23 =	vadd.f32 v25, v16  }
.LBB2_16:
0x1ea: {  	s23 =	sadd.s32 $0x4, s23  }
0x1eb: {  	v25 =	vld [tilespmem:s20+$0x1C700];
	s7 =	sadd.s32 $0x80, s7;
	s21 =	sadd.s32 $0x40, s21;
	v21 =	vadd.f32 v21, v16;
	[tilespmem:s19+$0x1E730] =	vst v24;
	p2 =	slt.u32 s23, $0x7C  }
.Ltmp7:
0x1ec: {  	s9 =	sand.u32 $0x40, s21;
	s24 =	sand.u32 $0xF00, s7;
	v22 =	vadd.f32 v22, v16;
	[tilespmem:s19+$0x1E710] =	vst v23;
	(pc) =	sbr.rel @p2 .LBB2_16-.Ltmp7, $4  }
0x1ed: {  	s9 =	sor.u32 s9, s24;
	v23 =	vmul.f32 v18, v17;
	[tilespmem:s19+$0x1E720] =	vst v21  }
0x1ee: {  	v18 =	vld [tilespmem:s9+$0x1C730];
	v26 =	vmul.f32 v19, v17;
	[tilespmem:s19+$0x1E700] =	vst v22;
	s19 =	smov.u32 s20;
	s20 =	smov.u32 s9  }
0x1ef: {  	v19 =	vld [tilespmem:s20+$0x1C710];
	v21 =	vmul.f32 v20, v17;
	v24 =	vadd.f32 v23, v16  }
0x1f0: {  	v20 =	vld [tilespmem:s20+$0x1C720];
	v22 =	vmul.f32 v25, v17;
	v23 =	vadd.f32 v26, v16  }
0x1f1: {  	v25 =	vld [tilespmem:s20+$0x1C700];
	_ =	sdelay $0x1  }
0x1f2: {  	v21 =	vadd.f32 v21, v16;
	[tilespmem:s19+$0x1E730] =	vst v24;
	v18 =	vmul.f32 v18, v17  }
0x1f3: {  	v22 =	vadd.f32 v22, v16;
	[tilespmem:s19+$0x1E710] =	vst v23;
	v19 =	vmul.f32 v19, v17  }
0x1f4: {  	[tilespmem:s19+$0x1E720] =	vst v21;
	v20 =	vmul.f32 v20, v17;
	v18 =	vadd.f32 v18, v16  }
0x1f5: {  	[tilespmem:s19+$0x1E700] =	vst v22;
	v17 =	vmul.f32 v25, v17;
	v19 =	vadd.f32 v19, v16  }
0x1f6: {  	v20 =	vadd.f32 v20, v16;
	[tilespmem:s20+$0x1E730] =	vst v18  }
0x1f7: {  	v16 =	vadd.f32 v17, v16;
	[tilespmem:s20+$0x1E710] =	vst v19  }
0x1f8: {  	[tilespmem:s20+$0x1E720] =	vst v20  }
0x1f9: {  	[tilespmem:s20+$0x1E700] =	vst v16  }
0x1fa: {  	s1 =	rddreg [dreg:$0x10]  }
0x1fb: {  	s9 =	simm.s32 $0x0;
	s7 =	sadd.s32 s18, s1  }
0x1fc: {  	[hbm4b:s7+s9] =	stream.linear.scatter [tilespmem:s6], [sflag:$0x5], $0x80, $0x38;
	[tilespmem:$0x1F900] =	vst v63  }
0x1fd: {  	s23 =	sadd.s32 $0x80, s7  }
0x1fe: {  	[hbm4b:s23+s9] =	stream.linear.scatter [tilespmem:s22], [sflag:$0x5], $0x80, $0x38;
	[tilespmem:$0x1F900] =	vst v63  }
0x1ff: {  	s24 =	sadd.s32 $0x100, s7  }
0x200: {  	[hbm4b:s24+s9] =	stream.linear.scatter [tilespmem:s28], [sflag:$0x5], $0x80, $0x38;
	[tilespmem:$0x1F900] =	vst v63  }
0x201: {  	s25 =	sadd.s32 $0x180, s7  }
0x202: {  	[hbm4b:s25+s9] =	stream.linear.scatter [tilespmem:s29], [sflag:$0x5], $0x80, $0x38;
	[tilespmem:$0x1F900] =	vst v63  }
0x203: {  	s26 =	sadd.s32 $0x200, s7  }
0x204: {  	[hbm4b:s26+s9] =	stream.linear.scatter [tilespmem:s30], [sflag:$0x5], $0x80, $0x38;
	[tilespmem:$0x1F900] =	vst v63  }
0x205: {  	s1 =	sadd.s32 $0x280, s7  }
0x206: {  	[hbm4b:s1+s9] =	stream.linear.scatter [tilespmem:s31], [sflag:$0x5], $0x80, $0x38;
	[tilespmem:$0x1F900] =	vst v63  }
0x207: {  	s21 =	simm.s32 $0x1ED00;
	s20 =	sadd.s32 $0x300, s7  }
0x208: {  	[hbm4b:s20+s9] =	stream.linear.scatter [tilespmem:s21], [sflag:$0x5], $0x80, $0x38;
	[tilespmem:$0x1F900] =	vst v63  }
0x209: {  	s23 =	sadd.s32 $0x380, s7;
	s24 =	simm.s32 $0x1EE00  }
0x20a: {  	[hbm4b:s23+s9] =	stream.linear.scatter [tilespmem:s24], [sflag:$0x5], $0x80, $0x38;
	[tilespmem:$0x1F900] =	vst v63  }
0x20b: {  	s25 =	sadd.s32 $0x400, s7;
	s26 =	simm.s32 $0x1EF00  }
0x20c: {  	[hbm4b:s25+s9] =	stream.linear.scatter [tilespmem:s26], [sflag:$0x5], $0x80, $0x38;
	[tilespmem:$0x1F900] =	vst v63  }
0x20d: {  	s20 =	sadd.s32 $0x480, s7;
	s21 =	simm.s32 $0x1F000  }
0x20e: {  	[hbm4b:s20+s9] =	stream.linear.scatter [tilespmem:s21], [sflag:$0x5], $0x80, $0x38;
	[tilespmem:$0x1F900] =	vst v63  }
0x20f: {  	s23 =	sadd.s32 $0x500, s7;
	s24 =	simm.s32 $0x1F100  }
0x210: {  	[hbm4b:s23+s9] =	stream.linear.scatter [tilespmem:s24], [sflag:$0x5], $0x80, $0x38;
	[tilespmem:$0x1F900] =	vst v63  }
0x211: {  	s25 =	sadd.s32 $0x580, s7;
	s26 =	simm.s32 $0x1F200  }
0x212: {  	[hbm4b:s25+s9] =	stream.linear.scatter [tilespmem:s26], [sflag:$0x5], $0x80, $0x38;
	[tilespmem:$0x1F900] =	vst v63  }
0x213: {  	s20 =	sadd.s32 $0x600, s7;
	s21 =	simm.s32 $0x1F300  }
0x214: {  	[hbm4b:s20+s9] =	stream.linear.scatter [tilespmem:s21], [sflag:$0x5], $0x80, $0x38;
	[tilespmem:$0x1F900] =	vst v63  }
0x215: {  	s23 =	sadd.s32 $0x680, s7;
	s24 =	simm.s32 $0x1F400  }
0x216: {  	[hbm4b:s23+s9] =	stream.linear.scatter [tilespmem:s24], [sflag:$0x5], $0x80, $0x38;
	[tilespmem:$0x1F900] =	vst v63  }
0x217: {  	s25 =	sadd.s32 $0x700, s7;
	s26 =	simm.s32 $0x1F500  }
0x218: {  	[hbm4b:s25+s9] =	stream.linear.scatter [tilespmem:s26], [sflag:$0x5], $0x80, $0x38;
	[tilespmem:$0x1F900] =	vst v63  }
0x219: {  	s19 =	simm.s32 $0x1F600;
	s7 =	sadd.s32 $0x780, s7  }
0x21a: {  	[hbm4b:s7+s9] =	stream.linear.scatter [tilespmem:s19], [sflag:$0x5], $0x80, $0x38;
	[tilespmem:$0x1F900] =	vst v63  }
0x21b: {  	_ =	swait.ge [sflag:s10], $0x800  }
0x21c: {  	[sflag:s10] =	ssyncset.done $0x0  }
0x21d: {  	s20 =	sand.u32 $0x40, s9;
	s9 =	sand.u32 $0xF00, s9;
	[sflag:s10] =	ssyncadd.s32 $0xFFFFF800  }
0x21e: {  	s7 =	sor.u32 s20, s9;
	v17 =	vld.idx.msk [tilespmem:v7+s0+$0x0], $0xffff  }
0x21f: {  	s9 =	sadd.s32 $0x1C700, s7;
	v16 =	vld.idx.msk [tilespmem:v7+s3+$0x0], $0xffff  }
0x220: {  	v18 =	vld [tilespmem:s9+$0x30]  }
0x221: {  	v19 =	vld [tilespmem:s9+$0x10]  }
0x222: {  	v20 =	vld [tilespmem:s7+$0x1C700]  }
0x223: {  	p2 =	por $0x0, $0x0;
	s21 =	simm.s32 $0x40;
	v21 =	vld [tilespmem:s9+$0x20];
	s7 =	simm.s32 $0x1  }
0x224: {  	s19 =	simm.s32 $0x4;
	s20 =	simm.s32 $0x80;
	s7 =	simm.s32 @!p2 $0x0  }
0x225: {  	s23 =	sand.u32 $0xF00, s20;
	s9 =	sand.u32 $0x40, s21;
	s7 =	sshll.u32 s7, $0x6;
	v22 =	vmul.f32 v18, v17  }
0x226: {  	s9 =	sor.u32 s9, s23;
	p2 =	por !p2, !p2;
	s7 =	sadd.s32 $0x0, s7;
	v19 =	vmul.f32 v19, v17  }
0x227: {  	s21 =	sadd.s32 $0x1C700, s9;
	s24 =	sadd.s32 $0x10, s7;
	s25 =	sadd.s32 $0x30, s7;
	v18 =	vld [tilespmem:s9+$0x1C700];
	v22 =	vadd.f32 v22, v16  }
0x228: {  	s23 =	sadd.s32 $0x20, s7;
	v23 =	vmul.f32 v20, v17;
	v20 =	vld [tilespmem:s21+$0x30];
	v62 =	vmul.f32 v21, v17;
	s26 =	sor.u32 $0x80, s24;
	s25 =	sor.u32 $0x80, s25;
	v63 =	vadd.f32 v19, v16  }
0x229: {  	s24 =	sor.u32 $0x80, s23;
	v21 =	vld [tilespmem:s21+$0x10];
	s23 =	sor.u32 $0x80, s7;
	s9 =	simm.s32 $0x1;
	[tilespmem:s25+$0x1E700] =	vst v22  }
0x22a: {  	s7 =	simm.s32 $0x80;
	s9 =	simm.s32 @!p2 $0x0;
	v19 =	vadd.f32 v23, v16;
	v23 =	vadd.f32 v62, v16;
	v22 =	vld [tilespmem:s21+$0x20];
	s21 =	simm.s32 $0x100;
	[tilespmem:s26+$0x1E700] =	vst v63  }
.LBB2_18:
0x22b: {  	s25 =	sand.u32 $0x40, s7  }
0x22c: {  	s26 =	sand.u32 $0xF00, s21;
	s19 =	sadd.s32 $0x4, s19;
	v24 =	vmul.f32 v18, v17;
	[tilespmem:s24+$0x1E700] =	vst v23;
	s9 =	sshll.u32 s9, $0x6  }
0x22d: {  	p2 =	por !p2, !p2;
	s24 =	sor.u32 s25, s26;
	p3 =	slt.u32 s19, $0x7C;
	v23 =	vmul.f32 v20, v17;
	[tilespmem:s23+$0x1E700] =	vst v19  }
.Ltmp8:
0x22e: {  	s9 =	sadd.s32 s9, s20;
	s23 =	sadd.s32 $0x1C700, s24;
	v18 =	vld [tilespmem:s24+$0x1C700];
	v19 =	vadd.f32 v24, v16;
	v24 =	vmul.f32 v21, v17;
	(pc) =	sbr.rel @p3 .LBB2_18-.Ltmp8, $4  }
0x22f: {  	s20 =	sadd.s32 $0x10, s9;
	s24 =	sadd.s32 $0x20, s9;
	s25 =	sadd.s32 $0x30, s9;
	v20 =	vld [tilespmem:s23+$0x30];
	v25 =	vmul.f32 v22, v17;
	v26 =	vadd.f32 v23, v16  }
0x230: {  	s26 =	sor.u32 $0x80, s20;
	s24 =	sor.u32 $0x80, s24;
	s20 =	sor.u32 $0x80, s25;
	v21 =	vld [tilespmem:s23+$0x10];
	v24 =	vadd.f32 v24, v16  }
0x231: {  	v22 =	vld [tilespmem:s23+$0x20];
	s23 =	sor.u32 $0x80, s9;
	v23 =	vadd.f32 v25, v16;
	[tilespmem:s20+$0x1E700] =	vst v26;
	s20 =	smov.u32 s21;
	s9 =	simm.s32 $0x1  }
0x232: {  	s7 =	sadd.s32 $0x40, s7;
	s21 =	sadd.s32 $0x80, s21;
	s9 =	simm.s32 @!p2 $0x0;
	[tilespmem:s26+$0x1E700] =	vst v24  }
0x233: {  	_ = 	snop  }
0x234: {  	s7 =	sshll.u32 s9, $0x6;
	v20 =	vmul.f32 v20, v17  }
0x235: {  	s7 =	sadd.s32 s7, s20;
	v21 =	vmul.f32 v21, v17  }
0x236: {  	[tilespmem:s24+$0x1E700] =	vst v23;
	s1 =	sadd.s32 $0x30, s7;
	v22 =	vmul.f32 v22, v17;
	v20 =	vadd.f32 v20, v16  }
0x237: {  	[tilespmem:s23+$0x1E700] =	vst v19;
	s19 =	sadd.s32 $0x10, s7;
	v17 =	vmul.f32 v18, v17;
	s9 =	sor.u32 $0x80, s1;
	v18 =	vadd.f32 v21, v16  }
0x238: {  	s20 =	sadd.s32 $0x20, s7;
	s19 =	sor.u32 $0x80, s19;
	v19 =	vadd.f32 v22, v16;
	[tilespmem:s9+$0x1E700] =	vst v20  }
0x239: {  	s20 =	sor.u32 $0x80, s20;
	v16 =	vadd.f32 v17, v16;
	[tilespmem:s19+$0x1E700] =	vst v18  }
0x23a: {  	s7 =	sor.u32 $0x80, s7;
	[tilespmem:s20+$0x1E700] =	vst v19  }
0x23b: {  	[tilespmem:s7+$0x1E700] =	vst v16  }
0x23c: {  	s1 =	rddreg [dreg:$0x11]  }
0x23d: {  	s21 =	simm.s32 $0x1E780;
	s9 =	simm.s32 $0x0;
	s7 =	sadd.s32 s18, s1  }
0x23e: {  	[hbm4b:s7+s9] =	stream.linear.scatter [tilespmem:s21], [sflag:$0x6], $0x80, $0x38;
	[tilespmem:$0x1F900] =	vst v63  }
0x23f: {  	s24 =	simm.s32 $0x1E880;
	s23 =	sadd.s32 $0x80, s7  }
0x240: {  	[hbm4b:s23+s9] =	stream.linear.scatter [tilespmem:s24], [sflag:$0x6], $0x80, $0x38;
	[tilespmem:$0x1F900] =	vst v63  }
0x241: {  	s26 =	simm.s32 $0x1E980;
	s25 =	sadd.s32 $0x100, s7  }
0x242: {  	[hbm4b:s25+s9] =	stream.linear.scatter [tilespmem:s26], [sflag:$0x6], $0x80, $0x38;
	[tilespmem:$0x1F900] =	vst v63  }
0x243: {  	s20 =	sadd.s32 $0x180, s7;
	s21 =	simm.s32 $0x1EA80  }
0x244: {  	[hbm4b:s20+s9] =	stream.linear.scatter [tilespmem:s21], [sflag:$0x6], $0x80, $0x38;
	[tilespmem:$0x1F900] =	vst v63  }
0x245: {  	s23 =	sadd.s32 $0x200, s7;
	s24 =	simm.s32 $0x1EB80  }
0x246: {  	[hbm4b:s23+s9] =	stream.linear.scatter [tilespmem:s24], [sflag:$0x6], $0x80, $0x38;
	[tilespmem:$0x1F900] =	vst v63  }
0x247: {  	s25 =	sadd.s32 $0x280, s7;
	s26 =	simm.s32 $0x1EC80  }
0x248: {  	[hbm4b:s25+s9] =	stream.linear.scatter [tilespmem:s26], [sflag:$0x6], $0x80, $0x38;
	[tilespmem:$0x1F900] =	vst v63  }
0x249: {  	s20 =	sadd.s32 $0x300, s7;
	s21 =	simm.s32 $0x1ED80  }
0x24a: {  	[hbm4b:s20+s9] =	stream.linear.scatter [tilespmem:s21], [sflag:$0x6], $0x80, $0x38;
	[tilespmem:$0x1F900] =	vst v63  }
0x24b: {  	s23 =	sadd.s32 $0x380, s7;
	s24 =	simm.s32 $0x1EE80  }
0x24c: {  	[hbm4b:s23+s9] =	stream.linear.scatter [tilespmem:s24], [sflag:$0x6], $0x80, $0x38;
	[tilespmem:$0x1F900] =	vst v63  }
0x24d: {  	s25 =	sadd.s32 $0x400, s7;
	s26 =	simm.s32 $0x1EF80  }
0x24e: {  	[hbm4b:s25+s9] =	stream.linear.scatter [tilespmem:s26], [sflag:$0x6], $0x80, $0x38;
	[tilespmem:$0x1F900] =	vst v63  }
0x24f: {  	s20 =	sadd.s32 $0x480, s7;
	s21 =	simm.s32 $0x1F080  }
0x250: {  	[hbm4b:s20+s9] =	stream.linear.scatter [tilespmem:s21], [sflag:$0x6], $0x80, $0x38;
	[tilespmem:$0x1F900] =	vst v63  }
0x251: {  	s23 =	sadd.s32 $0x500, s7;
	s24 =	simm.s32 $0x1F180  }
0x252: {  	[hbm4b:s23+s9] =	stream.linear.scatter [tilespmem:s24], [sflag:$0x6], $0x80, $0x38;
	[tilespmem:$0x1F900] =	vst v63  }
0x253: {  	s25 =	sadd.s32 $0x580, s7;
	s26 =	simm.s32 $0x1F280  }
0x254: {  	[hbm4b:s25+s9] =	stream.linear.scatter [tilespmem:s26], [sflag:$0x6], $0x80, $0x38;
	[tilespmem:$0x1F900] =	vst v63  }
0x255: {  	s1 =	sadd.s32 $0x600, s7;
	s20 =	simm.s32 $0x1F380  }
0x256: {  	[hbm4b:s1+s9] =	stream.linear.scatter [tilespmem:s20], [sflag:$0x6], $0x80, $0x38;
	[tilespmem:$0x1F900] =	vst v63  }
0x257: {  	s21 =	sadd.s32 $0x680, s7  }
0x258: {  	[hbm4b:s21+s9] =	stream.linear.scatter [tilespmem:s2], [sflag:$0x6], $0x80, $0x38;
	[tilespmem:$0x1F900] =	vst v63  }
0x259: {  	s23 =	sadd.s32 $0x700, s7  }
0x25a: {  	[hbm4b:s23+s9] =	stream.linear.scatter [tilespmem:s5], [sflag:$0x6], $0x80, $0x38;
	[tilespmem:$0x1F900] =	vst v63  }
0x25b: {  	s7 =	sadd.s32 $0x780, s7  }
0x25c: {  	[hbm4b:s7+s9] =	stream.linear.scatter [tilespmem:s4], [sflag:$0x6], $0x80, $0x38;
	[tilespmem:$0x1F900] =	vst v63  }
0x25d: {  	_ =	swait.ge [sflag:s17], $0x800  }
0x25e: {  	[sflag:s17] =	ssyncset.done $0x0  }
0x25f: {  	[sflag:s17] =	ssyncadd.s32 $0xFFFFF800  }
0x260: {  	s24 =	sand.u32 $0x40, s9;
	s9 =	sand.u32 $0xF00, s9;
	v17 =	vld.idx.msk [tilespmem:v8+s0+$0x0], $0xffff  }
0x261: {  	s19 =	sor.u32 s24, s9;
	v16 =	vld.idx.msk [tilespmem:v8+s3+$0x0], $0xffff  }
0x262: {  	v18 =	vld [tilespmem:s19+$0x1C730]  }
0x263: {  	v19 =	vld [tilespmem:s19+$0x1C710]  }
0x264: {  	v20 =	vld [tilespmem:s19+$0x1C720]  }
0x265: {  	s21 =	simm.s32 $0x40;
	s7 =	simm.s32 $0x80;
	v22 =	vld [tilespmem:s19+$0x1C700]  }
0x266: {  	s25 =	sand.u32 $0x40, s21;
	s26 =	sand.u32 $0xF00, s7  }
0x267: {  	s20 =	sor.u32 s25, s26  }
0x268: {  	v23 =	vmul.f32 v18, v17;
	v18 =	vld [tilespmem:s20+$0x1C730];
	v25 =	vmul.f32 v19, v17  }
0x269: {  	v19 =	vld [tilespmem:s20+$0x1C710];
	v21 =	vmul.f32 v20, v17  }
0x26a: {  	s23 =	simm.s32 $0x4;
	v20 =	vld [tilespmem:s20+$0x1C720];
	v22 =	vmul.f32 v22, v17;
	v24 =	vadd.f32 v23, v16;
	v23 =	vadd.f32 v25, v16  }
.LBB2_20:
0x26b: {  	s23 =	sadd.s32 $0x4, s23  }
0x26c: {  	v25 =	vld [tilespmem:s20+$0x1C700];
	s7 =	sadd.s32 $0x80, s7;
	s21 =	sadd.s32 $0x40, s21;
	v21 =	vadd.f32 v21, v16;
	[tilespmem:s19+$0x1E730] =	vst v24;
	p2 =	slt.u32 s23, $0x7C  }
.Ltmp9:
0x26d: {  	s9 =	sand.u32 $0x40, s21;
	s24 =	sand.u32 $0xF00, s7;
	v22 =	vadd.f32 v22, v16;
	[tilespmem:s19+$0x1E710] =	vst v23;
	(pc) =	sbr.rel @p2 .LBB2_20-.Ltmp9, $4  }
0x26e: {  	s9 =	sor.u32 s9, s24;
	v23 =	vmul.f32 v18, v17;
	[tilespmem:s19+$0x1E720] =	vst v21  }
0x26f: {  	v18 =	vld [tilespmem:s9+$0x1C730];
	v26 =	vmul.f32 v19, v17;
	[tilespmem:s19+$0x1E700] =	vst v22;
	s19 =	smov.u32 s20;
	s20 =	smov.u32 s9  }
0x270: {  	v19 =	vld [tilespmem:s20+$0x1C710];
	v21 =	vmul.f32 v20, v17;
	v24 =	vadd.f32 v23, v16  }
0x271: {  	v20 =	vld [tilespmem:s20+$0x1C720];
	v22 =	vmul.f32 v25, v17;
	v23 =	vadd.f32 v26, v16  }
0x272: {  	v25 =	vld [tilespmem:s20+$0x1C700];
	_ =	sdelay $0x1  }
0x273: {  	v21 =	vadd.f32 v21, v16;
	[tilespmem:s19+$0x1E730] =	vst v24;
	v18 =	vmul.f32 v18, v17  }
0x274: {  	v22 =	vadd.f32 v22, v16;
	[tilespmem:s19+$0x1E710] =	vst v23;
	v19 =	vmul.f32 v19, v17  }
0x275: {  	[tilespmem:s19+$0x1E720] =	vst v21;
	v20 =	vmul.f32 v20, v17;
	v18 =	vadd.f32 v18, v16  }
0x276: {  	[tilespmem:s19+$0x1E700] =	vst v22;
	v17 =	vmul.f32 v25, v17;
	v19 =	vadd.f32 v19, v16  }
0x277: {  	v20 =	vadd.f32 v20, v16;
	[tilespmem:s20+$0x1E730] =	vst v18  }
0x278: {  	v16 =	vadd.f32 v17, v16;
	[tilespmem:s20+$0x1E710] =	vst v19  }
0x279: {  	[tilespmem:s20+$0x1E720] =	vst v20  }
0x27a: {  	[tilespmem:s20+$0x1E700] =	vst v16  }
0x27b: {  	s1 =	rddreg [dreg:$0x12]  }
0x27c: {  	s9 =	simm.s32 $0x0;
	s7 =	sadd.s32 s18, s1  }
0x27d: {  	[hbm4b:s7+s9] =	stream.linear.scatter [tilespmem:s6], [sflag:$0x5], $0x80, $0x38;
	[tilespmem:$0x1F900] =	vst v63  }
0x27e: {  	s23 =	sadd.s32 $0x80, s7  }
0x27f: {  	[hbm4b:s23+s9] =	stream.linear.scatter [tilespmem:s22], [sflag:$0x5], $0x80, $0x38;
	[tilespmem:$0x1F900] =	vst v63  }
0x280: {  	s24 =	sadd.s32 $0x100, s7  }
0x281: {  	[hbm4b:s24+s9] =	stream.linear.scatter [tilespmem:s28], [sflag:$0x5], $0x80, $0x38;
	[tilespmem:$0x1F900] =	vst v63  }
0x282: {  	s25 =	sadd.s32 $0x180, s7  }
0x283: {  	[hbm4b:s25+s9] =	stream.linear.scatter [tilespmem:s29], [sflag:$0x5], $0x80, $0x38;
	[tilespmem:$0x1F900] =	vst v63  }
0x284: {  	s26 =	sadd.s32 $0x200, s7  }
0x285: {  	[hbm4b:s26+s9] =	stream.linear.scatter [tilespmem:s30], [sflag:$0x5], $0x80, $0x38;
	[tilespmem:$0x1F900] =	vst v63  }
0x286: {  	s1 =	sadd.s32 $0x280, s7  }
0x287: {  	[hbm4b:s1+s9] =	stream.linear.scatter [tilespmem:s31], [sflag:$0x5], $0x80, $0x38;
	[tilespmem:$0x1F900] =	vst v63  }
0x288: {  	s21 =	simm.s32 $0x1ED00;
	s20 =	sadd.s32 $0x300, s7  }
0x289: {  	[hbm4b:s20+s9] =	stream.linear.scatter [tilespmem:s21], [sflag:$0x5], $0x80, $0x38;
	[tilespmem:$0x1F900] =	vst v63  }
0x28a: {  	s23 =	sadd.s32 $0x380, s7;
	s24 =	simm.s32 $0x1EE00  }
0x28b: {  	[hbm4b:s23+s9] =	stream.linear.scatter [tilespmem:s24], [sflag:$0x5], $0x80, $0x38;
	[tilespmem:$0x1F900] =	vst v63  }
0x28c: {  	s25 =	sadd.s32 $0x400, s7;
	s26 =	simm.s32 $0x1EF00  }
0x28d: {  	[hbm4b:s25+s9] =	stream.linear.scatter [tilespmem:s26], [sflag:$0x5], $0x80, $0x38;
	[tilespmem:$0x1F900] =	vst v63  }
0x28e: {  	s20 =	sadd.s32 $0x480, s7;
	s21 =	simm.s32 $0x1F000  }
0x28f: {  	[hbm4b:s20+s9] =	stream.linear.scatter [tilespmem:s21], [sflag:$0x5], $0x80, $0x38;
	[tilespmem:$0x1F900] =	vst v63  }
0x290: {  	s23 =	sadd.s32 $0x500, s7;
	s24 =	simm.s32 $0x1F100  }
0x291: {  	[hbm4b:s23+s9] =	stream.linear.scatter [tilespmem:s24], [sflag:$0x5], $0x80, $0x38;
	[tilespmem:$0x1F900] =	vst v63  }
0x292: {  	s25 =	sadd.s32 $0x580, s7;
	s26 =	simm.s32 $0x1F200  }
0x293: {  	[hbm4b:s25+s9] =	stream.linear.scatter [tilespmem:s26], [sflag:$0x5], $0x80, $0x38;
	[tilespmem:$0x1F900] =	vst v63  }
0x294: {  	s20 =	sadd.s32 $0x600, s7;
	s21 =	simm.s32 $0x1F300  }
0x295: {  	[hbm4b:s20+s9] =	stream.linear.scatter [tilespmem:s21], [sflag:$0x5], $0x80, $0x38;
	[tilespmem:$0x1F900] =	vst v63  }
0x296: {  	s23 =	sadd.s32 $0x680, s7;
	s24 =	simm.s32 $0x1F400  }
0x297: {  	[hbm4b:s23+s9] =	stream.linear.scatter [tilespmem:s24], [sflag:$0x5], $0x80, $0x38;
	[tilespmem:$0x1F900] =	vst v63  }
0x298: {  	s25 =	sadd.s32 $0x700, s7;
	s26 =	simm.s32 $0x1F500  }
0x299: {  	[hbm4b:s25+s9] =	stream.linear.scatter [tilespmem:s26], [sflag:$0x5], $0x80, $0x38;
	[tilespmem:$0x1F900] =	vst v63  }
0x29a: {  	s19 =	simm.s32 $0x1F600;
	s7 =	sadd.s32 $0x780, s7  }
0x29b: {  	[hbm4b:s7+s9] =	stream.linear.scatter [tilespmem:s19], [sflag:$0x5], $0x80, $0x38;
	[tilespmem:$0x1F900] =	vst v63  }
0x29c: {  	_ =	swait.ge [sflag:s10], $0x800  }
0x29d: {  	[sflag:s10] =	ssyncset.done $0x0  }
0x29e: {  	s20 =	sand.u32 $0x40, s9;
	s9 =	sand.u32 $0xF00, s9;
	[sflag:s10] =	ssyncadd.s32 $0xFFFFF800  }
0x29f: {  	s7 =	sor.u32 s20, s9;
	v17 =	vld.idx.msk [tilespmem:v9+s0+$0x0], $0xffff  }
0x2a0: {  	s9 =	sadd.s32 $0x1C700, s7;
	v16 =	vld.idx.msk [tilespmem:v9+s3+$0x0], $0xffff  }
0x2a1: {  	v18 =	vld [tilespmem:s9+$0x30]  }
0x2a2: {  	v19 =	vld [tilespmem:s9+$0x10]  }
0x2a3: {  	v20 =	vld [tilespmem:s7+$0x1C700]  }
0x2a4: {  	p2 =	por $0x0, $0x0;
	s21 =	simm.s32 $0x40;
	v21 =	vld [tilespmem:s9+$0x20];
	s7 =	simm.s32 $0x1  }
0x2a5: {  	s19 =	simm.s32 $0x4;
	s20 =	simm.s32 $0x80;
	s7 =	simm.s32 @!p2 $0x0  }
0x2a6: {  	s23 =	sand.u32 $0xF00, s20;
	s9 =	sand.u32 $0x40, s21;
	s7 =	sshll.u32 s7, $0x6;
	v22 =	vmul.f32 v18, v17  }
0x2a7: {  	s9 =	sor.u32 s9, s23;
	p2 =	por !p2, !p2;
	s7 =	sadd.s32 $0x0, s7;
	v19 =	vmul.f32 v19, v17  }
0x2a8: {  	s21 =	sadd.s32 $0x1C700, s9;
	s24 =	sadd.s32 $0x10, s7;
	s25 =	sadd.s32 $0x30, s7;
	v18 =	vld [tilespmem:s9+$0x1C700];
	v22 =	vadd.f32 v22, v16  }
0x2a9: {  	s23 =	sadd.s32 $0x20, s7;
	v23 =	vmul.f32 v20, v17;
	v20 =	vld [tilespmem:s21+$0x30];
	v62 =	vmul.f32 v21, v17;
	s26 =	sor.u32 $0x80, s24;
	s25 =	sor.u32 $0x80, s25;
	v63 =	vadd.f32 v19, v16  }
0x2aa: {  	s24 =	sor.u32 $0x80, s23;
	v21 =	vld [tilespmem:s21+$0x10];
	s23 =	sor.u32 $0x80, s7;
	s9 =	simm.s32 $0x1;
	[tilespmem:s25+$0x1E700] =	vst v22  }
0x2ab: {  	s7 =	simm.s32 $0x80;
	s9 =	simm.s32 @!p2 $0x0;
	v19 =	vadd.f32 v23, v16;
	v23 =	vadd.f32 v62, v16;
	v22 =	vld [tilespmem:s21+$0x20];
	s21 =	simm.s32 $0x100;
	[tilespmem:s26+$0x1E700] =	vst v63  }
.LBB2_22:
0x2ac: {  	s25 =	sand.u32 $0x40, s7  }
0x2ad: {  	s26 =	sand.u32 $0xF00, s21;
	s19 =	sadd.s32 $0x4, s19;
	v24 =	vmul.f32 v18, v17;
	[tilespmem:s24+$0x1E700] =	vst v23;
	s9 =	sshll.u32 s9, $0x6  }
0x2ae: {  	p2 =	por !p2, !p2;
	s24 =	sor.u32 s25, s26;
	p3 =	slt.u32 s19, $0x7C;
	v23 =	vmul.f32 v20, v17;
	[tilespmem:s23+$0x1E700] =	vst v19  }
.Ltmp10:
0x2af: {  	s9 =	sadd.s32 s9, s20;
	s23 =	sadd.s32 $0x1C700, s24;
	v18 =	vld [tilespmem:s24+$0x1C700];
	v19 =	vadd.f32 v24, v16;
	v24 =	vmul.f32 v21, v17;
	(pc) =	sbr.rel @p3 .LBB2_22-.Ltmp10, $4  }
0x2b0: {  	s20 =	sadd.s32 $0x10, s9;
	s24 =	sadd.s32 $0x20, s9;
	s25 =	sadd.s32 $0x30, s9;
	v20 =	vld [tilespmem:s23+$0x30];
	v25 =	vmul.f32 v22, v17;
	v26 =	vadd.f32 v23, v16  }
0x2b1: {  	s26 =	sor.u32 $0x80, s20;
	s24 =	sor.u32 $0x80, s24;
	s20 =	sor.u32 $0x80, s25;
	v21 =	vld [tilespmem:s23+$0x10];
	v24 =	vadd.f32 v24, v16  }
0x2b2: {  	v22 =	vld [tilespmem:s23+$0x20];
	s23 =	sor.u32 $0x80, s9;
	v23 =	vadd.f32 v25, v16;
	[tilespmem:s20+$0x1E700] =	vst v26;
	s20 =	smov.u32 s21;
	s9 =	simm.s32 $0x1  }
0x2b3: {  	s7 =	sadd.s32 $0x40, s7;
	s21 =	sadd.s32 $0x80, s21;
	s9 =	simm.s32 @!p2 $0x0;
	[tilespmem:s26+$0x1E700] =	vst v24  }
0x2b4: {  	_ = 	snop  }
0x2b5: {  	s7 =	sshll.u32 s9, $0x6;
	v20 =	vmul.f32 v20, v17  }
0x2b6: {  	s7 =	sadd.s32 s7, s20;
	v21 =	vmul.f32 v21, v17  }
0x2b7: {  	[tilespmem:s24+$0x1E700] =	vst v23;
	s1 =	sadd.s32 $0x30, s7;
	v22 =	vmul.f32 v22, v17;
	v20 =	vadd.f32 v20, v16  }
0x2b8: {  	[tilespmem:s23+$0x1E700] =	vst v19;
	s19 =	sadd.s32 $0x10, s7;
	v17 =	vmul.f32 v18, v17;
	s9 =	sor.u32 $0x80, s1;
	v18 =	vadd.f32 v21, v16  }
0x2b9: {  	s20 =	sadd.s32 $0x20, s7;
	s19 =	sor.u32 $0x80, s19;
	v19 =	vadd.f32 v22, v16;
	[tilespmem:s9+$0x1E700] =	vst v20  }
0x2ba: {  	s20 =	sor.u32 $0x80, s20;
	v16 =	vadd.f32 v17, v16;
	[tilespmem:s19+$0x1E700] =	vst v18  }
0x2bb: {  	s7 =	sor.u32 $0x80, s7;
	[tilespmem:s20+$0x1E700] =	vst v19  }
0x2bc: {  	[tilespmem:s7+$0x1E700] =	vst v16  }
0x2bd: {  	s1 =	rddreg [dreg:$0x13]  }
0x2be: {  	s21 =	simm.s32 $0x1E780;
	s9 =	simm.s32 $0x0;
	s7 =	sadd.s32 s18, s1  }
0x2bf: {  	[hbm4b:s7+s9] =	stream.linear.scatter [tilespmem:s21], [sflag:$0x6], $0x80, $0x38;
	[tilespmem:$0x1F900] =	vst v63  }
0x2c0: {  	s24 =	simm.s32 $0x1E880;
	s23 =	sadd.s32 $0x80, s7  }
0x2c1: {  	[hbm4b:s23+s9] =	stream.linear.scatter [tilespmem:s24], [sflag:$0x6], $0x80, $0x38;
	[tilespmem:$0x1F900] =	vst v63  }
0x2c2: {  	s26 =	simm.s32 $0x1E980;
	s25 =	sadd.s32 $0x100, s7  }
0x2c3: {  	[hbm4b:s25+s9] =	stream.linear.scatter [tilespmem:s26], [sflag:$0x6], $0x80, $0x38;
	[tilespmem:$0x1F900] =	vst v63  }
0x2c4: {  	s20 =	sadd.s32 $0x180, s7;
	s21 =	simm.s32 $0x1EA80  }
0x2c5: {  	[hbm4b:s20+s9] =	stream.linear.scatter [tilespmem:s21], [sflag:$0x6], $0x80, $0x38;
	[tilespmem:$0x1F900] =	vst v63  }
0x2c6: {  	s23 =	sadd.s32 $0x200, s7;
	s24 =	simm.s32 $0x1EB80  }
0x2c7: {  	[hbm4b:s23+s9] =	stream.linear.scatter [tilespmem:s24], [sflag:$0x6], $0x80, $0x38;
	[tilespmem:$0x1F900] =	vst v63  }
0x2c8: {  	s25 =	sadd.s32 $0x280, s7;
	s26 =	simm.s32 $0x1EC80  }
0x2c9: {  	[hbm4b:s25+s9] =	stream.linear.scatter [tilespmem:s26], [sflag:$0x6], $0x80, $0x38;
	[tilespmem:$0x1F900] =	vst v63  }
0x2ca: {  	s20 =	sadd.s32 $0x300, s7;
	s21 =	simm.s32 $0x1ED80  }
0x2cb: {  	[hbm4b:s20+s9] =	stream.linear.scatter [tilespmem:s21], [sflag:$0x6], $0x80, $0x38;
	[tilespmem:$0x1F900] =	vst v63  }
0x2cc: {  	s23 =	sadd.s32 $0x380, s7;
	s24 =	simm.s32 $0x1EE80  }
0x2cd: {  	[hbm4b:s23+s9] =	stream.linear.scatter [tilespmem:s24], [sflag:$0x6], $0x80, $0x38;
	[tilespmem:$0x1F900] =	vst v63  }
0x2ce: {  	s25 =	sadd.s32 $0x400, s7;
	s26 =	simm.s32 $0x1EF80  }
0x2cf: {  	[hbm4b:s25+s9] =	stream.linear.scatter [tilespmem:s26], [sflag:$0x6], $0x80, $0x38;
	[tilespmem:$0x1F900] =	vst v63  }
0x2d0: {  	s20 =	sadd.s32 $0x480, s7;
	s21 =	simm.s32 $0x1F080  }
0x2d1: {  	[hbm4b:s20+s9] =	stream.linear.scatter [tilespmem:s21], [sflag:$0x6], $0x80, $0x38;
	[tilespmem:$0x1F900] =	vst v63  }
0x2d2: {  	s23 =	sadd.s32 $0x500, s7;
	s24 =	simm.s32 $0x1F180  }
0x2d3: {  	[hbm4b:s23+s9] =	stream.linear.scatter [tilespmem:s24], [sflag:$0x6], $0x80, $0x38;
	[tilespmem:$0x1F900] =	vst v63  }
0x2d4: {  	s25 =	sadd.s32 $0x580, s7;
	s26 =	simm.s32 $0x1F280  }
0x2d5: {  	[hbm4b:s25+s9] =	stream.linear.scatter [tilespmem:s26], [sflag:$0x6], $0x80, $0x38;
	[tilespmem:$0x1F900] =	vst v63  }
0x2d6: {  	s1 =	sadd.s32 $0x600, s7;
	s20 =	simm.s32 $0x1F380  }
0x2d7: {  	[hbm4b:s1+s9] =	stream.linear.scatter [tilespmem:s20], [sflag:$0x6], $0x80, $0x38;
	[tilespmem:$0x1F900] =	vst v63  }
0x2d8: {  	s21 =	sadd.s32 $0x680, s7  }
0x2d9: {  	[hbm4b:s21+s9] =	stream.linear.scatter [tilespmem:s2], [sflag:$0x6], $0x80, $0x38;
	[tilespmem:$0x1F900] =	vst v63  }
0x2da: {  	s23 =	sadd.s32 $0x700, s7  }
0x2db: {  	[hbm4b:s23+s9] =	stream.linear.scatter [tilespmem:s5], [sflag:$0x6], $0x80, $0x38;
	[tilespmem:$0x1F900] =	vst v63  }
0x2dc: {  	s7 =	sadd.s32 $0x780, s7  }
0x2dd: {  	[hbm4b:s7+s9] =	stream.linear.scatter [tilespmem:s4], [sflag:$0x6], $0x80, $0x38;
	[tilespmem:$0x1F900] =	vst v63  }
0x2de: {  	_ =	swait.ge [sflag:s17], $0x800  }
0x2df: {  	[sflag:s17] =	ssyncset.done $0x0  }
0x2e0: {  	[sflag:s17] =	ssyncadd.s32 $0xFFFFF800  }
0x2e1: {  	s24 =	sand.u32 $0x40, s9;
	s9 =	sand.u32 $0xF00, s9;
	v17 =	vld.idx.msk [tilespmem:v10+s0+$0x0], $0xffff  }
0x2e2: {  	s19 =	sor.u32 s24, s9;
	v16 =	vld.idx.msk [tilespmem:v10+s3+$0x0], $0xffff  }
0x2e3: {  	v18 =	vld [tilespmem:s19+$0x1C730]  }
0x2e4: {  	v19 =	vld [tilespmem:s19+$0x1C710]  }
0x2e5: {  	v20 =	vld [tilespmem:s19+$0x1C720]  }
0x2e6: {  	s21 =	simm.s32 $0x40;
	s7 =	simm.s32 $0x80;
	v22 =	vld [tilespmem:s19+$0x1C700]  }
0x2e7: {  	s25 =	sand.u32 $0x40, s21;
	s26 =	sand.u32 $0xF00, s7  }
0x2e8: {  	s20 =	sor.u32 s25, s26  }
0x2e9: {  	v23 =	vmul.f32 v18, v17;
	v18 =	vld [tilespmem:s20+$0x1C730];
	v25 =	vmul.f32 v19, v17  }
0x2ea: {  	v19 =	vld [tilespmem:s20+$0x1C710];
	v21 =	vmul.f32 v20, v17  }
0x2eb: {  	s23 =	simm.s32 $0x4;
	v20 =	vld [tilespmem:s20+$0x1C720];
	v22 =	vmul.f32 v22, v17;
	v24 =	vadd.f32 v23, v16;
	v23 =	vadd.f32 v25, v16  }
.LBB2_24:
0x2ec: {  	s23 =	sadd.s32 $0x4, s23  }
0x2ed: {  	v25 =	vld [tilespmem:s20+$0x1C700];
	s7 =	sadd.s32 $0x80, s7;
	s21 =	sadd.s32 $0x40, s21;
	v21 =	vadd.f32 v21, v16;
	[tilespmem:s19+$0x1E730] =	vst v24;
	p2 =	slt.u32 s23, $0x7C  }
.Ltmp11:
0x2ee: {  	s9 =	sand.u32 $0x40, s21;
	s24 =	sand.u32 $0xF00, s7;
	v22 =	vadd.f32 v22, v16;
	[tilespmem:s19+$0x1E710] =	vst v23;
	(pc) =	sbr.rel @p2 .LBB2_24-.Ltmp11, $4  }
0x2ef: {  	s9 =	sor.u32 s9, s24;
	v23 =	vmul.f32 v18, v17;
	[tilespmem:s19+$0x1E720] =	vst v21  }
0x2f0: {  	v18 =	vld [tilespmem:s9+$0x1C730];
	v26 =	vmul.f32 v19, v17;
	[tilespmem:s19+$0x1E700] =	vst v22;
	s19 =	smov.u32 s20;
	s20 =	smov.u32 s9  }
0x2f1: {  	v19 =	vld [tilespmem:s20+$0x1C710];
	v21 =	vmul.f32 v20, v17;
	v24 =	vadd.f32 v23, v16  }
0x2f2: {  	v20 =	vld [tilespmem:s20+$0x1C720];
	v22 =	vmul.f32 v25, v17;
	v23 =	vadd.f32 v26, v16  }
0x2f3: {  	v25 =	vld [tilespmem:s20+$0x1C700];
	_ =	sdelay $0x1  }
0x2f4: {  	v21 =	vadd.f32 v21, v16;
	[tilespmem:s19+$0x1E730] =	vst v24;
	v18 =	vmul.f32 v18, v17  }
0x2f5: {  	v22 =	vadd.f32 v22, v16;
	[tilespmem:s19+$0x1E710] =	vst v23;
	v19 =	vmul.f32 v19, v17  }
0x2f6: {  	[tilespmem:s19+$0x1E720] =	vst v21;
	v20 =	vmul.f32 v20, v17;
	v18 =	vadd.f32 v18, v16  }
0x2f7: {  	[tilespmem:s19+$0x1E700] =	vst v22;
	v17 =	vmul.f32 v25, v17;
	v19 =	vadd.f32 v19, v16  }
0x2f8: {  	v20 =	vadd.f32 v20, v16;
	[tilespmem:s20+$0x1E730] =	vst v18  }
0x2f9: {  	v16 =	vadd.f32 v17, v16;
	[tilespmem:s20+$0x1E710] =	vst v19  }
0x2fa: {  	[tilespmem:s20+$0x1E720] =	vst v20  }
0x2fb: {  	[tilespmem:s20+$0x1E700] =	vst v16  }
0x2fc: {  	s1 =	rddreg [dreg:$0x14]  }
0x2fd: {  	s9 =	simm.s32 $0x0;
	s7 =	sadd.s32 s18, s1  }
0x2fe: {  	[hbm4b:s7+s9] =	stream.linear.scatter [tilespmem:s6], [sflag:$0x5], $0x80, $0x38;
	[tilespmem:$0x1F900] =	vst v63  }
0x2ff: {  	s23 =	sadd.s32 $0x80, s7  }
0x300: {  	[hbm4b:s23+s9] =	stream.linear.scatter [tilespmem:s22], [sflag:$0x5], $0x80, $0x38;
	[tilespmem:$0x1F900] =	vst v63  }
0x301: {  	s24 =	sadd.s32 $0x100, s7  }
0x302: {  	[hbm4b:s24+s9] =	stream.linear.scatter [tilespmem:s28], [sflag:$0x5], $0x80, $0x38;
	[tilespmem:$0x1F900] =	vst v63  }
0x303: {  	s25 =	sadd.s32 $0x180, s7  }
0x304: {  	[hbm4b:s25+s9] =	stream.linear.scatter [tilespmem:s29], [sflag:$0x5], $0x80, $0x38;
	[tilespmem:$0x1F900] =	vst v63  }
0x305: {  	s26 =	sadd.s32 $0x200, s7  }
0x306: {  	[hbm4b:s26+s9] =	stream.linear.scatter [tilespmem:s30], [sflag:$0x5], $0x80, $0x38;
	[tilespmem:$0x1F900] =	vst v63  }
0x307: {  	s1 =	sadd.s32 $0x280, s7  }
0x308: {  	[hbm4b:s1+s9] =	stream.linear.scatter [tilespmem:s31], [sflag:$0x5], $0x80, $0x38;
	[tilespmem:$0x1F900] =	vst v63  }
0x309: {  	s21 =	simm.s32 $0x1ED00;
	s20 =	sadd.s32 $0x300, s7  }
0x30a: {  	[hbm4b:s20+s9] =	stream.linear.scatter [tilespmem:s21], [sflag:$0x5], $0x80, $0x38;
	[tilespmem:$0x1F900] =	vst v63  }
0x30b: {  	s23 =	sadd.s32 $0x380, s7;
	s24 =	simm.s32 $0x1EE00  }
0x30c: {  	[hbm4b:s23+s9] =	stream.linear.scatter [tilespmem:s24], [sflag:$0x5], $0x80, $0x38;
	[tilespmem:$0x1F900] =	vst v63  }
0x30d: {  	s25 =	sadd.s32 $0x400, s7;
	s26 =	simm.s32 $0x1EF00  }
0x30e: {  	[hbm4b:s25+s9] =	stream.linear.scatter [tilespmem:s26], [sflag:$0x5], $0x80, $0x38;
	[tilespmem:$0x1F900] =	vst v63  }
0x30f: {  	s20 =	sadd.s32 $0x480, s7;
	s21 =	simm.s32 $0x1F000  }
0x310: {  	[hbm4b:s20+s9] =	stream.linear.scatter [tilespmem:s21], [sflag:$0x5], $0x80, $0x38;
	[tilespmem:$0x1F900] =	vst v63  }
0x311: {  	s23 =	sadd.s32 $0x500, s7;
	s24 =	simm.s32 $0x1F100  }
0x312: {  	[hbm4b:s23+s9] =	stream.linear.scatter [tilespmem:s24], [sflag:$0x5], $0x80, $0x38;
	[tilespmem:$0x1F900] =	vst v63  }
0x313: {  	s25 =	sadd.s32 $0x580, s7;
	s26 =	simm.s32 $0x1F200  }
0x314: {  	[hbm4b:s25+s9] =	stream.linear.scatter [tilespmem:s26], [sflag:$0x5], $0x80, $0x38;
	[tilespmem:$0x1F900] =	vst v63  }
0x315: {  	s20 =	sadd.s32 $0x600, s7;
	s21 =	simm.s32 $0x1F300  }
0x316: {  	[hbm4b:s20+s9] =	stream.linear.scatter [tilespmem:s21], [sflag:$0x5], $0x80, $0x38;
	[tilespmem:$0x1F900] =	vst v63  }
0x317: {  	s23 =	sadd.s32 $0x680, s7;
	s24 =	simm.s32 $0x1F400  }
0x318: {  	[hbm4b:s23+s9] =	stream.linear.scatter [tilespmem:s24], [sflag:$0x5], $0x80, $0x38;
	[tilespmem:$0x1F900] =	vst v63  }
0x319: {  	s25 =	sadd.s32 $0x700, s7;
	s26 =	simm.s32 $0x1F500  }
0x31a: {  	[hbm4b:s25+s9] =	stream.linear.scatter [tilespmem:s26], [sflag:$0x5], $0x80, $0x38;
	[tilespmem:$0x1F900] =	vst v63  }
0x31b: {  	s19 =	simm.s32 $0x1F600;
	s7 =	sadd.s32 $0x780, s7  }
0x31c: {  	[hbm4b:s7+s9] =	stream.linear.scatter [tilespmem:s19], [sflag:$0x5], $0x80, $0x38;
	[tilespmem:$0x1F900] =	vst v63  }
0x31d: {  	_ =	swait.ge [sflag:s10], $0x800  }
0x31e: {  	[sflag:s10] =	ssyncset.done $0x0  }
0x31f: {  	s20 =	sand.u32 $0x40, s9;
	s9 =	sand.u32 $0xF00, s9;
	[sflag:s10] =	ssyncadd.s32 $0xFFFFF800  }
0x320: {  	s7 =	sor.u32 s20, s9;
	v17 =	vld.idx.msk [tilespmem:v11+s0+$0x0], $0xffff  }
0x321: {  	s9 =	sadd.s32 $0x1C700, s7;
	v16 =	vld.idx.msk [tilespmem:v11+s3+$0x0], $0xffff  }
0x322: {  	v18 =	vld [tilespmem:s9+$0x30]  }
0x323: {  	v19 =	vld [tilespmem:s9+$0x10]  }
0x324: {  	v20 =	vld [tilespmem:s7+$0x1C700]  }
0x325: {  	p2 =	por $0x0, $0x0;
	s21 =	simm.s32 $0x40;
	v21 =	vld [tilespmem:s9+$0x20];
	s7 =	simm.s32 $0x1  }
0x326: {  	s19 =	simm.s32 $0x4;
	s20 =	simm.s32 $0x80;
	s7 =	simm.s32 @!p2 $0x0  }
0x327: {  	s23 =	sand.u32 $0xF00, s20;
	s9 =	sand.u32 $0x40, s21;
	s7 =	sshll.u32 s7, $0x6;
	v22 =	vmul.f32 v18, v17  }
0x328: {  	s9 =	sor.u32 s9, s23;
	p2 =	por !p2, !p2;
	s7 =	sadd.s32 $0x0, s7;
	v19 =	vmul.f32 v19, v17  }
0x329: {  	s21 =	sadd.s32 $0x1C700, s9;
	s24 =	sadd.s32 $0x10, s7;
	s25 =	sadd.s32 $0x30, s7;
	v18 =	vld [tilespmem:s9+$0x1C700];
	v22 =	vadd.f32 v22, v16  }
0x32a: {  	s23 =	sadd.s32 $0x20, s7;
	v23 =	vmul.f32 v20, v17;
	v20 =	vld [tilespmem:s21+$0x30];
	v62 =	vmul.f32 v21, v17;
	s26 =	sor.u32 $0x80, s24;
	s25 =	sor.u32 $0x80, s25;
	v63 =	vadd.f32 v19, v16  }
0x32b: {  	s24 =	sor.u32 $0x80, s23;
	v21 =	vld [tilespmem:s21+$0x10];
	s23 =	sor.u32 $0x80, s7;
	s9 =	simm.s32 $0x1;
	[tilespmem:s25+$0x1E700] =	vst v22  }
0x32c: {  	s7 =	simm.s32 $0x80;
	s9 =	simm.s32 @!p2 $0x0;
	v19 =	vadd.f32 v23, v16;
	v23 =	vadd.f32 v62, v16;
	v22 =	vld [tilespmem:s21+$0x20];
	s21 =	simm.s32 $0x100;
	[tilespmem:s26+$0x1E700] =	vst v63  }
.LBB2_26:
0x32d: {  	s25 =	sand.u32 $0x40, s7  }
0x32e: {  	s26 =	sand.u32 $0xF00, s21;
	s19 =	sadd.s32 $0x4, s19;
	v24 =	vmul.f32 v18, v17;
	[tilespmem:s24+$0x1E700] =	vst v23;
	s9 =	sshll.u32 s9, $0x6  }
0x32f: {  	p2 =	por !p2, !p2;
	s24 =	sor.u32 s25, s26;
	p3 =	slt.u32 s19, $0x7C;
	v23 =	vmul.f32 v20, v17;
	[tilespmem:s23+$0x1E700] =	vst v19  }
.Ltmp12:
0x330: {  	s9 =	sadd.s32 s9, s20;
	s23 =	sadd.s32 $0x1C700, s24;
	v18 =	vld [tilespmem:s24+$0x1C700];
	v19 =	vadd.f32 v24, v16;
	v24 =	vmul.f32 v21, v17;
	(pc) =	sbr.rel @p3 .LBB2_26-.Ltmp12, $4  }
0x331: {  	s20 =	sadd.s32 $0x10, s9;
	s24 =	sadd.s32 $0x20, s9;
	s25 =	sadd.s32 $0x30, s9;
	v20 =	vld [tilespmem:s23+$0x30];
	v25 =	vmul.f32 v22, v17;
	v26 =	vadd.f32 v23, v16  }
0x332: {  	s26 =	sor.u32 $0x80, s20;
	s24 =	sor.u32 $0x80, s24;
	s20 =	sor.u32 $0x80, s25;
	v21 =	vld [tilespmem:s23+$0x10];
	v24 =	vadd.f32 v24, v16  }
0x333: {  	v22 =	vld [tilespmem:s23+$0x20];
	s23 =	sor.u32 $0x80, s9;
	v23 =	vadd.f32 v25, v16;
	[tilespmem:s20+$0x1E700] =	vst v26;
	s20 =	smov.u32 s21;
	s9 =	simm.s32 $0x1  }
0x334: {  	s7 =	sadd.s32 $0x40, s7;
	s21 =	sadd.s32 $0x80, s21;
	s9 =	simm.s32 @!p2 $0x0;
	[tilespmem:s26+$0x1E700] =	vst v24  }
0x335: {  	_ = 	snop  }
0x336: {  	s7 =	sshll.u32 s9, $0x6;
	v20 =	vmul.f32 v20, v17  }
0x337: {  	s7 =	sadd.s32 s7, s20;
	v21 =	vmul.f32 v21, v17  }
0x338: {  	[tilespmem:s24+$0x1E700] =	vst v23;
	s1 =	sadd.s32 $0x30, s7;
	v22 =	vmul.f32 v22, v17;
	v20 =	vadd.f32 v20, v16  }
0x339: {  	[tilespmem:s23+$0x1E700] =	vst v19;
	s19 =	sadd.s32 $0x10, s7;
	v17 =	vmul.f32 v18, v17;
	s9 =	sor.u32 $0x80, s1;
	v18 =	vadd.f32 v21, v16  }
0x33a: {  	s20 =	sadd.s32 $0x20, s7;
	s19 =	sor.u32 $0x80, s19;
	v19 =	vadd.f32 v22, v16;
	[tilespmem:s9+$0x1E700] =	vst v20  }
0x33b: {  	s20 =	sor.u32 $0x80, s20;
	v16 =	vadd.f32 v17, v16;
	[tilespmem:s19+$0x1E700] =	vst v18  }
0x33c: {  	s7 =	sor.u32 $0x80, s7;
	[tilespmem:s20+$0x1E700] =	vst v19  }
0x33d: {  	[tilespmem:s7+$0x1E700] =	vst v16  }
0x33e: {  	s1 =	rddreg [dreg:$0x15]  }
0x33f: {  	s21 =	simm.s32 $0x1E780;
	s9 =	simm.s32 $0x0;
	s7 =	sadd.s32 s18, s1  }
0x340: {  	[hbm4b:s7+s9] =	stream.linear.scatter [tilespmem:s21], [sflag:$0x6], $0x80, $0x38;
	[tilespmem:$0x1F900] =	vst v63  }
0x341: {  	s24 =	simm.s32 $0x1E880;
	s23 =	sadd.s32 $0x80, s7  }
0x342: {  	[hbm4b:s23+s9] =	stream.linear.scatter [tilespmem:s24], [sflag:$0x6], $0x80, $0x38;
	[tilespmem:$0x1F900] =	vst v63  }
0x343: {  	s26 =	simm.s32 $0x1E980;
	s25 =	sadd.s32 $0x100, s7  }
0x344: {  	[hbm4b:s25+s9] =	stream.linear.scatter [tilespmem:s26], [sflag:$0x6], $0x80, $0x38;
	[tilespmem:$0x1F900] =	vst v63  }
0x345: {  	s20 =	sadd.s32 $0x180, s7;
	s21 =	simm.s32 $0x1EA80  }
0x346: {  	[hbm4b:s20+s9] =	stream.linear.scatter [tilespmem:s21], [sflag:$0x6], $0x80, $0x38;
	[tilespmem:$0x1F900] =	vst v63  }
0x347: {  	s23 =	sadd.s32 $0x200, s7;
	s24 =	simm.s32 $0x1EB80  }
0x348: {  	[hbm4b:s23+s9] =	stream.linear.scatter [tilespmem:s24], [sflag:$0x6], $0x80, $0x38;
	[tilespmem:$0x1F900] =	vst v63  }
0x349: {  	s25 =	sadd.s32 $0x280, s7;
	s26 =	simm.s32 $0x1EC80  }
0x34a: {  	[hbm4b:s25+s9] =	stream.linear.scatter [tilespmem:s26], [sflag:$0x6], $0x80, $0x38;
	[tilespmem:$0x1F900] =	vst v63  }
0x34b: {  	s20 =	sadd.s32 $0x300, s7;
	s21 =	simm.s32 $0x1ED80  }
0x34c: {  	[hbm4b:s20+s9] =	stream.linear.scatter [tilespmem:s21], [sflag:$0x6], $0x80, $0x38;
	[tilespmem:$0x1F900] =	vst v63  }
0x34d: {  	s23 =	sadd.s32 $0x380, s7;
	s24 =	simm.s32 $0x1EE80  }
0x34e: {  	[hbm4b:s23+s9] =	stream.linear.scatter [tilespmem:s24], [sflag:$0x6], $0x80, $0x38;
	[tilespmem:$0x1F900] =	vst v63  }
0x34f: {  	s25 =	sadd.s32 $0x400, s7;
	s26 =	simm.s32 $0x1EF80  }
0x350: {  	[hbm4b:s25+s9] =	stream.linear.scatter [tilespmem:s26], [sflag:$0x6], $0x80, $0x38;
	[tilespmem:$0x1F900] =	vst v63  }
0x351: {  	s20 =	sadd.s32 $0x480, s7;
	s21 =	simm.s32 $0x1F080  }
0x352: {  	[hbm4b:s20+s9] =	stream.linear.scatter [tilespmem:s21], [sflag:$0x6], $0x80, $0x38;
	[tilespmem:$0x1F900] =	vst v63  }
0x353: {  	s23 =	sadd.s32 $0x500, s7;
	s24 =	simm.s32 $0x1F180  }
0x354: {  	[hbm4b:s23+s9] =	stream.linear.scatter [tilespmem:s24], [sflag:$0x6], $0x80, $0x38;
	[tilespmem:$0x1F900] =	vst v63  }
0x355: {  	s25 =	sadd.s32 $0x580, s7;
	s26 =	simm.s32 $0x1F280  }
0x356: {  	[hbm4b:s25+s9] =	stream.linear.scatter [tilespmem:s26], [sflag:$0x6], $0x80, $0x38;
	[tilespmem:$0x1F900] =	vst v63  }
0x357: {  	s1 =	sadd.s32 $0x600, s7;
	s20 =	simm.s32 $0x1F380  }
0x358: {  	[hbm4b:s1+s9] =	stream.linear.scatter [tilespmem:s20], [sflag:$0x6], $0x80, $0x38;
	[tilespmem:$0x1F900] =	vst v63  }
0x359: {  	s21 =	sadd.s32 $0x680, s7  }
0x35a: {  	[hbm4b:s21+s9] =	stream.linear.scatter [tilespmem:s2], [sflag:$0x6], $0x80, $0x38;
	[tilespmem:$0x1F900] =	vst v63  }
0x35b: {  	s23 =	sadd.s32 $0x700, s7  }
0x35c: {  	[hbm4b:s23+s9] =	stream.linear.scatter [tilespmem:s5], [sflag:$0x6], $0x80, $0x38;
	[tilespmem:$0x1F900] =	vst v63  }
0x35d: {  	s7 =	sadd.s32 $0x780, s7  }
0x35e: {  	[hbm4b:s7+s9] =	stream.linear.scatter [tilespmem:s4], [sflag:$0x6], $0x80, $0x38;
	[tilespmem:$0x1F900] =	vst v63  }
0x35f: {  	_ =	swait.ge [sflag:s17], $0x800  }
0x360: {  	[sflag:s17] =	ssyncset.done $0x0  }
0x361: {  	[sflag:s17] =	ssyncadd.s32 $0xFFFFF800  }
0x362: {  	s24 =	sand.u32 $0x40, s9;
	s9 =	sand.u32 $0xF00, s9;
	v17 =	vld.idx.msk [tilespmem:v12+s0+$0x0], $0xffff  }
0x363: {  	s19 =	sor.u32 s24, s9;
	v16 =	vld.idx.msk [tilespmem:v12+s3+$0x0], $0xffff  }
0x364: {  	v18 =	vld [tilespmem:s19+$0x1C730]  }
0x365: {  	v19 =	vld [tilespmem:s19+$0x1C710]  }
0x366: {  	v20 =	vld [tilespmem:s19+$0x1C720]  }
0x367: {  	s21 =	simm.s32 $0x40;
	s7 =	simm.s32 $0x80;
	v22 =	vld [tilespmem:s19+$0x1C700]  }
0x368: {  	s25 =	sand.u32 $0x40, s21;
	s26 =	sand.u32 $0xF00, s7  }
0x369: {  	s20 =	sor.u32 s25, s26  }
0x36a: {  	v23 =	vmul.f32 v18, v17;
	v18 =	vld [tilespmem:s20+$0x1C730];
	v25 =	vmul.f32 v19, v17  }
0x36b: {  	v19 =	vld [tilespmem:s20+$0x1C710];
	v21 =	vmul.f32 v20, v17  }
0x36c: {  	s23 =	simm.s32 $0x4;
	v20 =	vld [tilespmem:s20+$0x1C720];
	v22 =	vmul.f32 v22, v17;
	v24 =	vadd.f32 v23, v16;
	v23 =	vadd.f32 v25, v16  }
.LBB2_28:
0x36d: {  	s23 =	sadd.s32 $0x4, s23  }
0x36e: {  	v25 =	vld [tilespmem:s20+$0x1C700];
	s7 =	sadd.s32 $0x80, s7;
	s21 =	sadd.s32 $0x40, s21;
	v21 =	vadd.f32 v21, v16;
	[tilespmem:s19+$0x1E730] =	vst v24;
	p2 =	slt.u32 s23, $0x7C  }
.Ltmp13:
0x36f: {  	s9 =	sand.u32 $0x40, s21;
	s24 =	sand.u32 $0xF00, s7;
	v22 =	vadd.f32 v22, v16;
	[tilespmem:s19+$0x1E710] =	vst v23;
	(pc) =	sbr.rel @p2 .LBB2_28-.Ltmp13, $4  }
0x370: {  	s9 =	sor.u32 s9, s24;
	v23 =	vmul.f32 v18, v17;
	[tilespmem:s19+$0x1E720] =	vst v21  }
0x371: {  	v18 =	vld [tilespmem:s9+$0x1C730];
	v26 =	vmul.f32 v19, v17;
	[tilespmem:s19+$0x1E700] =	vst v22;
	s19 =	smov.u32 s20;
	s20 =	smov.u32 s9  }
0x372: {  	v19 =	vld [tilespmem:s20+$0x1C710];
	v21 =	vmul.f32 v20, v17;
	v24 =	vadd.f32 v23, v16  }
0x373: {  	v20 =	vld [tilespmem:s20+$0x1C720];
	v22 =	vmul.f32 v25, v17;
	v23 =	vadd.f32 v26, v16  }
0x374: {  	v25 =	vld [tilespmem:s20+$0x1C700];
	_ =	sdelay $0x1  }
0x375: {  	v21 =	vadd.f32 v21, v16;
	[tilespmem:s19+$0x1E730] =	vst v24;
	v18 =	vmul.f32 v18, v17  }
0x376: {  	v22 =	vadd.f32 v22, v16;
	[tilespmem:s19+$0x1E710] =	vst v23;
	v19 =	vmul.f32 v19, v17  }
0x377: {  	[tilespmem:s19+$0x1E720] =	vst v21;
	v20 =	vmul.f32 v20, v17;
	v18 =	vadd.f32 v18, v16  }
0x378: {  	[tilespmem:s19+$0x1E700] =	vst v22;
	v17 =	vmul.f32 v25, v17;
	v19 =	vadd.f32 v19, v16  }
0x379: {  	v20 =	vadd.f32 v20, v16;
	[tilespmem:s20+$0x1E730] =	vst v18  }
0x37a: {  	v16 =	vadd.f32 v17, v16;
	[tilespmem:s20+$0x1E710] =	vst v19  }
0x37b: {  	[tilespmem:s20+$0x1E720] =	vst v20  }
0x37c: {  	[tilespmem:s20+$0x1E700] =	vst v16  }
0x37d: {  	s1 =	rddreg [dreg:$0x16]  }
0x37e: {  	s9 =	simm.s32 $0x0;
	s7 =	sadd.s32 s18, s1  }
0x37f: {  	[hbm4b:s7+s9] =	stream.linear.scatter [tilespmem:s6], [sflag:$0x5], $0x80, $0x38;
	[tilespmem:$0x1F900] =	vst v63  }
0x380: {  	s23 =	sadd.s32 $0x80, s7  }
0x381: {  	[hbm4b:s23+s9] =	stream.linear.scatter [tilespmem:s22], [sflag:$0x5], $0x80, $0x38;
	[tilespmem:$0x1F900] =	vst v63  }
0x382: {  	s24 =	sadd.s32 $0x100, s7  }
0x383: {  	[hbm4b:s24+s9] =	stream.linear.scatter [tilespmem:s28], [sflag:$0x5], $0x80, $0x38;
	[tilespmem:$0x1F900] =	vst v63  }
0x384: {  	s25 =	sadd.s32 $0x180, s7  }
0x385: {  	[hbm4b:s25+s9] =	stream.linear.scatter [tilespmem:s29], [sflag:$0x5], $0x80, $0x38;
	[tilespmem:$0x1F900] =	vst v63  }
0x386: {  	s26 =	sadd.s32 $0x200, s7  }
0x387: {  	[hbm4b:s26+s9] =	stream.linear.scatter [tilespmem:s30], [sflag:$0x5], $0x80, $0x38;
	[tilespmem:$0x1F900] =	vst v63  }
0x388: {  	s1 =	sadd.s32 $0x280, s7  }
0x389: {  	[hbm4b:s1+s9] =	stream.linear.scatter [tilespmem:s31], [sflag:$0x5], $0x80, $0x38;
	[tilespmem:$0x1F900] =	vst v63  }
0x38a: {  	s21 =	simm.s32 $0x1ED00;
	s20 =	sadd.s32 $0x300, s7  }
0x38b: {  	[hbm4b:s20+s9] =	stream.linear.scatter [tilespmem:s21], [sflag:$0x5], $0x80, $0x38;
	[tilespmem:$0x1F900] =	vst v63  }
0x38c: {  	s23 =	sadd.s32 $0x380, s7;
	s24 =	simm.s32 $0x1EE00  }
0x38d: {  	[hbm4b:s23+s9] =	stream.linear.scatter [tilespmem:s24], [sflag:$0x5], $0x80, $0x38;
	[tilespmem:$0x1F900] =	vst v63  }
0x38e: {  	s25 =	sadd.s32 $0x400, s7;
	s26 =	simm.s32 $0x1EF00  }
0x38f: {  	[hbm4b:s25+s9] =	stream.linear.scatter [tilespmem:s26], [sflag:$0x5], $0x80, $0x38;
	[tilespmem:$0x1F900] =	vst v63  }
0x390: {  	s20 =	sadd.s32 $0x480, s7;
	s21 =	simm.s32 $0x1F000  }
0x391: {  	[hbm4b:s20+s9] =	stream.linear.scatter [tilespmem:s21], [sflag:$0x5], $0x80, $0x38;
	[tilespmem:$0x1F900] =	vst v63  }
0x392: {  	s23 =	sadd.s32 $0x500, s7;
	s24 =	simm.s32 $0x1F100  }
0x393: {  	[hbm4b:s23+s9] =	stream.linear.scatter [tilespmem:s24], [sflag:$0x5], $0x80, $0x38;
	[tilespmem:$0x1F900] =	vst v63  }
0x394: {  	s25 =	sadd.s32 $0x580, s7;
	s26 =	simm.s32 $0x1F200  }
0x395: {  	[hbm4b:s25+s9] =	stream.linear.scatter [tilespmem:s26], [sflag:$0x5], $0x80, $0x38;
	[tilespmem:$0x1F900] =	vst v63  }
0x396: {  	s20 =	sadd.s32 $0x600, s7;
	s21 =	simm.s32 $0x1F300  }
0x397: {  	[hbm4b:s20+s9] =	stream.linear.scatter [tilespmem:s21], [sflag:$0x5], $0x80, $0x38;
	[tilespmem:$0x1F900] =	vst v63  }
0x398: {  	s23 =	sadd.s32 $0x680, s7;
	s24 =	simm.s32 $0x1F400  }
0x399: {  	[hbm4b:s23+s9] =	stream.linear.scatter [tilespmem:s24], [sflag:$0x5], $0x80, $0x38;
	[tilespmem:$0x1F900] =	vst v63  }
0x39a: {  	s25 =	sadd.s32 $0x700, s7;
	s26 =	simm.s32 $0x1F500  }
0x39b: {  	[hbm4b:s25+s9] =	stream.linear.scatter [tilespmem:s26], [sflag:$0x5], $0x80, $0x38;
	[tilespmem:$0x1F900] =	vst v63  }
0x39c: {  	s19 =	simm.s32 $0x1F600;
	s7 =	sadd.s32 $0x780, s7  }
0x39d: {  	[hbm4b:s7+s9] =	stream.linear.scatter [tilespmem:s19], [sflag:$0x5], $0x80, $0x38;
	[tilespmem:$0x1F900] =	vst v63  }
0x39e: {  	_ =	swait.ge [sflag:s10], $0x800  }
0x39f: {  	[sflag:s10] =	ssyncset.done $0x0  }
0x3a0: {  	s20 =	sand.u32 $0x40, s9;
	s9 =	sand.u32 $0xF00, s9;
	[sflag:s10] =	ssyncadd.s32 $0xFFFFF800  }
0x3a1: {  	s7 =	sor.u32 s20, s9;
	v17 =	vld.idx.msk [tilespmem:v14+s0+$0x0], $0xffff  }
0x3a2: {  	s9 =	sadd.s32 $0x1C700, s7;
	v16 =	vld.idx.msk [tilespmem:v14+s3+$0x0], $0xffff  }
0x3a3: {  	v18 =	vld [tilespmem:s9+$0x30]  }
0x3a4: {  	v19 =	vld [tilespmem:s9+$0x10]  }
0x3a5: {  	v20 =	vld [tilespmem:s7+$0x1C700]  }
0x3a6: {  	p2 =	por $0x0, $0x0;
	s21 =	simm.s32 $0x40;
	v21 =	vld [tilespmem:s9+$0x20];
	s7 =	simm.s32 $0x1  }
0x3a7: {  	s19 =	simm.s32 $0x4;
	s20 =	simm.s32 $0x80;
	s7 =	simm.s32 @!p2 $0x0  }
0x3a8: {  	s23 =	sand.u32 $0xF00, s20;
	s9 =	sand.u32 $0x40, s21;
	s7 =	sshll.u32 s7, $0x6;
	v22 =	vmul.f32 v18, v17  }
0x3a9: {  	s9 =	sor.u32 s9, s23;
	p2 =	por !p2, !p2;
	s7 =	sadd.s32 $0x0, s7;
	v19 =	vmul.f32 v19, v17  }
0x3aa: {  	s21 =	sadd.s32 $0x1C700, s9;
	s24 =	sadd.s32 $0x10, s7;
	s25 =	sadd.s32 $0x30, s7;
	v18 =	vld [tilespmem:s9+$0x1C700];
	v22 =	vadd.f32 v22, v16  }
0x3ab: {  	s23 =	sadd.s32 $0x20, s7;
	v23 =	vmul.f32 v20, v17;
	v20 =	vld [tilespmem:s21+$0x30];
	v62 =	vmul.f32 v21, v17;
	s26 =	sor.u32 $0x80, s24;
	s25 =	sor.u32 $0x80, s25;
	v63 =	vadd.f32 v19, v16  }
0x3ac: {  	s24 =	sor.u32 $0x80, s23;
	v21 =	vld [tilespmem:s21+$0x10];
	s23 =	sor.u32 $0x80, s7;
	s9 =	simm.s32 $0x1;
	[tilespmem:s25+$0x1E700] =	vst v22  }
0x3ad: {  	s7 =	simm.s32 $0x80;
	s9 =	simm.s32 @!p2 $0x0;
	v19 =	vadd.f32 v23, v16;
	v23 =	vadd.f32 v62, v16;
	v22 =	vld [tilespmem:s21+$0x20];
	s21 =	simm.s32 $0x100;
	[tilespmem:s26+$0x1E700] =	vst v63  }
.LBB2_30:
0x3ae: {  	s25 =	sand.u32 $0x40, s7  }
0x3af: {  	s26 =	sand.u32 $0xF00, s21;
	s19 =	sadd.s32 $0x4, s19;
	v24 =	vmul.f32 v18, v17;
	[tilespmem:s24+$0x1E700] =	vst v23;
	s9 =	sshll.u32 s9, $0x6  }
0x3b0: {  	p2 =	por !p2, !p2;
	s24 =	sor.u32 s25, s26;
	p3 =	slt.u32 s19, $0x7C;
	v23 =	vmul.f32 v20, v17;
	[tilespmem:s23+$0x1E700] =	vst v19  }
.Ltmp14:
0x3b1: {  	s9 =	sadd.s32 s9, s20;
	s23 =	sadd.s32 $0x1C700, s24;
	v18 =	vld [tilespmem:s24+$0x1C700];
	v19 =	vadd.f32 v24, v16;
	v24 =	vmul.f32 v21, v17;
	(pc) =	sbr.rel @p3 .LBB2_30-.Ltmp14, $4  }
0x3b2: {  	s20 =	sadd.s32 $0x10, s9;
	s24 =	sadd.s32 $0x20, s9;
	s25 =	sadd.s32 $0x30, s9;
	v20 =	vld [tilespmem:s23+$0x30];
	v25 =	vmul.f32 v22, v17;
	v26 =	vadd.f32 v23, v16  }
0x3b3: {  	s26 =	sor.u32 $0x80, s20;
	s24 =	sor.u32 $0x80, s24;
	s20 =	sor.u32 $0x80, s25;
	v21 =	vld [tilespmem:s23+$0x10];
	v24 =	vadd.f32 v24, v16  }
0x3b4: {  	v22 =	vld [tilespmem:s23+$0x20];
	s23 =	sor.u32 $0x80, s9;
	v23 =	vadd.f32 v25, v16;
	[tilespmem:s20+$0x1E700] =	vst v26;
	s20 =	smov.u32 s21;
	s9 =	simm.s32 $0x1  }
0x3b5: {  	s7 =	sadd.s32 $0x40, s7;
	s21 =	sadd.s32 $0x80, s21;
	s9 =	simm.s32 @!p2 $0x0;
	[tilespmem:s26+$0x1E700] =	vst v24  }
0x3b6: {  	_ = 	snop  }
0x3b7: {  	s7 =	sshll.u32 s9, $0x6;
	v20 =	vmul.f32 v20, v17  }
0x3b8: {  	s7 =	sadd.s32 s7, s20;
	v21 =	vmul.f32 v21, v17  }
0x3b9: {  	[tilespmem:s24+$0x1E700] =	vst v23;
	s1 =	sadd.s32 $0x30, s7;
	v22 =	vmul.f32 v22, v17;
	v20 =	vadd.f32 v20, v16  }
0x3ba: {  	[tilespmem:s23+$0x1E700] =	vst v19;
	s19 =	sadd.s32 $0x10, s7;
	v17 =	vmul.f32 v18, v17;
	s9 =	sor.u32 $0x80, s1;
	v18 =	vadd.f32 v21, v16  }
0x3bb: {  	s20 =	sadd.s32 $0x20, s7;
	s19 =	sor.u32 $0x80, s19;
	v19 =	vadd.f32 v22, v16;
	[tilespmem:s9+$0x1E700] =	vst v20  }
0x3bc: {  	s20 =	sor.u32 $0x80, s20;
	v16 =	vadd.f32 v17, v16;
	[tilespmem:s19+$0x1E700] =	vst v18  }
0x3bd: {  	s7 =	sor.u32 $0x80, s7;
	[tilespmem:s20+$0x1E700] =	vst v19  }
0x3be: {  	[tilespmem:s7+$0x1E700] =	vst v16  }
0x3bf: {  	s1 =	rddreg [dreg:$0x17]  }
0x3c0: {  	s21 =	simm.s32 $0x1E780;
	s9 =	simm.s32 $0x0;
	s7 =	sadd.s32 s18, s1  }
0x3c1: {  	[hbm4b:s7+s9] =	stream.linear.scatter [tilespmem:s21], [sflag:$0x6], $0x80, $0x38;
	[tilespmem:$0x1F900] =	vst v63  }
0x3c2: {  	s24 =	simm.s32 $0x1E880;
	s23 =	sadd.s32 $0x80, s7  }
0x3c3: {  	[hbm4b:s23+s9] =	stream.linear.scatter [tilespmem:s24], [sflag:$0x6], $0x80, $0x38;
	[tilespmem:$0x1F900] =	vst v63  }
0x3c4: {  	s26 =	simm.s32 $0x1E980;
	s25 =	sadd.s32 $0x100, s7  }
0x3c5: {  	[hbm4b:s25+s9] =	stream.linear.scatter [tilespmem:s26], [sflag:$0x6], $0x80, $0x38;
	[tilespmem:$0x1F900] =	vst v63  }
0x3c6: {  	s20 =	sadd.s32 $0x180, s7;
	s21 =	simm.s32 $0x1EA80  }
0x3c7: {  	[hbm4b:s20+s9] =	stream.linear.scatter [tilespmem:s21], [sflag:$0x6], $0x80, $0x38;
	[tilespmem:$0x1F900] =	vst v63  }
0x3c8: {  	s23 =	sadd.s32 $0x200, s7;
	s24 =	simm.s32 $0x1EB80  }
0x3c9: {  	[hbm4b:s23+s9] =	stream.linear.scatter [tilespmem:s24], [sflag:$0x6], $0x80, $0x38;
	[tilespmem:$0x1F900] =	vst v63  }
0x3ca: {  	s25 =	sadd.s32 $0x280, s7;
	s26 =	simm.s32 $0x1EC80  }
0x3cb: {  	[hbm4b:s25+s9] =	stream.linear.scatter [tilespmem:s26], [sflag:$0x6], $0x80, $0x38;
	[tilespmem:$0x1F900] =	vst v63  }
0x3cc: {  	s20 =	sadd.s32 $0x300, s7;
	s21 =	simm.s32 $0x1ED80  }
0x3cd: {  	[hbm4b:s20+s9] =	stream.linear.scatter [tilespmem:s21], [sflag:$0x6], $0x80, $0x38;
	[tilespmem:$0x1F900] =	vst v63  }
0x3ce: {  	s23 =	sadd.s32 $0x380, s7;
	s24 =	simm.s32 $0x1EE80  }
0x3cf: {  	[hbm4b:s23+s9] =	stream.linear.scatter [tilespmem:s24], [sflag:$0x6], $0x80, $0x38;
	[tilespmem:$0x1F900] =	vst v63  }
0x3d0: {  	s25 =	sadd.s32 $0x400, s7;
	s26 =	simm.s32 $0x1EF80  }
0x3d1: {  	[hbm4b:s25+s9] =	stream.linear.scatter [tilespmem:s26], [sflag:$0x6], $0x80, $0x38;
	[tilespmem:$0x1F900] =	vst v63  }
0x3d2: {  	s20 =	sadd.s32 $0x480, s7;
	s21 =	simm.s32 $0x1F080  }
0x3d3: {  	[hbm4b:s20+s9] =	stream.linear.scatter [tilespmem:s21], [sflag:$0x6], $0x80, $0x38;
	[tilespmem:$0x1F900] =	vst v63  }
0x3d4: {  	s23 =	sadd.s32 $0x500, s7;
	s24 =	simm.s32 $0x1F180  }
0x3d5: {  	[hbm4b:s23+s9] =	stream.linear.scatter [tilespmem:s24], [sflag:$0x6], $0x80, $0x38;
	[tilespmem:$0x1F900] =	vst v63  }
0x3d6: {  	s25 =	sadd.s32 $0x580, s7;
	s26 =	simm.s32 $0x1F280  }
0x3d7: {  	[hbm4b:s25+s9] =	stream.linear.scatter [tilespmem:s26], [sflag:$0x6], $0x80, $0x38;
	[tilespmem:$0x1F900] =	vst v63  }
0x3d8: {  	s1 =	sadd.s32 $0x600, s7;
	s20 =	simm.s32 $0x1F380  }
0x3d9: {  	[hbm4b:s1+s9] =	stream.linear.scatter [tilespmem:s20], [sflag:$0x6], $0x80, $0x38;
	[tilespmem:$0x1F900] =	vst v63  }
0x3da: {  	s21 =	sadd.s32 $0x680, s7  }
0x3db: {  	[hbm4b:s21+s9] =	stream.linear.scatter [tilespmem:s2], [sflag:$0x6], $0x80, $0x38;
	[tilespmem:$0x1F900] =	vst v63  }
0x3dc: {  	s23 =	sadd.s32 $0x700, s7  }
0x3dd: {  	[hbm4b:s23+s9] =	stream.linear.scatter [tilespmem:s5], [sflag:$0x6], $0x80, $0x38;
	[tilespmem:$0x1F900] =	vst v63  }
0x3de: {  	s7 =	sadd.s32 $0x780, s7  }
0x3df: {  	[hbm4b:s7+s9] =	stream.linear.scatter [tilespmem:s4], [sflag:$0x6], $0x80, $0x38;
	[tilespmem:$0x1F900] =	vst v63  }
0x3e0: {  	_ =	swait.ge [sflag:s17], $0x800  }
0x3e1: {  	[sflag:s17] =	ssyncset.done $0x0  }
0x3e2: {  	[sflag:s17] =	ssyncadd.s32 $0xFFFFF800  }
0x3e3: {  	s24 =	sand.u32 $0x40, s9;
	s9 =	sand.u32 $0xF00, s9;
	v17 =	vld.idx.msk [tilespmem:v15+s0+$0x0], $0xffff  }
0x3e4: {  	s19 =	sor.u32 s24, s9;
	v16 =	vld.idx.msk [tilespmem:v15+s3+$0x0], $0xffff  }
0x3e5: {  	v18 =	vld [tilespmem:s19+$0x1C730]  }
0x3e6: {  	v19 =	vld [tilespmem:s19+$0x1C710]  }
0x3e7: {  	v20 =	vld [tilespmem:s19+$0x1C720]  }
0x3e8: {  	s21 =	simm.s32 $0x40;
	s7 =	simm.s32 $0x80;
	v22 =	vld [tilespmem:s19+$0x1C700]  }
0x3e9: {  	s25 =	sand.u32 $0x40, s21;
	s26 =	sand.u32 $0xF00, s7  }
0x3ea: {  	s20 =	sor.u32 s25, s26  }
0x3eb: {  	v23 =	vmul.f32 v18, v17;
	v18 =	vld [tilespmem:s20+$0x1C730];
	v25 =	vmul.f32 v19, v17  }
0x3ec: {  	v19 =	vld [tilespmem:s20+$0x1C710];
	v21 =	vmul.f32 v20, v17  }
0x3ed: {  	s23 =	simm.s32 $0x4;
	v20 =	vld [tilespmem:s20+$0x1C720];
	v22 =	vmul.f32 v22, v17;
	v24 =	vadd.f32 v23, v16;
	v23 =	vadd.f32 v25, v16  }
.LBB2_32:
0x3ee: {  	s23 =	sadd.s32 $0x4, s23  }
0x3ef: {  	v25 =	vld [tilespmem:s20+$0x1C700];
	s7 =	sadd.s32 $0x80, s7;
	s21 =	sadd.s32 $0x40, s21;
	v21 =	vadd.f32 v21, v16;
	[tilespmem:s19+$0x1E730] =	vst v24;
	p2 =	slt.u32 s23, $0x7C  }
.Ltmp15:
0x3f0: {  	s9 =	sand.u32 $0x40, s21;
	s24 =	sand.u32 $0xF00, s7;
	v22 =	vadd.f32 v22, v16;
	[tilespmem:s19+$0x1E710] =	vst v23;
	(pc) =	sbr.rel @p2 .LBB2_32-.Ltmp15, $4  }
0x3f1: {  	s9 =	sor.u32 s9, s24;
	v23 =	vmul.f32 v18, v17;
	[tilespmem:s19+$0x1E720] =	vst v21  }
0x3f2: {  	v18 =	vld [tilespmem:s9+$0x1C730];
	v26 =	vmul.f32 v19, v17;
	[tilespmem:s19+$0x1E700] =	vst v22;
	s19 =	smov.u32 s20;
	s20 =	smov.u32 s9  }
0x3f3: {  	v19 =	vld [tilespmem:s20+$0x1C710];
	v21 =	vmul.f32 v20, v17;
	v24 =	vadd.f32 v23, v16  }
0x3f4: {  	v20 =	vld [tilespmem:s20+$0x1C720];
	v22 =	vmul.f32 v25, v17;
	v23 =	vadd.f32 v26, v16  }
0x3f5: {  	v25 =	vld [tilespmem:s20+$0x1C700];
	_ =	sdelay $0x1  }
0x3f6: {  	v21 =	vadd.f32 v21, v16;
	[tilespmem:s19+$0x1E730] =	vst v24;
	v18 =	vmul.f32 v18, v17  }
0x3f7: {  	v22 =	vadd.f32 v22, v16;
	[tilespmem:s19+$0x1E710] =	vst v23;
	v19 =	vmul.f32 v19, v17  }
0x3f8: {  	[tilespmem:s19+$0x1E720] =	vst v21;
	v20 =	vmul.f32 v20, v17;
	v18 =	vadd.f32 v18, v16  }
0x3f9: {  	[tilespmem:s19+$0x1E700] =	vst v22;
	v17 =	vmul.f32 v25, v17;
	v19 =	vadd.f32 v19, v16  }
0x3fa: {  	v20 =	vadd.f32 v20, v16;
	[tilespmem:s20+$0x1E730] =	vst v18  }
0x3fb: {  	v16 =	vadd.f32 v17, v16;
	[tilespmem:s20+$0x1E710] =	vst v19  }
0x3fc: {  	[tilespmem:s20+$0x1E720] =	vst v20  }
0x3fd: {  	[tilespmem:s20+$0x1E700] =	vst v16  }
0x3fe: {  	s1 =	rddreg [dreg:$0x18]  }
0x3ff: {  	s9 =	simm.s32 $0x0;
	s7 =	sadd.s32 s18, s1  }
0x400: {  	[hbm4b:s7+s9] =	stream.linear.scatter [tilespmem:s6], [sflag:$0x5], $0x80, $0x38;
	[tilespmem:$0x1F900] =	vst v63  }
0x401: {  	s25 =	sadd.s32 $0x80, s7  }
0x402: {  	[hbm4b:s25+s9] =	stream.linear.scatter [tilespmem:s22], [sflag:$0x5], $0x80, $0x38;
	[tilespmem:$0x1F900] =	vst v63  }
0x403: {  	s26 =	sadd.s32 $0x100, s7  }
0x404: {  	[hbm4b:s26+s9] =	stream.linear.scatter [tilespmem:s28], [sflag:$0x5], $0x80, $0x38;
	[tilespmem:$0x1F900] =	vst v63  }
0x405: {  	s28 =	sadd.s32 $0x180, s7  }
0x406: {  	[hbm4b:s28+s9] =	stream.linear.scatter [tilespmem:s29], [sflag:$0x5], $0x80, $0x38;
	[tilespmem:$0x1F900] =	vst v63  }
0x407: {  	s29 =	sadd.s32 $0x200, s7  }
0x408: {  	[hbm4b:s29+s9] =	stream.linear.scatter [tilespmem:s30], [sflag:$0x5], $0x80, $0x38;
	[tilespmem:$0x1F900] =	vst v63  }
0x409: {  	s1 =	sadd.s32 $0x280, s7  }
0x40a: {  	[hbm4b:s1+s9] =	stream.linear.scatter [tilespmem:s31], [sflag:$0x5], $0x80, $0x38;
	[tilespmem:$0x1F900] =	vst v63  }
0x40b: {  	s20 =	simm.s32 $0x1ED00;
	s6 =	sadd.s32 $0x300, s7  }
0x40c: {  	[hbm4b:s6+s9] =	stream.linear.scatter [tilespmem:s20], [sflag:$0x5], $0x80, $0x38;
	[tilespmem:$0x1F900] =	vst v63  }
0x40d: {  	s21 =	sadd.s32 $0x380, s7;
	s22 =	simm.s32 $0x1EE00  }
0x40e: {  	[hbm4b:s21+s9] =	stream.linear.scatter [tilespmem:s22], [sflag:$0x5], $0x80, $0x38;
	[tilespmem:$0x1F900] =	vst v63  }
0x40f: {  	s24 =	simm.s32 $0x1EF00;
	s23 =	sadd.s32 $0x400, s7  }
0x410: {  	[hbm4b:s23+s9] =	stream.linear.scatter [tilespmem:s24], [sflag:$0x5], $0x80, $0x38;
	[tilespmem:$0x1F900] =	vst v63  }
0x411: {  	s25 =	sadd.s32 $0x480, s7;
	s26 =	simm.s32 $0x1F000  }
0x412: {  	[hbm4b:s25+s9] =	stream.linear.scatter [tilespmem:s26], [sflag:$0x5], $0x80, $0x38;
	[tilespmem:$0x1F900] =	vst v63  }
0x413: {  	s28 =	sadd.s32 $0x500, s7;
	s29 =	simm.s32 $0x1F100  }
0x414: {  	[hbm4b:s28+s9] =	stream.linear.scatter [tilespmem:s29], [sflag:$0x5], $0x80, $0x38;
	[tilespmem:$0x1F900] =	vst v63  }
0x415: {  	s30 =	sadd.s32 $0x580, s7;
	s31 =	simm.s32 $0x1F200  }
0x416: {  	[hbm4b:s30+s9] =	stream.linear.scatter [tilespmem:s31], [sflag:$0x5], $0x80, $0x38;
	[tilespmem:$0x1F900] =	vst v63  }
0x417: {  	s6 =	sadd.s32 $0x600, s7;
	s20 =	simm.s32 $0x1F300  }
0x418: {  	[hbm4b:s6+s9] =	stream.linear.scatter [tilespmem:s20], [sflag:$0x5], $0x80, $0x38;
	[tilespmem:$0x1F900] =	vst v63  }
0x419: {  	s21 =	sadd.s32 $0x680, s7;
	s22 =	simm.s32 $0x1F400  }
0x41a: {  	[hbm4b:s21+s9] =	stream.linear.scatter [tilespmem:s22], [sflag:$0x5], $0x80, $0x38;
	[tilespmem:$0x1F900] =	vst v63  }
0x41b: {  	s23 =	sadd.s32 $0x700, s7;
	s24 =	simm.s32 $0x1F500  }
0x41c: {  	[hbm4b:s23+s9] =	stream.linear.scatter [tilespmem:s24], [sflag:$0x5], $0x80, $0x38;
	[tilespmem:$0x1F900] =	vst v63  }
0x41d: {  	s7 =	sadd.s32 $0x780, s7;
	s25 =	simm.s32 $0x1F600  }
0x41e: {  	[hbm4b:s7+s9] =	stream.linear.scatter [tilespmem:s25], [sflag:$0x5], $0x80, $0x38;
	[tilespmem:$0x1F900] =	vst v63  }
0x41f: {  	_ =	swait.ge [sflag:s10], $0x800  }
0x420: {  	[sflag:s10] =	ssyncset.done $0x0  }
0x421: {  	s26 =	sand.u32 $0x40, s9;
	s9 =	sand.u32 $0xF00, s9;
	[sflag:s10] =	ssyncadd.s32 $0xFFFFF800  }
0x422: {  	s7 =	sor.u32 s26, s9;
	v17 =	vld.idx.msk [tilespmem:v13+s0+$0x0], $0xffff  }
0x423: {  	s9 =	sadd.s32 $0x1C700, s7;
	v16 =	vld.idx.msk [tilespmem:v13+s3+$0x0], $0xffff  }
0x424: {  	v18 =	vld [tilespmem:s9+$0x30]  }
0x425: {  	v19 =	vld [tilespmem:s9+$0x10]  }
0x426: {  	v20 =	vld [tilespmem:s7+$0x1C700]  }
0x427: {  	p2 =	por $0x0, $0x0;
	s19 =	simm.s32 $0x4;
	v21 =	vld [tilespmem:s9+$0x20];
	s7 =	simm.s32 $0x1  }
0x428: {  	s28 =	simm.s32 $0x40;
	s20 =	simm.s32 $0x80;
	s7 =	simm.s32 @!p2 $0x0  }
0x429: {  	s29 =	sand.u32 $0xF00, s20;
	s9 =	sand.u32 $0x40, s28;
	s7 =	sshll.u32 s7, $0x6;
	v22 =	vmul.f32 v18, v17  }
0x42a: {  	s9 =	sor.u32 s9, s29;
	p2 =	por !p2, !p2;
	s7 =	sadd.s32 $0x0, s7;
	v19 =	vmul.f32 v19, v17  }
0x42b: {  	s21 =	sadd.s32 $0x1C700, s9;
	s30 =	sadd.s32 $0x10, s7;
	s25 =	sadd.s32 $0x30, s7;
	v18 =	vld [tilespmem:s9+$0x1C700];
	v22 =	vadd.f32 v22, v16  }
0x42c: {  	s23 =	sadd.s32 $0x20, s7;
	v23 =	vmul.f32 v20, v17;
	v20 =	vld [tilespmem:s21+$0x30];
	v62 =	vmul.f32 v21, v17;
	s26 =	sor.u32 $0x80, s30;
	s31 =	sor.u32 $0x80, s25;
	v63 =	vadd.f32 v19, v16  }
0x42d: {  	s24 =	sor.u32 $0x80, s23;
	v21 =	vld [tilespmem:s21+$0x10];
	s23 =	sor.u32 $0x80, s7;
	s9 =	simm.s32 $0x1;
	[tilespmem:s31+$0x1E700] =	vst v22  }
0x42e: {  	s7 =	simm.s32 $0x80;
	s9 =	simm.s32 @!p2 $0x0;
	v19 =	vadd.f32 v23, v16;
	v23 =	vadd.f32 v62, v16;
	v22 =	vld [tilespmem:s21+$0x20];
	s21 =	simm.s32 $0x100;
	[tilespmem:s26+$0x1E700] =	vst v63  }
.LBB2_34:
0x42f: {  	s25 =	sand.u32 $0x40, s7  }
0x430: {  	s26 =	sand.u32 $0xF00, s21;
	s19 =	sadd.s32 $0x4, s19;
	v24 =	vmul.f32 v18, v17;
	[tilespmem:s24+$0x1E700] =	vst v23;
	s9 =	sshll.u32 s9, $0x6  }
0x431: {  	p2 =	por !p2, !p2;
	s24 =	sor.u32 s25, s26;
	p3 =	slt.u32 s19, $0x7C;
	v23 =	vmul.f32 v20, v17;
	[tilespmem:s23+$0x1E700] =	vst v19  }
.Ltmp16:
0x432: {  	s9 =	sadd.s32 s9, s20;
	s23 =	sadd.s32 $0x1C700, s24;
	v18 =	vld [tilespmem:s24+$0x1C700];
	v19 =	vadd.f32 v24, v16;
	v24 =	vmul.f32 v21, v17;
	(pc) =	sbr.rel @p3 .LBB2_34-.Ltmp16, $4  }
0x433: {  	s20 =	sadd.s32 $0x10, s9;
	s24 =	sadd.s32 $0x20, s9;
	s25 =	sadd.s32 $0x30, s9;
	v20 =	vld [tilespmem:s23+$0x30];
	v25 =	vmul.f32 v22, v17;
	v26 =	vadd.f32 v23, v16  }
0x434: {  	s26 =	sor.u32 $0x80, s20;
	s24 =	sor.u32 $0x80, s24;
	s20 =	sor.u32 $0x80, s25;
	v21 =	vld [tilespmem:s23+$0x10];
	v24 =	vadd.f32 v24, v16  }
0x435: {  	v22 =	vld [tilespmem:s23+$0x20];
	s23 =	sor.u32 $0x80, s9;
	v23 =	vadd.f32 v25, v16;
	[tilespmem:s20+$0x1E700] =	vst v26;
	s20 =	smov.u32 s21;
	s9 =	simm.s32 $0x1  }
0x436: {  	s7 =	sadd.s32 $0x40, s7;
	s21 =	sadd.s32 $0x80, s21;
	s9 =	simm.s32 @!p2 $0x0;
	[tilespmem:s26+$0x1E700] =	vst v24  }
0x437: {  	_ = 	snop  }
0x438: {  	s7 =	sshll.u32 s9, $0x6;
	v20 =	vmul.f32 v20, v17  }
0x439: {  	s7 =	sadd.s32 s7, s20;
	v21 =	vmul.f32 v21, v17  }
0x43a: {  	[tilespmem:s24+$0x1E700] =	vst v23;
	s1 =	sadd.s32 $0x30, s7;
	v22 =	vmul.f32 v22, v17;
	v20 =	vadd.f32 v20, v16  }
0x43b: {  	[tilespmem:s23+$0x1E700] =	vst v19;
	s19 =	sadd.s32 $0x10, s7;
	v17 =	vmul.f32 v18, v17;
	s9 =	sor.u32 $0x80, s1;
	v62 =	vadd.f32 v21, v16  }
0x43c: {  	s20 =	sadd.s32 $0x20, s7;
	s19 =	sor.u32 $0x80, s19;
	v63 =	vadd.f32 v22, v16;
	[tilespmem:s9+$0x1E700] =	vst v20  }
0x43d: {  	s6 =	sor.u32 $0x80, s20;
	v16 =	vadd.f32 v17, v16;
	[tilespmem:s19+$0x1E700] =	vst v62  }
0x43e: {  	s7 =	sor.u32 $0x80, s7;
	[tilespmem:s6+$0x1E700] =	vst v63  }
0x43f: {  	[tilespmem:s7+$0x1E700] =	vst v16  }
0x440: {  	s1 =	rddreg [dreg:$0x19]  }
0x441: {  	s7 =	sadd.s32 s18, s1;
	s18 =	simm.s32 $0x1E780  }
0x442: {  	[hbm4b:s7+s8] =	stream.linear.scatter [tilespmem:s18], [sflag:$0x6], $0x80, $0x38;
	[tilespmem:$0x1F900] =	vst v63  }
0x443: {  	s20 =	simm.s32 $0x1E880;
	s19 =	sadd.s32 $0x80, s7  }
0x444: {  	[hbm4b:s19+s8] =	stream.linear.scatter [tilespmem:s20], [sflag:$0x6], $0x80, $0x38;
	[tilespmem:$0x1F900] =	vst v63  }
0x445: {  	s22 =	simm.s32 $0x1E980;
	s21 =	sadd.s32 $0x100, s7  }
0x446: {  	[hbm4b:s21+s8] =	stream.linear.scatter [tilespmem:s22], [sflag:$0x6], $0x80, $0x38;
	[tilespmem:$0x1F900] =	vst v63  }
0x447: {  	s24 =	simm.s32 $0x1EA80;
	s23 =	sadd.s32 $0x180, s7  }
0x448: {  	[hbm4b:s23+s8] =	stream.linear.scatter [tilespmem:s24], [sflag:$0x6], $0x80, $0x38;
	[tilespmem:$0x1F900] =	vst v63  }
0x449: {  	s26 =	simm.s32 $0x1EB80;
	s25 =	sadd.s32 $0x200, s7  }
0x44a: {  	[hbm4b:s25+s8] =	stream.linear.scatter [tilespmem:s26], [sflag:$0x6], $0x80, $0x38;
	[tilespmem:$0x1F900] =	vst v63  }
0x44b: {  	s29 =	simm.s32 $0x1EC80;
	s28 =	sadd.s32 $0x280, s7  }
0x44c: {  	[hbm4b:s28+s8] =	stream.linear.scatter [tilespmem:s29], [sflag:$0x6], $0x80, $0x38;
	[tilespmem:$0x1F900] =	vst v63  }
0x44d: {  	s31 =	simm.s32 $0x1ED80;
	s30 =	sadd.s32 $0x300, s7  }
0x44e: {  	[hbm4b:s30+s8] =	stream.linear.scatter [tilespmem:s31], [sflag:$0x6], $0x80, $0x38;
	[tilespmem:$0x1F900] =	vst v63  }
0x44f: {  	s6 =	sadd.s32 $0x380, s7;
	s18 =	simm.s32 $0x1EE80  }
0x450: {  	[hbm4b:s6+s8] =	stream.linear.scatter [tilespmem:s18], [sflag:$0x6], $0x80, $0x38;
	[tilespmem:$0x1F900] =	vst v63  }
0x451: {  	s19 =	sadd.s32 $0x400, s7;
	s20 =	simm.s32 $0x1EF80  }
0x452: {  	[hbm4b:s19+s8] =	stream.linear.scatter [tilespmem:s20], [sflag:$0x6], $0x80, $0x38;
	[tilespmem:$0x1F900] =	vst v63  }
0x453: {  	s21 =	sadd.s32 $0x480, s7;
	s22 =	simm.s32 $0x1F080  }
0x454: {  	[hbm4b:s21+s8] =	stream.linear.scatter [tilespmem:s22], [sflag:$0x6], $0x80, $0x38;
	[tilespmem:$0x1F900] =	vst v63  }
0x455: {  	s23 =	sadd.s32 $0x500, s7;
	s24 =	simm.s32 $0x1F180  }
0x456: {  	[hbm4b:s23+s8] =	stream.linear.scatter [tilespmem:s24], [sflag:$0x6], $0x80, $0x38;
	[tilespmem:$0x1F900] =	vst v63  }
0x457: {  	s25 =	sadd.s32 $0x580, s7;
	s26 =	simm.s32 $0x1F280  }
0x458: {  	[hbm4b:s25+s8] =	stream.linear.scatter [tilespmem:s26], [sflag:$0x6], $0x80, $0x38;
	[tilespmem:$0x1F900] =	vst v63  }
0x459: {  	s28 =	sadd.s32 $0x600, s7;
	s29 =	simm.s32 $0x1F380  }
0x45a: {  	[hbm4b:s28+s8] =	stream.linear.scatter [tilespmem:s29], [sflag:$0x6], $0x80, $0x38;
	[tilespmem:$0x1F900] =	vst v63  }
0x45b: {  	s30 =	sadd.s32 $0x680, s7  }
0x45c: {  	[hbm4b:s30+s8] =	stream.linear.scatter [tilespmem:s2], [sflag:$0x6], $0x80, $0x38;
	[tilespmem:$0x1F900] =	vst v63  }
0x45d: {  	s31 =	sadd.s32 $0x700, s7  }
0x45e: {  	[hbm4b:s31+s8] =	stream.linear.scatter [tilespmem:s5], [sflag:$0x6], $0x80, $0x38;
	[tilespmem:$0x1F900] =	vst v63  }
0x45f: {  	s7 =	sadd.s32 $0x780, s7  }
0x460: {  	[hbm4b:s7+s8] =	stream.linear.scatter [tilespmem:s4], [sflag:$0x6], $0x80, $0x38;
	[tilespmem:$0x1F900] =	vst v63  }
0x461: {  	_ =	swait.ge [sflag:s17], $0x800  }
0x462: {  	[sflag:s17] =	ssyncset.done $0x0  }
0x463: {  	[sflag:s17] =	ssyncadd.s32 $0xFFFFF800  }
0x464: {  	_ =	swait.ge [sflag:s10], $0x800  }
0x465: {  	[sflag:s10] =	ssyncset.done $0x0  }
0x466: {  	[sflag:s10] =	ssyncadd.s32 $0xFFFFF800  }
.LBB2_36:
0x467: {  	s7 =	simm.s32 @!p1 $0x2  }
0x468: {  	_ =	swait.ge @!p1 [sflag:s7], $0x4000  }
0x469: {  	[sflag:s7] =	ssyncset.done @!p1 $0x0  }
0x46a: {  	s1 =	simm.s32 $0x1;
	[sflag:s7] =	ssyncadd.s32 @!p1 $0xFFFFC000  }
0x46b: {  	s18 =	simm.s32 $0x0;
	s19 =	simm.s32 $0x18700;
	_ =	swait.ge [sflag:s1], $0x18700  }
0x46c: {  	s22 =	sand.u32 $0x40, s18;
	s9 =	sand.u32 $0xF80, s18;
	[sflag:s1] =	ssyncset.done $0x0  }
0x46d: {  	s9 =	sadd.s32 $0x18700, s9;
	s25 =	sor.u32 $0x30, s22;
	[sflag:s1] =	ssyncadd.s32 $0xFFFE7900  }
0x46e: {  	s29 =	sor.u32 s25, s9;
	v16 =	vld [tilespmem:s19+$0x0]  }
0x46f: {  	v17 =	vld [tilespmem:s29+$0x0]  }
0x470: {  	s26 =	sor.u32 $0x10, s22;
	s29 =	sor.u32 $0x20, s22  }
0x471: {  	s31 =	simm.s32 $0x40;
	s30 =	sor.u32 s26, s9;
	s9 =	sor.u32 s29, s9  }
0x472: {  	s19 =	sand.u32 $0x40, s31;
	v20 =	vld [tilespmem:s9+$0x0];
	s9 =	sand.u32 $0xF80, s31  }
0x473: {  	s20 =	simm.s32 $0x18740;
	v19 =	vld [tilespmem:s30+$0x0];
	s23 =	sor.u32 $0x10, s19;
	s9 =	sadd.s32 $0x18700, s9  }
0x474: {  	v18 =	vld [tilespmem:s20+$0x0];
	s28 =	sor.u32 s23, s9  }
0x475: {  	v22 =	vld [tilespmem:s28+$0x0]  }
0x476: {  	s21 =	sor.u32 $0x30, s19;
	v16 =	vld.idx.msk [tilespmem:v16+s8+$0x0], $0xffff  }
0x477: {  	s24 =	sor.u32 s21, s9;
	v23 =	vld.idx.msk [tilespmem:v17+s8+$0x0], $0xffff  }
0x478: {  	s20 =	sor.u32 $0x20, s19;
	s28 =	sand.u32 $0x1F00, s18;
	v17 =	vld [tilespmem:s24+$0x0]  }
0x479: {  	s9 =	sor.u32 s20, s9;
	s30 =	sadd.s32 $0x1C700, s28  }
0x47a: {  	v21 =	vld [tilespmem:s9+$0x0];
	s9 =	sor.u32 s22, s30  }
0x47b: {  	s28 =	sor.u32 s26, s30;
	s31 =	sor.u32 s25, s30;
	s25 =	simm.s32 $0x80;
	v19 =	vld.idx.msk [tilespmem:v19+s8+$0x0], $0xffff  }
0x47c: {  	s26 =	simm.s32 $0x18780;
	s7 =	sor.u32 s29, s30;
	s24 =	simm.s32 $0x4;
	v20 =	vld.idx.msk [tilespmem:v20+s8+$0x0], $0xffff;
	[tilespmem:s31+$0x0] =	vst v23  }
.LBB2_37:
0x47d: {  	v23 =	vld [tilespmem:s26+$0x0];
	s29 =	sand.u32 $0xF80, s25;
	s24 =	sadd.s32 $0x4, s24;
	[tilespmem:s9+$0x0] =	vst v16;
	s9 =	smov.u32 s19  }
0x47e: {  	v24 =	vmov v22;
	s19 =	sand.u32 $0x40, s25;
	s30 =	smov.u32 s21;
	s31 =	smov.u32 s23  }
0x47f: {  	s29 =	sadd.s32 $0x18700, s29;
	s21 =	sor.u32 $0x30, s19;
	p1 =	slt.u32 s24, $0xFC;
	v16 =	vld.idx.msk [tilespmem:v18+s8+$0x0], $0xffff;
	v25 =	vmov v21  }
0x480: {  	s23 =	sor.u32 $0x10, s19;
	s6 =	sor.u32 $0x20, s19;
	s22 =	sor.u32 s21, s29;
	v26 =	vld.idx.msk [tilespmem:v17+s8+$0x0], $0xffff  }
0x481: {  	s1 =	sor.u32 s23, s29;
	s29 =	sor.u32 s6, s29;
	v17 =	vld [tilespmem:s22+$0x0];
	[tilespmem:s28+$0x0] =	vst v19;
	s22 =	smov.u32 s20  }
.Ltmp17:
0x482: {  	s18 =	sadd.s32 $0x80, s18;
	s20 =	smov.u32 s6;
	v22 =	vld [tilespmem:s1+$0x0];
	[tilespmem:s7+$0x0] =	vst v20;
	(pc) =	sbr.rel @p1 .LBB2_37-.Ltmp17, $4  }
0x483: {  	s1 =	sand.u32 $0x1F00, s18;
	v21 =	vld [tilespmem:s29+$0x0];
	v18 =	vmov v23  }
0x484: {  	s1 =	sadd.s32 $0x1C700, s1;
	v19 =	vld.idx.msk [tilespmem:v24+s8+$0x0], $0xffff  }
0x485: {  	s9 =	sor.u32 s9, s1;
	s28 =	sor.u32 s31, s1;
	s6 =	sor.u32 s30, s1;
	v20 =	vld.idx.msk [tilespmem:v25+s8+$0x0], $0xffff  }
0x486: {  	s25 =	sadd.s32 $0x40, s25;
	s26 =	sadd.s32 $0x40, s26;
	s7 =	sor.u32 s22, s1;
	[tilespmem:s6+$0x0] =	vst v26  }
0x487: {  	_ =	sdelay $0x3  }
0x488: {  	v17 =	vld.idx.msk [tilespmem:v17+s8+$0x0], $0xffff  }
0x489: {  	v18 =	vld.idx.msk [tilespmem:v18+s8+$0x0], $0xffff;
	s1 =	sadd.s32 $0x80, s18  }
0x48a: {  	[tilespmem:s9+$0x0] =	vst v16;
	v16 =	vld.idx.msk [tilespmem:v22+s8+$0x0], $0xffff;
	s1 =	sand.u32 $0x1F00, s1  }
0x48b: {  	s6 =	sshll.u32 s14, $0x12;
	s26 =	sshll.u32 s16, $0x11;
	v63 =	vld.idx.msk [tilespmem:v21+s8+$0x0], $0xffff;
	[tilespmem:s28+$0x0] =	vst v19;
	s1 =	sadd.s32 $0x1C700, s1  }
0x48c: {  	s6 =	sor.u32 s26, s6;
	[tilespmem:s7+$0x0] =	vst v20;
	s28 =	sor.u32 s21, s1  }
0x48d: {  	s6 =	sor.u32 s15, s6;
	s29 =	sor.u32 s19, s1;
	[tilespmem:s28+$0x0] =	vst v17  }
0x48e: {  	s31 =	rddreg [dreg:$0x5];
	s6 =	sadd.s32 $0x340000, s6;
	s30 =	sor.u32 s23, s1;
	[tilespmem:s29+$0x0] =	vst v18  }
0x48f: {  	s16 =	simm.s32 $0x0;
	s1 =	sor.u32 s20, s1;
	s15 =	sshrl.u32 s6, $0x3;
	[tilespmem:s30+$0x0] =	vst v16  }
0x490: {  	s9 =	simm.s32 $0x1C700;
	s18 =	simm.s32 $0x0;
	s7 =	sadd.s32 s31, s15;
	[tilespmem:s1+$0x0] =	vst v63  }
.LBB2_39:
0x491: {  	p1 =	sne.s32 s18, $0xF80  }
.Ltmp18:
0x492: {  	_ = 	snop;
	(pc) =	sbr.rel @p1 .LBB2_39-.Ltmp18, $4  }
0x493: {  	_ = 	snop  }
0x494: {  	s1 =	sadd.s32 s18, s7  }
0x495: {  	[hbm4b:s1+s16] =	stream.linear.scatter [tilespmem:s9], [sflag:$0x3], $0x80, $0x38;
	[tilespmem:$0x1F900] =	vst v63  }
0x496: {  	s18 =	sadd.s32 $0x80, s18;
	s9 =	sadd.s32 $0x100, s9  }
0x497: {  	s1 =	simm.s32 $0x19730  }
0x498: {  	s6 =	sand.u32 $0xFC0, s16;
	v16 =	vld [tilespmem:s1+$0xFFFFFFE0]  }
0x499: {  	v18 =	vld [tilespmem:s6+$0x19700]  }
0x49a: {  	v20 =	vld [tilespmem:s1+$0xFFFFFFF0]  }
0x49b: {  	v24 =	vld [tilespmem:s1+$0x0]  }
0x49c: {  	s24 =	simm.s32 $0x19770  }
0x49d: {  	s18 =	simm.s32 $0x40;
	v21 =	vld [tilespmem:s24+$0xFFFFFFE0]  }
0x49e: {  	v17 =	vld [tilespmem:s24+$0xFFFFFFF0];
	s25 =	sand.u32 $0xFC0, s18  }
0x49f: {  	v19 =	vld [tilespmem:s25+$0x19700]  }
0x4a0: {  	v16 =	vld.idx.msk [tilespmem:v16+s8+$0x0], $0xffff  }
0x4a1: {  	p1 =	por $0x0, $0x0;
	s7 =	simm.s32 $0x1;
	v23 =	vld.idx.msk [tilespmem:v18+s8+$0x0], $0xffff  }
0x4a2: {  	s19 =	simm.s32 $0x197B0;
	s28 =	simm.s32 $0x1E900;
	s7 =	simm.s32 @!p1 $0x0;
	v22 =	vld.idx.msk [tilespmem:v20+s8+$0x0], $0xffff  }
0x4a3: {  	s29 =	simm.s32 $0x1EA00;
	s30 =	simm.s32 $0x1EB00;
	s26 =	sshll.u32 s7, $0x6;
	v20 =	vld.idx.msk [tilespmem:v24+s8+$0x0], $0xffff  }
0x4a4: {  	s31 =	simm.s32 $0x1EC00;
	s7 =	simm.s32 $0x4;
	s9 =	sadd.s32 $0x0, s26;
	v18 =	vld [tilespmem:s24+$0x0]  }
0x4a5: {  	s23 =	sor.u32 $0x80, s9;
	s21 =	sor.u32 $0x90, s9;
	s20 =	sor.u32 $0xA0, s9  }
.LBB2_41:
0x4a6: {  	v24 =	vld [tilespmem:s19+$0xFFFFFFE0];
	[tilespmem:s23+$0x1C700] =	vst v23;
	s1 =	sor.u32 $0xB0, s9  }
0x4a7: {  	v25 =	vld [tilespmem:s19+$0xFFFFFFF0];
	[tilespmem:s21+$0x1C700] =	vst v16  }
0x4a8: {  	s18 =	sadd.s32 $0x40, s18;
	s7 =	sadd.s32 $0x4, s7;
	v16 =	vld.idx.msk [tilespmem:v21+s8+$0x0], $0xffff;
	[tilespmem:s20+$0x1C700] =	vst v22  }
0x4a9: {  	s6 =	sand.u32 $0xFC0, s18;
	p2 =	slt.u32 s7, $0xFC;
	v23 =	vld.idx.msk [tilespmem:v19+s8+$0x0], $0xffff;
	[tilespmem:s1+$0x1C700] =	vst v20  }
.Ltmp19:
0x4aa: {  	p1 =	por !p1, !p1;
	s1 =	simm.s32 $0x1;
	v19 =	vld [tilespmem:s6+$0x19700];
	(pc) =	sbr.rel @p2 .LBB2_41-.Ltmp19, $4  }
0x4ab: {  	s1 =	simm.s32 @!p1 $0x0;
	v22 =	vld.idx.msk [tilespmem:v17+s8+$0x0], $0xffff;
	v21 =	vmov v24  }
0x4ac: {  	s16 =	sadd.s32 $0x80, s16;
	s1 =	sshll.u32 s1, $0x6;
	v20 =	vld.idx.msk [tilespmem:v18+s8+$0x0], $0xffff;
	v17 =	vmov v25  }
0x4ad: {  	s9 =	sadd.s32 s1, s16;
	v18 =	vld [tilespmem:s19+$0x0];
	s19 =	sadd.s32 $0x40, s19  }
0x4ae: {  	s23 =	sor.u32 $0x80, s9;
	s21 =	sor.u32 $0x90, s9;
	s20 =	sor.u32 $0xA0, s9  }
0x4af: {  	_ =	sdelay $0x3  }
0x4b0: {  	v19 =	vld.idx.msk [tilespmem:v19+s8+$0x0], $0xffff;
	p1 =	por !p1, !p1;
	s1 =	simm.s32 $0x1  }
0x4b1: {  	[tilespmem:s23+$0x1C700] =	vst v23;
	v21 =	vld.idx.msk [tilespmem:v21+s8+$0x0], $0xffff;
	s1 =	simm.s32 @!p1 $0x0  }
0x4b2: {  	[tilespmem:s21+$0x1C700] =	vst v16;
	v16 =	vld.idx.msk [tilespmem:v17+s8+$0x0], $0xffff;
	s6 =	sadd.s32 $0x80, s16;
	s1 =	sshll.u32 s1, $0x6  }
0x4b3: {  	s7 =	sor.u32 $0xB0, s9;
	[tilespmem:s20+$0x1C700] =	vst v22;
	s1 =	sadd.s32 s1, s6  }
0x4b4: {  	[tilespmem:s7+$0x1C700] =	vst v20;
	s6 =	sor.u32 $0x80, s1  }
0x4b5: {  	v17 =	vld.idx.msk [tilespmem:v18+s8+$0x0], $0xffff;
	s25 =	sor.u32 $0x90, s1;
	[tilespmem:s6+$0x1C700] =	vst v19  }
0x4b6: {  	s26 =	sor.u32 $0xA0, s1;
	[tilespmem:s25+$0x1C700] =	vst v21  }
0x4b7: {  	[tilespmem:s26+$0x1C700] =	vst v16  }
0x4b8: {  	s6 =	rddreg [dreg:$0x1a]  }
0x4b9: {  	s9 =	simm.s32 $0x1C780;
	s1 =	sor.u32 $0xB0, s1;
	s7 =	sadd.s32 s15, s6  }
0x4ba: {  	s16 =	simm.s32 $0x80;
	s18 =	simm.s32 $0x1C880;
	[tilespmem:s1+$0x1C700] =	vst v17;
	s19 =	sadd.s32 $0x0, s7  }
.LBB2_43:
0x4bb: {  	[hbm4b:s19+s8] =	stream.linear.scatter [tilespmem:s9], [sflag:$0x4], $0x80, $0x38;
	[tilespmem:$0x1F900] =	vst v63  }
0x4bc: {  	s1 =	smov.u32 s16;
	s9 =	smov.u32 s18;
	p1 =	sne.s32 s16, $0xF80  }
.Ltmp20:
0x4bd: {  	s16 =	sadd.s32 $0x80, s16;
	(pc) =	sbr.rel @p1 .LBB2_43-.Ltmp20, $2  }
0x4be: {  	_ =	sdelay $0x2  }
0x4bf: {  	s18 =	sadd.s32 $0x100, s18;
	s19 =	sadd.s32 s1, s7  }
0x4c0: {  	[hbm4b:s19+s8] =	stream.linear.scatter [tilespmem:s9], [sflag:$0x4], $0x80, $0x38;
	[tilespmem:$0x1F900] =	vst v63  }
0x4c1: {  	_ =	swait.ge [sflag:s11], $0x1000  }
0x4c2: {  	[sflag:s11] =	ssyncset.done $0x0  }
0x4c3: {  	s1 =	simm.s32 $0x1A730;
	s16 =	simm.s32 $0x0;
	[sflag:s11] =	ssyncadd.s32 $0xFFFFF000  }
0x4c4: {  	s6 =	sand.u32 $0xFC0, s16;
	v16 =	vld [tilespmem:s1+$0xFFFFFFE0]  }
0x4c5: {  	v18 =	vld [tilespmem:s6+$0x1A700]  }
0x4c6: {  	v19 =	vld [tilespmem:s1+$0xFFFFFFF0]  }
0x4c7: {  	v24 =	vld [tilespmem:s1+$0x0]  }
0x4c8: {  	s24 =	simm.s32 $0x1A770  }
0x4c9: {  	s18 =	simm.s32 $0x40;
	v21 =	vld [tilespmem:s24+$0xFFFFFFE0]  }
0x4ca: {  	s25 =	sand.u32 $0xFC0, s18;
	v17 =	vld [tilespmem:s24+$0xFFFFFFF0]  }
0x4cb: {  	v20 =	vld [tilespmem:s25+$0x1A700]  }
0x4cc: {  	v16 =	vld.idx.msk [tilespmem:v16+s8+$0x0], $0xffff  }
0x4cd: {  	v23 =	vld.idx.msk [tilespmem:v18+s8+$0x0], $0xffff  }
0x4ce: {  	v22 =	vld.idx.msk [tilespmem:v19+s8+$0x0], $0xffff  }
0x4cf: {  	s19 =	simm.s32 $0x4;
	v18 =	vld.idx.msk [tilespmem:v24+s8+$0x0], $0xffff  }
0x4d0: {  	s20 =	simm.s32 $0x1A7B0;
	s26 =	sand.u32 $0x40, s16;
	s7 =	sand.u32 $0x1F00, s16;
	v19 =	vld [tilespmem:s24+$0x0]  }
0x4d1: {  	s22 =	simm.s32 $0x1E800;
	s9 =	sor.u32 s26, s7;
	s7 =	simm.s32 $0x40  }
.LBB2_45:
0x4d2: {  	v24 =	vld [tilespmem:s20+$0xFFFFFFE0];
	s1 =	sadd.s32 $0x1C700, s9;
	[tilespmem:s9+$0x1C700] =	vst v23  }
0x4d3: {  	v25 =	vld [tilespmem:s20+$0xFFFFFFF0];
	[tilespmem:s1+$0x10] =	vst v16  }
0x4d4: {  	s18 =	sadd.s32 $0x40, s18;
	s19 =	sadd.s32 $0x4, s19;
	v16 =	vld.idx.msk [tilespmem:v21+s8+$0x0], $0xffff;
	[tilespmem:s1+$0x20] =	vst v22  }
0x4d5: {  	s6 =	sand.u32 $0xFC0, s18;
	p1 =	slt.u32 s19, $0xFC;
	v23 =	vld.idx.msk [tilespmem:v20+s8+$0x0], $0xffff;
	[tilespmem:s1+$0x30] =	vst v18  }
.Ltmp21:
0x4d6: {  	v20 =	vld [tilespmem:s6+$0x1A700];
	(pc) =	sbr.rel @p1 .LBB2_45-.Ltmp21, $4  }
0x4d7: {  	v22 =	vld.idx.msk [tilespmem:v17+s8+$0x0], $0xffff;
	v21 =	vmov v24  }
0x4d8: {  	s16 =	sadd.s32 $0x80, s16;
	v18 =	vld.idx.msk [tilespmem:v19+s8+$0x0], $0xffff;
	v17 =	vmov v25  }
0x4d9: {  	s1 =	sand.u32 $0x40, s7;
	s7 =	smov.u32 s18;
	s6 =	sand.u32 $0x1F00, s16;
	v19 =	vld [tilespmem:s20+$0x0]  }
0x4da: {  	s9 =	sor.u32 s1, s6;
	s20 =	sadd.s32 $0x40, s20  }
0x4db: {  	_ =	sdelay $0x3  }
0x4dc: {  	v20 =	vld.idx.msk [tilespmem:v20+s8+$0x0], $0xffff  }
0x4dd: {  	s1 =	sadd.s32 $0x1C700, s9;
	[tilespmem:s9+$0x1C700] =	vst v23;
	v21 =	vld.idx.msk [tilespmem:v21+s8+$0x0], $0xffff  }
0x4de: {  	s6 =	sadd.s32 $0x80, s16;
	[tilespmem:s1+$0x10] =	vst v16;
	v16 =	vld.idx.msk [tilespmem:v17+s8+$0x0], $0xffff  }
0x4df: {  	s7 =	sand.u32 $0x40, s7;
	[tilespmem:s1+$0x20] =	vst v22;
	s6 =	sand.u32 $0x1F00, s6  }
0x4e0: {  	[tilespmem:s1+$0x30] =	vst v18;
	s26 =	sor.u32 s7, s6  }
0x4e1: {  	v17 =	vld.idx.msk [tilespmem:v19+s8+$0x0], $0xffff;
	s6 =	sadd.s32 $0x1C700, s26;
	[tilespmem:s26+$0x1C700] =	vst v20  }
0x4e2: {  	[tilespmem:s6+$0x10] =	vst v21  }
0x4e3: {  	[tilespmem:s6+$0x20] =	vst v16  }
0x4e4: {  	s1 =	rddreg [dreg:$0x1b]  }
0x4e5: {  	s9 =	simm.s32 $0x1C700;
	s7 =	sadd.s32 s15, s1  }
0x4e6: {  	s16 =	simm.s32 $0x80;
	s18 =	simm.s32 $0x1C800;
	[tilespmem:s6+$0x30] =	vst v17;
	s19 =	sadd.s32 $0x0, s7  }
.LBB2_47:
0x4e7: {  	[hbm4b:s19+s8] =	stream.linear.scatter [tilespmem:s9], [sflag:$0x3], $0x80, $0x38;
	[tilespmem:$0x1F900] =	vst v63  }
0x4e8: {  	s1 =	smov.u32 s16;
	s9 =	smov.u32 s18;
	p1 =	sne.s32 s16, $0xF80  }
.Ltmp22:
0x4e9: {  	s16 =	sadd.s32 $0x80, s16;
	(pc) =	sbr.rel @p1 .LBB2_47-.Ltmp22, $2  }
0x4ea: {  	_ =	sdelay $0x2  }
0x4eb: {  	s18 =	sadd.s32 $0x100, s18;
	s19 =	sadd.s32 s1, s7  }
0x4ec: {  	[hbm4b:s19+s8] =	stream.linear.scatter [tilespmem:s9], [sflag:$0x3], $0x80, $0x38;
	[tilespmem:$0x1F900] =	vst v63  }
0x4ed: {  	_ =	swait.ge [sflag:s12], $0x1000  }
0x4ee: {  	[sflag:s12] =	ssyncset.done $0x0  }
0x4ef: {  	s1 =	simm.s32 $0x1B730;
	s16 =	simm.s32 $0x0;
	[sflag:s12] =	ssyncadd.s32 $0xFFFFF000  }
0x4f0: {  	s6 =	sand.u32 $0xFC0, s16;
	v16 =	vld [tilespmem:s1+$0xFFFFFFE0]  }
0x4f1: {  	v18 =	vld [tilespmem:s6+$0x1B700]  }
0x4f2: {  	v20 =	vld [tilespmem:s1+$0xFFFFFFF0]  }
0x4f3: {  	v24 =	vld [tilespmem:s1+$0x0]  }
0x4f4: {  	s24 =	simm.s32 $0x1B770  }
0x4f5: {  	s18 =	simm.s32 $0x40;
	v21 =	vld [tilespmem:s24+$0xFFFFFFE0]  }
0x4f6: {  	s25 =	sand.u32 $0xFC0, s18;
	v17 =	vld [tilespmem:s24+$0xFFFFFFF0]  }
0x4f7: {  	v19 =	vld [tilespmem:s25+$0x1B700]  }
0x4f8: {  	v16 =	vld.idx.msk [tilespmem:v16+s8+$0x0], $0xffff  }
0x4f9: {  	p1 =	por $0x0, $0x0;
	s7 =	simm.s32 $0x1;
	v23 =	vld.idx.msk [tilespmem:v18+s8+$0x0], $0xffff  }
0x4fa: {  	s7 =	simm.s32 @!p1 $0x0;
	v22 =	vld.idx.msk [tilespmem:v20+s8+$0x0], $0xffff  }
0x4fb: {  	s26 =	sshll.u32 s7, $0x6;
	v20 =	vld.idx.msk [tilespmem:v24+s8+$0x0], $0xffff  }
0x4fc: {  	s19 =	simm.s32 $0x1B7B0;
	s7 =	simm.s32 $0x4;
	s9 =	sadd.s32 $0x0, s26;
	v18 =	vld [tilespmem:s24+$0x0]  }
0x4fd: {  	s23 =	sor.u32 $0x80, s9;
	s21 =	sor.u32 $0x90, s9;
	s20 =	sor.u32 $0xA0, s9  }
.LBB2_49:
0x4fe: {  	v24 =	vld [tilespmem:s19+$0xFFFFFFE0];
	[tilespmem:s23+$0x1C700] =	vst v23;
	s1 =	sor.u32 $0xB0, s9  }
0x4ff: {  	v25 =	vld [tilespmem:s19+$0xFFFFFFF0];
	[tilespmem:s21+$0x1C700] =	vst v16  }
0x500: {  	s18 =	sadd.s32 $0x40, s18;
	s7 =	sadd.s32 $0x4, s7;
	v16 =	vld.idx.msk [tilespmem:v21+s8+$0x0], $0xffff;
	[tilespmem:s20+$0x1C700] =	vst v22  }
0x501: {  	s6 =	sand.u32 $0xFC0, s18;
	p2 =	slt.u32 s7, $0xFC;
	v23 =	vld.idx.msk [tilespmem:v19+s8+$0x0], $0xffff;
	[tilespmem:s1+$0x1C700] =	vst v20  }
.Ltmp23:
0x502: {  	p1 =	por !p1, !p1;
	s1 =	simm.s32 $0x1;
	v19 =	vld [tilespmem:s6+$0x1B700];
	(pc) =	sbr.rel @p2 .LBB2_49-.Ltmp23, $4  }
0x503: {  	s1 =	simm.s32 @!p1 $0x0;
	v22 =	vld.idx.msk [tilespmem:v17+s8+$0x0], $0xffff;
	v21 =	vmov v24  }
0x504: {  	s16 =	sadd.s32 $0x80, s16;
	s1 =	sshll.u32 s1, $0x6;
	v20 =	vld.idx.msk [tilespmem:v18+s8+$0x0], $0xffff;
	v17 =	vmov v25  }
0x505: {  	s9 =	sadd.s32 s1, s16;
	v18 =	vld [tilespmem:s19+$0x0];
	s19 =	sadd.s32 $0x40, s19  }
0x506: {  	s23 =	sor.u32 $0x80, s9;
	s21 =	sor.u32 $0x90, s9;
	s20 =	sor.u32 $0xA0, s9  }
0x507: {  	_ =	sdelay $0x3  }
0x508: {  	v19 =	vld.idx.msk [tilespmem:v19+s8+$0x0], $0xffff;
	p1 =	por !p1, !p1;
	s1 =	simm.s32 $0x1  }
0x509: {  	[tilespmem:s23+$0x1C700] =	vst v23;
	v21 =	vld.idx.msk [tilespmem:v21+s8+$0x0], $0xffff;
	s1 =	simm.s32 @!p1 $0x0  }
0x50a: {  	[tilespmem:s21+$0x1C700] =	vst v16;
	v16 =	vld.idx.msk [tilespmem:v17+s8+$0x0], $0xffff;
	s6 =	sadd.s32 $0x80, s16;
	s1 =	sshll.u32 s1, $0x6  }
0x50b: {  	s7 =	sor.u32 $0xB0, s9;
	[tilespmem:s20+$0x1C700] =	vst v22;
	s1 =	sadd.s32 s1, s6  }
0x50c: {  	[tilespmem:s7+$0x1C700] =	vst v20;
	s6 =	sor.u32 $0x80, s1  }
0x50d: {  	v17 =	vld.idx.msk [tilespmem:v18+s8+$0x0], $0xffff;
	s25 =	sor.u32 $0x90, s1;
	[tilespmem:s6+$0x1C700] =	vst v19  }
0x50e: {  	s26 =	sor.u32 $0xA0, s1;
	[tilespmem:s25+$0x1C700] =	vst v21  }
0x50f: {  	[tilespmem:s26+$0x1C700] =	vst v16  }
0x510: {  	s6 =	rddreg [dreg:$0x1c]  }
0x511: {  	s9 =	simm.s32 $0x1C780;
	s1 =	sor.u32 $0xB0, s1;
	s7 =	sadd.s32 s15, s6  }
0x512: {  	s16 =	simm.s32 $0x1C880;
	s15 =	simm.s32 $0x80;
	[tilespmem:s1+$0x1C700] =	vst v17;
	s18 =	sadd.s32 $0x0, s7  }
.LBB2_51:
0x513: {  	[hbm4b:s18+s8] =	stream.linear.scatter [tilespmem:s9], [sflag:$0x4], $0x80, $0x38;
	[tilespmem:$0x1F900] =	vst v63  }
0x514: {  	s1 =	smov.u32 s15;
	s9 =	smov.u32 s16;
	p1 =	sne.s32 s15, $0xF80  }
.Ltmp24:
0x515: {  	s15 =	sadd.s32 $0x80, s15;
	(pc) =	sbr.rel @p1 .LBB2_51-.Ltmp24, $2  }
0x516: {  	_ =	sdelay $0x2  }
0x517: {  	s16 =	sadd.s32 $0x100, s16;
	s18 =	sadd.s32 s1, s7  }
0x518: {  	[hbm4b:s18+s8] =	stream.linear.scatter [tilespmem:s9], [sflag:$0x4], $0x80, $0x38;
	[tilespmem:$0x1F900] =	vst v63  }
0x519: {  	s13 =	sadd.s32 $0x1, s13  }
0x51a: {  	_ =	swait.ge [sflag:s11], $0x1000;
	p1 =	sne.s32 s13, $0xD  }
.Ltmp25:
0x51b: {  	[sflag:s11] =	ssyncset.done $0x0;
	(pc) =	sbr.rel @p1 .LBB2_2-.Ltmp25, $4  }
0x51c: {  	[sflag:s11] =	ssyncadd.s32 $0xFFFFF000  }
0x51d: {  	_ =	swait.ge [sflag:s12], $0x1000  }
0x51e: {  	[sflag:s12] =	ssyncset.done $0x0  }
0x51f: {  	[sflag:s12] =	ssyncadd.s32 $0xFFFFF000  }
0x520: {  	s6 =	rddreg [dreg:$0x1d]  }
0x521: {  	s1 =	rddreg [dreg:$0xf];
	s6 =	sadd.s32 $0x1, s6  }
0x522: {  	p1 =	sne.s32 s6, s1  }
.Ltmp26:
0x523: {  	_ = 	snop;
	(pc) =	sbr.rel @p1 .LBB2_1-.Ltmp26, $1  }
0x524: {  	_ =	sdelay $0x3  }
0x525: {  	_ =	sfence.sel $0x180000  }
0x526: {  	[bflag:$0x0] =	sbarrier.arrive $0xFFFF  }
0x527: {  	_ =	strace $0x90000047  }
0x528: {  	s0 =	stileid.u32;
	[bflag:$0x2] =	sbarrier.arrive $0xFFFF  }
0x529: {  	p0 =	sne.s32 s0, $0x0;
	s0 =	rddreg [dreg:$0x6]  }
0x52a: {  	s0 =	sadd.s32 @!p0 $0x100000, s0  }
0x52b: {  	[sflag:s0] =	ssyncadd.tile.s32 @!p0 $0x1;
	_ =	shalt  }
.Lfunc_end2:
_tile_overlayer_lowered:
.L_overlay_start_2:
0x52c: {  	(tag) =	ssettag $0x2  }
0x52d: {  	s0 =	rddreg [dreg:$0x0];
	s2 =	stileid.u32  }
0x52e: {  	s1 =	rddreg [dreg:$0x1];
	p0 =	sne.s32 s2, $0x0  }
0x52f: {  	s3 =	rddreg [dreg:$0x2];
	[bflag:$0x3] =	sbarrier.arrive $0xFFFF;
	s2 =	simm.s32 @!p0 $0x1C07  }
0x530: {  	[timem:s3], [sflag:s2] =	dma.local @!p0 [hbm:s0], s1  }
0x531: {  	s0 =	simm.s32 @!p0 $0x7  }
0x532: {  	_ =	swait.ge @!p0 [sflag:s0], s1  }
0x533: {  	s1 =	ssub.s32 @!p0 $0x0, s1;
	[sflag:s0] =	ssyncset.done @!p0 $0x0  }
0x534: {  	[sflag:s0] =	ssyncadd.s32 @!p0 s1  }
0x535: {  	[bflag:$0x3] =	sbarrier.arrive $0xFFFF  }
0x536: {  	_ =	shalt  }

</sc_bundles>
